<compile_context>
chip_gen: v7x
topology: tpu7x:2x2x1
jax: 0.10.2.dev20260603
libtpu: 0.0.44.dev20260713+nightly
codegen_flags: <defaults>
</compile_context>

<pallas_src>
import functools

import jax
import jax.numpy as jnp
from jax import lax
from jax.experimental import pallas as pl
from jax.experimental.pallas import tpu as pltpu
from jax.experimental.pallas import tpu_sc as plsc

N = 10000
E = 320000
D = 128

NTILES = 32
ROWS = 320
NPAD = NTILES * ROWS // 1 * 1
EB = 800
NBLK = E // EB
G = 16

EA = E // NTILES
NPADP = NPAD + 16
SEG = NPAD // 16

_mesh = plsc.VectorSubcoreMesh(core_axis_name="c", subcore_axis_name="s")



def _deg_body(dst_hbm, out_deg, dst_v, acc_v, tmp_v, seg_v, hist_sh):
    c = lax.axis_index("c")
    s = lax.axis_index("s")
    wid = s * 2 + c
    zero16f = jnp.zeros((16,), jnp.float32)

    def z(i, carry):
        acc_v[pl.ds(i * 16, 16)] = zero16f
        return carry

    lax.fori_loop(0, NPADP // 16, z, 0)
    pltpu.sync_copy(dst_hbm.at[pl.ds(wid * EA, EA)], dst_v)
    e0 = (lax.iota(jnp.int32, 16) == 0).astype(jnp.float32)

    def per16(i, carry):
        dv = dst_v[pl.ds(i * 16, 16)]
        for k in range(16):
            d = dv[k]
            acc_v[pl.ds(d, 16)] = acc_v[pl.ds(d, 16)] + e0
        return carry

    lax.fori_loop(0, EA // 16, per16, 0)
    pltpu.sync_copy(acc_v, hist_sh.at[s])
    plsc.subcore_barrier()

    def zs(i, carry):
        seg_v[pl.ds(i * 16, 16)] = zero16f
        return carry

    lax.fori_loop(0, SEG // 16, zs, 0)
    for t in range(16):
        pltpu.sync_copy(hist_sh.at[t, pl.ds(s * SEG, SEG)], tmp_v)

        def add1(i, carry):
            seg_v[pl.ds(i * 16, 16)] = (seg_v[pl.ds(i * 16, 16)]
                                        + tmp_v[pl.ds(i * 16, 16)])
            return carry

        lax.fori_loop(0, SEG // 16, add1, 0)
    pltpu.sync_copy(seg_v, out_deg.at[pl.ds(c * NPAD + s * SEG, SEG)])


def _deg_stage(dst):
    k = pl.kernel(
        _deg_body,
        mesh=_mesh,
        compiler_params=pltpu.CompilerParams(needs_layout_passes=False),
        out_type=jax.ShapeDtypeStruct((2 * NPAD,), jnp.float32),
        scratch_types=[
            pltpu.VMEM((EA,), jnp.int32),
            pltpu.VMEM((NPADP,), jnp.float32),
            pltpu.VMEM((SEG,), jnp.float32),
            pltpu.VMEM((SEG,), jnp.float32),
            pltpu.VMEM_SHARED((16, NPADP), jnp.float32),
        ],
    )
    return k(dst)



def _seg_body(ei_hbm, xz_hbm, out_sum, out_max,
              ei_v, msrc_v, mdl_v, rows_v, accs_v, accm_v, sem):
    c = lax.axis_index("c")
    s = lax.axis_index("s")
    wid = s * 2 + c
    lo = wid * ROWS

    zero16f = jnp.zeros((16,), jnp.float32)
    ninf16 = jnp.full((16,), -jnp.inf, jnp.float32)

    def z1(i, carry):
        accs_v[pl.ds(i * 16, 16)] = zero16f
        return carry

    lax.fori_loop(0, ROWS * 256 // 16, z1, 0)

    def z2(i, carry):
        accm_v[pl.ds(i * 16, 16)] = ninf16
        return carry

    lax.fori_loop(0, ROWS * 128 // 16, z2, 0)

    def blk(b, carry):
        pltpu.sync_copy(ei_hbm.at[pl.ds(b * 2 * EB, 2 * EB)], ei_v)

        def filt(i, off):
            sv = ei_v[pl.ds(i * 16, 16)]
            dv = ei_v[pl.ds(EB + i * 16, 16)]
            msk = (dv >= lo) & (dv < lo + ROWS)
            cnt = jnp.sum(msk.astype(jnp.int32))

            @pl.when(cnt > 0)
            def _():
                pk = jnp.where(msk, sv * 1024 + (dv - lo), 0)
                key = jnp.where(msk, 0, 1)
                _, pks = plsc.sort_key_val(key, pk)
                msrc_v[pl.ds(off, 16)] = pks >> 10
                mdl_v[pl.ds(off, 16)] = pks & 1023

            return off + cnt

        m = lax.fori_loop(0, EB // 16, filt, jnp.int32(0))
        nch = (m + G - 1) // G

        def chunk(cc, carry2):
            idxv = msrc_v[pl.ds(cc * G, 16)]
            pltpu.async_copy(xz_hbm.at[idxv], rows_v, sem).wait()
            nin = jnp.minimum(m - cc * G, G)

            def one(jj, carry3):
                dl = mdl_v[pl.ds(cc * G + jj, 16)][0]
                for k in range(8):
                    r = rows_v[jj, pl.ds(k * 16, 16)]
                    plsc.addupdate(accs_v.at[pl.ds(dl * 256 + k * 16, 16)], r)
                    mo = accm_v[pl.ds(dl * 128 + k * 16, 16)]
                    accm_v[pl.ds(dl * 128 + k * 16, 16)] = jnp.maximum(mo, r)
                for k in range(8, 16):
                    r = rows_v[jj, pl.ds(k * 16, 16)]
                    plsc.addupdate(accs_v.at[pl.ds(dl * 256 + k * 16, 16)], r)
                return carry3

            lax.fori_loop(0, nin, one, 0)
            return carry2

        lax.fori_loop(0, nch, chunk, 0)
        return carry

    lax.fori_loop(0, NBLK, blk, 0)

    pltpu.sync_copy(accs_v, out_sum.at[pl.ds(lo * 256, ROWS * 256)])
    pltpu.sync_copy(accm_v, out_max.at[pl.ds(lo * 128, ROWS * 128)])


def _seg_stage(ei, xz):
    k = pl.kernel(
        _seg_body,
        mesh=_mesh,
        compiler_params=pltpu.CompilerParams(needs_layout_passes=False),
        out_type=(
            jax.ShapeDtypeStruct((NPAD * 256,), jnp.float32),
            jax.ShapeDtypeStruct((NPAD * 128,), jnp.float32),
        ),
        scratch_types=[
            pltpu.VMEM((2 * EB,), jnp.int32),
            pltpu.VMEM((EB + 16,), jnp.int32),
            pltpu.VMEM((EB + 16,), jnp.int32),
            pltpu.VMEM((G, 256), jnp.float32),
            pltpu.VMEM((ROWS * 256,), jnp.float32),
            pltpu.VMEM((ROWS * 128,), jnp.float32),
            pltpu.SemaphoreType.DMA,
        ],
    )
    return k(ei, xz)



def _prep_body(dega_ref, degb_ref, x_ref, xz_ref, dinv_ref, smean_ref):
    deg = dega_ref[...] + degb_ref[...]
    dinv = lax.rsqrt(deg + 1.0)
    xv = x_ref[...]
    xz_ref[:, :D] = xv
    xz_ref[:, D:] = xv * dinv
    dinv_ref[...] = dinv
    smean_ref[...] = 1.0 / jnp.maximum(deg, 1.0)


def _prep_stage(dega, degb, xpad):
    B = 1024
    grid = (NPAD // B,)
    col1 = pl.BlockSpec((B, 1), lambda i: (i, 0))
    return pl.pallas_call(
        _prep_body,
        grid=grid,
        in_specs=[col1, col1, pl.BlockSpec((B, D), lambda i: (i, 0))],
        out_specs=[pl.BlockSpec((B, 2 * D), lambda i: (i, 0)), col1, col1],
        out_shape=[
            jax.ShapeDtypeStruct((NPAD, 2 * D), jnp.float32),
            jax.ShapeDtypeStruct((NPAD, 1), jnp.float32),
            jax.ShapeDtypeStruct((NPAD, 1), jnp.float32),
        ],
    )(dega, degb, xpad)


def _elu(h):
    return jnp.where(h > 0, h, jnp.exp(jnp.minimum(h, 0.0)) - 1.0)


def _dense_body(wmix_ref, x_ref, s_ref, mx_ref, dinv_ref, smean_ref,
                Wmlp, bmlp, Wsx, Wsm, bs, Wtx, Wtm, bt, Wux, Wum, bu,
                Wg, bg, Wg1, bg1, Wg2, bg2, out_ref):
    x = x_ref[...]
    msum = s_ref[:, :D]
    gsum = s_ref[:, D:]
    dinv = dinv_ref[...]
    mean = msum * smean_ref[...]
    mxv = mx_ref[...]
    mxv = jnp.where(mxv > -1e30, mxv, 0.0)
    agg = gsum * dinv + x * (dinv * dinv)
    f32 = jnp.float32
    h0 = jnp.dot(x, Wmlp[...], preferred_element_type=f32) + bmlp[...]
    h1 = (jnp.dot(x, Wsx[...], preferred_element_type=f32)
          + jnp.dot(mean, Wsm[...], preferred_element_type=f32) + bs[...])
    h2 = (jnp.dot(x, Wtx[...], preferred_element_type=f32)
          + jnp.dot(msum, Wtm[...], preferred_element_type=f32) + bt[...])
    h3 = (jnp.dot(x, Wux[...], preferred_element_type=f32)
          + jnp.dot(mxv, Wum[...], preferred_element_type=f32) + bu[...])
    h4 = jnp.dot(agg, Wg[...], preferred_element_type=f32) + bg[...]
    g = jnp.maximum(jnp.dot(x + msum, Wg1[...], preferred_element_type=f32) + bg1[...], 0.0)
    h5 = jnp.dot(g, Wg2[...], preferred_element_type=f32) + bg2[...]
    w = wmix_ref[...]
    out_ref[...] = (w[0, 0] * _elu(h0) + w[0, 1] * _elu(h1) + w[0, 2] * _elu(h2)
                    + w[0, 3] * _elu(h3) + w[0, 4] * _elu(h4) + w[0, 5] * _elu(h5))


def _dense_stage(wmix, x, S, MX, dinv, smean, *weights):
    B = 1000
    grid = (N // B,)
    row = pl.BlockSpec((B, D), lambda i: (i, 0))
    row2 = pl.BlockSpec((B, 2 * D), lambda i: (i, 0))
    col1 = pl.BlockSpec((B, 1), lambda i: (i, 0))
    full = lambda a: pl.BlockSpec(a.shape, lambda i: (0,) * a.ndim)
    wspecs = [full(w) for w in weights]
    return pl.pallas_call(
        _dense_body,
        grid=grid,
        in_specs=[full(wmix), row, row2, row, col1, col1] + wspecs,
        out_specs=row,
        out_shape=jax.ShapeDtypeStruct((N, D), jnp.float32),
    )(wmix, x, S, MX, dinv, smean, *weights)



def kernel(x, weights, edge_index, W_mlp, b_mlp, W_sage, b_sage, W_ssum, b_ssum,
           W_smax, b_smax, W_gcn, b_gcn, W_gin1, b_gin1, W_gin2, b_gin2):
    src = edge_index[0]
    dst = edge_index[1]

    deg_flat = _deg_stage(dst)
    dega = deg_flat[:NPAD].reshape(NPAD, 1)
    degb = deg_flat[NPAD:].reshape(NPAD, 1)

    xpad = jnp.pad(x, ((0, NPAD - N), (0, 0)))
    xz, dinv, smean = _prep_stage(dega, degb, xpad)

    eflat = edge_index.reshape(2, NBLK, EB).transpose(1, 0, 2).reshape(-1)
    sums_flat, mx_flat = _seg_stage(eflat, xz)
    S = sums_flat.reshape(NPAD, 2 * D)
    MX = mx_flat.reshape(NPAD, D)

    wmix = jnp.zeros((1, 128), jnp.float32).at[0, :6].set(weights)
    b = lambda v: v.reshape(1, D)
    return _dense_stage(wmix, x, S, MX, dinv, smean,
                        W_mlp, b(b_mlp),
                        W_sage[:D], W_sage[D:], b(b_sage),
                        W_ssum[:D], W_ssum[D:], b(b_ssum),
                        W_smax[:D], W_smax[D:], b(b_smax),
                        W_gcn, b(b_gcn),
                        W_gin1, b(b_gin1),
                        W_gin2, b(b_gin2))

# --- scband reference (transcript-rebuilt; emitter-appended) ---
"""Pipeline reference for scband-na-mixed-op-446676599404 (READ-ONLY COPY).

The authoritative reference and input builder live on the scoring server;
editing this copy changes nothing except your own understanding.
"""

import jax, jax.numpy as jnp
import numpy as np

N = 10000
E = 320000
D = 128

def setup_inputs(seed: int = 0) -> dict:
    key = jax.random.key(seed)
    ks = jax.random.split(key, 18)
    rng = np.random.default_rng(0)
    x = jax.random.normal(ks[0], (N, D), dtype=jnp.float32)
    weights = jax.random.uniform(ks[1], (6,), dtype=jnp.float32)
    edge_index = jnp.asarray(rng.integers(0, N, size=(2, E)), dtype=jnp.int32)
    def lin(k, fi, fo):
        return jax.random.normal(k, (fi, fo), dtype=jnp.float32) / np.sqrt(fi)
    inp = dict(x=x, weights=weights, edge_index=edge_index)
    inp['W_mlp'] = lin(ks[2], D, D);        inp['b_mlp'] = jnp.zeros((D,), jnp.float32)
    inp['W_sage'] = lin(ks[3], 2 * D, D);   inp['b_sage'] = jnp.zeros((D,), jnp.float32)
    inp['W_ssum'] = lin(ks[4], 2 * D, D);   inp['b_ssum'] = jnp.zeros((D,), jnp.float32)
    inp['W_smax'] = lin(ks[5], 2 * D, D);   inp['b_smax'] = jnp.zeros((D,), jnp.float32)
    inp['W_gcn'] = lin(ks[6], D, D);        inp['b_gcn'] = jnp.zeros((D,), jnp.float32)
    inp['W_gin1'] = lin(ks[7], D, D);       inp['b_gin1'] = jnp.zeros((D,), jnp.float32)
    inp['W_gin2'] = lin(ks[8], D, D);       inp['b_gin2'] = jnp.zeros((D,), jnp.float32)
    return inp

def reference(x, weights, edge_index, W_mlp, b_mlp, W_sage, b_sage, W_ssum, b_ssum, W_smax, b_smax, W_gcn, b_gcn, W_gin1, b_gin1, W_gin2, b_gin2):
    src = edge_index[0]
    dst = edge_index[1]
    deg = jax.ops.segment_sum(jnp.ones((E,), jnp.float32), dst, num_segments=N)
    xs = x[src]
    msum = jax.ops.segment_sum(xs, dst, num_segments=N)
    # op 0: mlp
    h_mlp = x @ W_mlp + b_mlp
    # op 1: sage (mean aggregation, concat root)
    mean = msum / jnp.clip(deg, 1.0)[:, None]
    h_sage = jnp.concatenate([x, mean], axis=1) @ W_sage + b_sage
    # op 2: sage_sum
    h_ssum = jnp.concatenate([x, msum], axis=1) @ W_ssum + b_ssum
    # op 3: sage_max
    mx = jax.ops.segment_max(xs, dst, num_segments=N)
    mx = jnp.where(jnp.isfinite(mx), mx, 0.0)
    h_smax = jnp.concatenate([x, mx], axis=1) @ W_smax + b_smax
    # op 4: gcn (symmetric-normalized aggregation with self loops)
    dinv = 1.0 / jnp.sqrt(deg + 1.0)
    coef = dinv[src] * dinv[dst]
    agg = jax.ops.segment_sum(xs * coef[:, None], dst, num_segments=N) + x * (dinv * dinv)[:, None]
    h_gcn = agg @ W_gcn + b_gcn
    # op 5: gin_0 ((1+eps)*x + sum_neigh -> 2-layer MLP), eps=0
    s = x + msum
    h_gin = jax.nn.relu(s @ W_gin1 + b_gin1) @ W_gin2 + b_gin2
    hs = [h_mlp, h_sage, h_ssum, h_smax, h_gcn, h_gin]
    out = jnp.zeros((N, D), jnp.float32)
    for i, h in enumerate(hs):
        out = out + weights[i] * jax.nn.elu(h)
    return out

if __name__ == "__main__":
    import jax
    _d = setup_inputs()
    print(jax.jit(kernel)(*tuple(_d.values())))

</pallas_src>

<mosaic_0001>
#map = affine_map<(d0, d1) -> (0)>
#map1 = affine_map<(d0, d1) -> (0, 0)>
module attributes {stable_mosaic.version = 14 : i64} {
  func.func @_seg_body(%arg0: i32, %arg1: i32, %arg2: memref<640000xi32, #tpu.memory_space<hbm>>, %arg3: memref<10240x256xf32, #tpu.memory_space<hbm>>, %arg4: memref<2621440xf32, #tpu.memory_space<hbm>>, %arg5: memref<1310720xf32, #tpu.memory_space<hbm>>, %arg6: memref<1600xi32, #tpu.memory_space<vmem>>, %arg7: memref<816xi32, #tpu.memory_space<vmem>>, %arg8: memref<816xi32, #tpu.memory_space<vmem>>, %arg9: memref<16x256xf32, #tpu.memory_space<vmem>>, %arg10: memref<81920xf32, #tpu.memory_space<vmem>>, %arg11: memref<40960xf32, #tpu.memory_space<vmem>>, %arg12: memref<!tpu.dma_semaphore, #tpu.memory_space<semaphore_mem>>) attributes {dimension_semantics = [#tpu.dimension_semantics<core_parallel>, #tpu.dimension_semantics<subcore_parallel>], iteration_bounds = array<i64: 2, 16>, scalar_prefetch = 0 : i64, scratch_operands = 7 : i64, tpu.core_type = #tpu.core_type<sc_vector_subcore>, window_params = [{transform_indices = #map}, {transform_indices = #map1}, {transform_indices = #map}, {transform_indices = #map}]} {
    %mul3A = arith.constant 2 : i32
    %mul3A_0 = arith.muli %arg1, %mul3A : i32
    %add3A = arith.addi %mul3A_0, %arg0 : i32
    %mul3A_1 = arith.constant 320 : i32
    %mul3A_2 = arith.muli %add3A, %mul3A_1 : i32
    %broadcast_in_dim3A = arith.constant 0.000000e+00 : f32
    %broadcast_in_dim3A_3 = vector.broadcast %broadcast_in_dim3A : f32 to vector<16xf32>
    %broadcast_in_dim3A_4 = arith.constant 0xFF800000 : f32
    %broadcast_in_dim3A_5 = vector.broadcast %broadcast_in_dim3A_4 : f32 to vector<16xf32>
    %scan3A = arith.constant 0 : i32
    %scan3A_6 = arith.constant 0 : i32
    %scan3A_7 = arith.constant 5120 : i32
    %scan3A_8 = arith.addi %scan3A_6, %scan3A_7 : i32
    %scan3A_9 = arith.constant 1 : i32
    scf.for %scan3A_27 = %scan3A_6 to %scan3A_8 step %scan3A_9  : i32 {
      %mul3A_28 = arith.constant 16 : i32
      %mul3A_29 = arith.muli %scan3A_27, %mul3A_28 : i32
      %swap3A = arith.index_cast %mul3A_29 : i32 to index
      %swap3A_30 = tpu.vector_load %arg10[%swap3A] {strides = array<i32>} : memref<81920xf32, #tpu.memory_space<vmem>>, vector<16xf32>,
      tpu.vector_store %arg10[%swap3A], %broadcast_in_dim3A_3 {strides = array<i32>} : memref<81920xf32, #tpu.memory_space<vmem>>, vector<16xf32>,
    }
    %scan3A_10 = arith.constant 5120 : i32
    %scan3A_11 = arith.constant 0 : i32
    %scan3A_12 = arith.constant 0 : i32
    %scan3A_13 = arith.constant 2560 : i32
    %scan3A_14 = arith.addi %scan3A_12, %scan3A_13 : i32
    %scan3A_15 = arith.constant 1 : i32
    scf.for %scan3A_27 = %scan3A_12 to %scan3A_14 step %scan3A_15  : i32 {
      %mul3A_28 = arith.constant 16 : i32
      %mul3A_29 = arith.muli %scan3A_27, %mul3A_28 : i32
      %swap3A = arith.index_cast %mul3A_29 : i32 to index
      %swap3A_30 = tpu.vector_load %arg11[%swap3A] {strides = array<i32>} : memref<40960xf32, #tpu.memory_space<vmem>>, vector<16xf32>,
      tpu.vector_store %arg11[%swap3A], %broadcast_in_dim3A_5 {strides = array<i32>} : memref<40960xf32, #tpu.memory_space<vmem>>, vector<16xf32>,
    }
    %scan3A_16 = arith.constant 2560 : i32
    %scan3A_17 = arith.constant 0 : i32
    %scan3A_18 = arith.constant 0 : i32
    %scan3A_19 = arith.constant 400 : i32
    %scan3A_20 = arith.addi %scan3A_18, %scan3A_19 : i32
    %scan3A_21 = arith.constant 1 : i32
    scf.for %scan3A_27 = %scan3A_18 to %scan3A_20 step %scan3A_21  : i32 {
      %mul3A_28 = arith.constant 2 : i32
      %mul3A_29 = arith.muli %scan3A_27, %mul3A_28 : i32
      %mul3A_30 = arith.constant 800 : i32
      %mul3A_31 = arith.muli %mul3A_29, %mul3A_30 : i32
      "tpu.region"() ({
        %run_scoped3A = tpu.sem_alloc : memref<!tpu.dma_semaphore, #tpu.memory_space<semaphore_mem>>
        %dma_start3A = tpu.memref_slice %arg2[%mul3A_31] : memref<640000xi32, #tpu.memory_space<hbm>> -> memref<1600xi32, #tpu.memory_space<hbm>>
        %dma_start3A_68 = tpu.memref_slice %arg2[%mul3A_31] : memref<640000xi32, #tpu.memory_space<hbm>> -> memref<1600xi32, #tpu.memory_space<hbm>>
        tpu.enqueue_dma source(%dma_start3A_68 : memref<1600xi32, #tpu.memory_space<hbm>>) target(%arg6 : memref<1600xi32, #tpu.memory_space<vmem>>) target_semaphore(%run_scoped3A : memref<!tpu.dma_semaphore, #tpu.memory_space<semaphore_mem>>)
        %dma_wait3A = tpu.memref_slice %arg2[%mul3A_31] : memref<640000xi32, #tpu.memory_space<hbm>> -> memref<1600xi32, #tpu.memory_space<hbm>>
        %dma_wait3A_69 = tpu.memref_slice %arg2[%mul3A_31] : memref<640000xi32, #tpu.memory_space<hbm>> -> memref<1600xi32, #tpu.memory_space<hbm>>
        tpu.wait_dma2 semaphore(%run_scoped3A : memref<!tpu.dma_semaphore, #tpu.memory_space<semaphore_mem>>) src(%dma_wait3A_69 : memref<1600xi32, #tpu.memory_space<hbm>>) dst(%arg6 : memref<1600xi32, #tpu.memory_space<vmem>>)
        tpu.yield
      }) : () -> ()
      %scan3A_32 = arith.constant 0 : i32
      %scan3A_33 = arith.constant 0 : i32
      %scan3A_34 = arith.constant 50 : i32
      %scan3A_35 = arith.addi %scan3A_33, %scan3A_34 : i32
      %scan3A_36 = arith.constant 1 : i32
      %scan3A_37 = scf.for %scan3A_68 = %scan3A_33 to %scan3A_35 step %scan3A_36 iter_args(%scan3A_69 = %scan3A_32) -> (i32)  : i32 {
        %mul3A_70 = arith.constant 16 : i32
        %mul3A_71 = arith.muli %scan3A_68, %mul3A_70 : i32
        %get3A = arith.index_cast %mul3A_71 : i32 to index
        %get3A_72 = tpu.vector_load %arg6[%get3A] {strides = array<i32>} : memref<1600xi32, #tpu.memory_space<vmem>>, vector<16xi32>,
        %mul3A_73 = arith.constant 16 : i32
        %mul3A_74 = arith.muli %scan3A_68, %mul3A_73 : i32
        %add3A_75 = arith.constant 800 : i32
        %add3A_76 = arith.addi %add3A_75, %mul3A_74 : i32
        %get3A_77 = arith.index_cast %add3A_76 : i32 to index
        %get3A_78 = tpu.vector_load %arg6[%get3A_77] {strides = array<i32>} : memref<1600xi32, #tpu.memory_space<vmem>>, vector<16xi32>,
        %ge3A = vector.broadcast %mul3A_2 : i32 to vector<16xi32>
        %ge3A_79 = arith.cmpi sge, %get3A_78, %ge3A : vector<16xi32>
        %add3A_80 = arith.constant 320 : i32
        %add3A_81 = arith.addi %mul3A_2, %add3A_80 : i32
        %lt3A = vector.broadcast %add3A_81 : i32 to vector<16xi32>
        %lt3A_82 = arith.cmpi slt, %get3A_78, %lt3A : vector<16xi32>
        %and3A_83 = arith.andi %ge3A_79, %lt3A_82 : vector<16xi1>
        %convert_element_type3A = arith.extui %and3A_83 : vector<16xi1> to vector<16xi32>
        %reduce_sum3A = arith.constant true
        %reduce_sum3A_84 = vector.broadcast %reduce_sum3A : i1 to vector<16xi1>
        %reduce_sum3A_85 = tpu.scan <sum>, %convert_element_type3A masked %reduce_sum3A_84 : vector<16xi32>, vector<16xi1> -> vector<16xi32>
        %reduce_sum3A_86 = vector.extract %reduce_sum3A_85[15] : i32 from vector<16xi32>
        %gt3A = arith.constant 0 : i32
        %gt3A_87 = arith.cmpi sgt, %reduce_sum3A_86, %gt3A : i32
        %convert_element_type3A_88 = arith.extui %gt3A_87 : i1 to i32
        %cond3A = arith.constant 0 : i32
        %cond3A_89 = arith.cmpi ne, %convert_element_type3A_88, %cond3A : i32
        scf.if %cond3A_89 {
          %mul3A_91 = arith.constant 1024 : i32
          %mul3A_92 = vector.broadcast %mul3A_91 : i32 to vector<16xi32>
          %mul3A_93 = arith.muli %get3A_72, %mul3A_92 : vector<16xi32>
          %sub3A_94 = vector.broadcast %mul3A_2 : i32 to vector<16xi32>
          %sub3A_95 = arith.subi %get3A_78, %sub3A_94 : vector<16xi32>
          %add3A_96 = arith.addi %mul3A_93, %sub3A_95 : vector<16xi32>
          %jit3A_97 = arith.constant 0 : i32
          %broadcast_in_dim3A_98 = vector.broadcast %jit3A_97 : i32 to vector<16xi32>
          %select_n3A_99 = arith.select %and3A_83, %add3A_96, %broadcast_in_dim3A_98 : vector<16xi1>, vector<16xi32>
          %jit3A_100 = arith.constant 0 : i32
          %jit3A_101 = arith.constant 1 : i32
          %broadcast_in_dim3A_102 = vector.broadcast %jit3A_100 : i32 to vector<16xi32>
          %broadcast_in_dim3A_103 = vector.broadcast %jit3A_101 : i32 to vector<16xi32>
          %select_n3A_104 = arith.select %and3A_83, %broadcast_in_dim3A_102, %broadcast_in_dim3A_103 : vector<16xi1>, vector<16xi32>
          %masked_sort3A = arith.constant dense<true> : vector<16xi1>
          %masked_sort3A_105 = arith.constant -2147483648 : i32
          %masked_sort3A_106 = vector.broadcast %masked_sort3A_105 : i32 to vector<16xi32>
          %masked_sort3A_107 = arith.xori %select_n3A_104, %masked_sort3A_106 : vector<16xi32>
          %masked_sort3A_108, %masked_sort3A_109, %masked_sort3A_110 = tpu.sort %masked_sort3A_107, %select_n3A_99 masked %masked_sort3A : (vector<16xi32>, vector<16xi32>, vector<16xi1>) -> (vector<16xi1>, vector<16xi32>, vector<16xi32>)
          %masked_sort3A_111 = arith.xori %masked_sort3A_109, %masked_sort3A_106 : vector<16xi32>
          %shift_right_arithmetic3A = arith.constant 10 : i32
          %shift_right_arithmetic3A_112 = vector.broadcast %shift_right_arithmetic3A : i32 to vector<16xi32>
          %shift_right_arithmetic3A_113 = arith.shrsi %masked_sort3A_110, %shift_right_arithmetic3A_112 : vector<16xi32>
          %swap3A = arith.index_cast %scan3A_69 : i32 to index
          %swap3A_114 = tpu.vector_load %arg7[%swap3A] {strides = array<i32>} : memref<816xi32, #tpu.memory_space<vmem>>, vector<16xi32>,
          tpu.vector_store %arg7[%swap3A], %shift_right_arithmetic3A_113 {strides = array<i32>} : memref<816xi32, #tpu.memory_space<vmem>>, vector<16xi32>,
          %and3A_115 = arith.constant 1023 : i32
          %and3A_116 = vector.broadcast %and3A_115 : i32 to vector<16xi32>
          %and3A_117 = arith.andi %masked_sort3A_110, %and3A_116 : vector<16xi32>
          %swap3A_118 = arith.index_cast %scan3A_69 : i32 to index
          %swap3A_119 = tpu.vector_load %arg8[%swap3A_118] {strides = array<i32>} : memref<816xi32, #tpu.memory_space<vmem>>, vector<16xi32>,
          tpu.vector_store %arg8[%swap3A_118], %and3A_117 {strides = array<i32>} : memref<816xi32, #tpu.memory_space<vmem>>, vector<16xi32>,
        } else {
        }
        %add3A_90 = arith.addi %scan3A_69, %reduce_sum3A_86 : i32
        scf.yield %add3A_90 : i32
      }
      %scan3A_38 = arith.constant 50 : i32
      %add3A_39 = arith.constant 16 : i32
      %add3A_40 = arith.addi %scan3A_37, %add3A_39 : i32
      %sub3A = arith.constant 1 : i32
      %sub3A_41 = arith.subi %add3A_40, %sub3A : i32
      %jit3A = arith.constant 16 : i32
      %div3A = arith.divsi %sub3A_41, %jit3A : i32
      %sign3A = arith.constant 0 : i32
      %sign3A_42 = arith.cmpi sgt, %sub3A_41, %sign3A : i32
      %sign3A_43 = arith.extui %sign3A_42 : i1 to i32
      %sign3A_44 = arith.constant 0 : i32
      %sign3A_45 = arith.cmpi slt, %sub3A_41, %sign3A_44 : i32
      %sign3A_46 = arith.extui %sign3A_45 : i1 to i32
      %sign3A_47 = arith.subi %sign3A_43, %sign3A_46 : i32
      %sign3A_48 = arith.constant 0 : i32
      %sign3A_49 = arith.cmpi sgt, %jit3A, %sign3A_48 : i32
      %sign3A_50 = arith.extui %sign3A_49 : i1 to i32
      %sign3A_51 = arith.constant 0 : i32
      %sign3A_52 = arith.cmpi slt, %jit3A, %sign3A_51 : i32
      %sign3A_53 = arith.extui %sign3A_52 : i1 to i32
      %sign3A_54 = arith.subi %sign3A_50, %sign3A_53 : i32
      %ne3A = arith.cmpi ne, %sign3A_47, %sign3A_54 : i32
      %rem3A = arith.remsi %sub3A_41, %jit3A : i32
      %ne3A_55 = arith.constant 0 : i32
      %ne3A_56 = arith.cmpi ne, %rem3A, %ne3A_55 : i32
      %and3A = arith.andi %ne3A, %ne3A_56 : i1
      %sub3A_57 = arith.constant 1 : i32
      %sub3A_58 = arith.subi %div3A, %sub3A_57 : i32
      %select_n3A = arith.select %and3A, %sub3A_58, %div3A : i32
      %while3A = arith.constant 0 : i32
      %while3A_59 = arith.constant 0 : i32
      %while3A_60 = arith.subi %select_n3A, %while3A_59 : i32
      %while3A_61 = arith.addi %while3A_59, %while3A_60 : i32
      %while3A_62 = arith.constant 1 : i32
      %while3A_63 = arith.divsi %while3A_60, %while3A_62 : i32
      %while3A_64 = arith.muli %while3A_63, %while3A_62 : i32
      %while3A_65 = arith.addi %while3A_59, %while3A_64 : i32
      %while3A_66 = arith.constant 1 : i32
      scf.for %while3A_68 = %while3A_59 to %while3A_65 step %while3A_66  : i32 {
        %mul3A_69 = arith.constant 16 : i32
        %mul3A_70 = arith.muli %while3A_68, %mul3A_69 : i32
        %get3A = arith.index_cast %mul3A_70 : i32 to index
        %get3A_71 = tpu.vector_load %arg7[%get3A] {strides = array<i32>} : memref<816xi32, #tpu.memory_space<vmem>>, vector<16xi32>,
        %dma_start3A = arith.constant 0 : i32
        %dma_start3A_72 = arith.constant 0 : i32
        %dma_start3A_73 = tpu.memref_slice %arg3[%dma_start3A, %dma_start3A_72] : memref<10240x256xf32, #tpu.memory_space<hbm>> -> memref<10240x256xf32, #tpu.memory_space<hbm>>
        tpu.enqueue_indirect_dma source(%dma_start3A_73 : memref<10240x256xf32, #tpu.memory_space<hbm>>) target(%arg9 : memref<16x256xf32, #tpu.memory_space<vmem>>) offsets(%get3A_71 : vector<16xi32>) semaphore(%arg12 : memref<!tpu.dma_semaphore, #tpu.memory_space<semaphore_mem>>)
        %dma_wait3A = arith.constant 0 : i32
        %dma_wait3A_74 = arith.constant 0 : i32
        %dma_wait3A_75 = tpu.memref_slice %arg3[%dma_wait3A, %dma_wait3A_74] : memref<10240x256xf32, #tpu.memory_space<hbm>> -> memref<10240x256xf32, #tpu.memory_space<hbm>>
        tpu.wait_indirect_dma semaphore(%arg12 : memref<!tpu.dma_semaphore, #tpu.memory_space<semaphore_mem>>) src(%dma_wait3A_75 : memref<10240x256xf32, #tpu.memory_space<hbm>>) dst(%arg9 : memref<16x256xf32, #tpu.memory_space<vmem>>)
        %mul3A_76 = arith.constant 16 : i32
        %mul3A_77 = arith.muli %while3A_68, %mul3A_76 : i32
        %sub3A_78 = arith.subi %scan3A_37, %mul3A_77 : i32
        %min3A = arith.constant 16 : i32
        %min3A_79 = arith.minsi %sub3A_78, %min3A : i32
        %while3A_80 = arith.constant 0 : i32
        %while3A_81 = arith.constant 0 : i32
        %while3A_82 = arith.subi %min3A_79, %while3A_81 : i32
        %while3A_83 = arith.addi %while3A_81, %while3A_82 : i32
        %while3A_84 = arith.constant 1 : i32
        %while3A_85 = arith.divsi %while3A_82, %while3A_84 : i32
        %while3A_86 = arith.muli %while3A_85, %while3A_84 : i32
        %while3A_87 = arith.addi %while3A_81, %while3A_86 : i32
        %while3A_88 = arith.constant 1 : i32
        scf.for %while3A_90 = %while3A_81 to %while3A_87 step %while3A_88  : i32 {
          %mul3A_91 = arith.constant 16 : i32
          %mul3A_92 = arith.muli %while3A_68, %mul3A_91 : i32
          %add3A_93 = arith.addi %mul3A_92, %while3A_90 : i32
          %get3A_94 = arith.index_cast %add3A_93 : i32 to index
          %get3A_95 = tpu.vector_load %arg8[%get3A_94] {strides = array<i32>} : memref<816xi32, #tpu.memory_space<vmem>>, vector<16xi32>,
          %slice3A = vector.extract_strided_slice %get3A_95 {offsets = [0], sizes = [1], strides = [1]} : vector<16xi32> to vector<1xi32>
          %squeeze3A = vector.extract %slice3A[0] : i32 from vector<1xi32>
          %get3A_96 = arith.index_cast %while3A_90 : i32 to index
          %get3A_97 = arith.constant 0 : index
          %get3A_98 = tpu.vector_load %arg9[%get3A_96, %get3A_97] {strides = array<i32>} : memref<16x256xf32, #tpu.memory_space<vmem>>, vector<16xf32>,
          %mul3A_99 = arith.constant 256 : i32
          %mul3A_100 = arith.muli %squeeze3A, %mul3A_99 : i32
          %add3A_101 = arith.constant 0 : i32
          %add3A_102 = arith.addi %mul3A_100, %add3A_101 : i32
          %swap3A = arith.index_cast %add3A_102 : i32 to index
          %swap3A_103 = tpu.vector_load %arg10[%swap3A] {strides = array<i32>} : memref<81920xf32, #tpu.memory_space<vmem>>, vector<16xf32>,
          tpu.vector_store %arg10[%swap3A], %get3A_98 {add = true, strides = array<i32>} : memref<81920xf32, #tpu.memory_space<vmem>>, vector<16xf32>,
          %mul3A_104 = arith.constant 128 : i32
          %mul3A_105 = arith.muli %squeeze3A, %mul3A_104 : i32
          %add3A_106 = arith.constant 0 : i32
          %add3A_107 = arith.addi %mul3A_105, %add3A_106 : i32
          %get3A_108 = arith.index_cast %add3A_107 : i32 to index
          %get3A_109 = tpu.vector_load %arg11[%get3A_108] {strides = array<i32>} : memref<40960xf32, #tpu.memory_space<vmem>>, vector<16xf32>,
          %max3A = arith.maximumf %get3A_109, %get3A_98 : vector<16xf32>
          %mul3A_110 = arith.constant 128 : i32
          %mul3A_111 = arith.muli %squeeze3A, %mul3A_110 : i32
          %add3A_112 = arith.constant 0 : i32
          %add3A_113 = arith.addi %mul3A_111, %add3A_112 : i32
          %swap3A_114 = arith.index_cast %add3A_113 : i32 to index
          %swap3A_115 = tpu.vector_load %arg11[%swap3A_114] {strides = array<i32>} : memref<40960xf32, #tpu.memory_space<vmem>>, vector<16xf32>,
          tpu.vector_store %arg11[%swap3A_114], %max3A {strides = array<i32>} : memref<40960xf32, #tpu.memory_space<vmem>>, vector<16xf32>,
          %get3A_116 = arith.index_cast %while3A_90 : i32 to index
          %get3A_117 = arith.constant 16 : index
          %get3A_118 = tpu.vector_load %arg9[%get3A_116, %get3A_117] {strides = array<i32>} : memref<16x256xf32, #tpu.memory_space<vmem>>, vector<16xf32>,
          %mul3A_119 = arith.constant 256 : i32
          %mul3A_120 = arith.muli %squeeze3A, %mul3A_119 : i32
          %add3A_121 = arith.constant 16 : i32
          %add3A_122 = arith.addi %mul3A_120, %add3A_121 : i32
          %swap3A_123 = arith.index_cast %add3A_122 : i32 to index
          %swap3A_124 = tpu.vector_load %arg10[%swap3A_123] {strides = array<i32>} : memref<81920xf32, #tpu.memory_space<vmem>>, vector<16xf32>,
          tpu.vector_store %arg10[%swap3A_123], %get3A_118 {add = true, strides = array<i32>} : memref<81920xf32, #tpu.memory_space<vmem>>, vector<16xf32>,
          %mul3A_125 = arith.constant 128 : i32
          %mul3A_126 = arith.muli %squeeze3A, %mul3A_125 : i32
          %add3A_127 = arith.constant 16 : i32
          %add3A_128 = arith.addi %mul3A_126, %add3A_127 : i32
          %get3A_129 = arith.index_cast %add3A_128 : i32 to index
          %get3A_130 = tpu.vector_load %arg11[%get3A_129] {strides = array<i32>} : memref<40960xf32, #tpu.memory_space<vmem>>, vector<16xf32>,
          %max3A_131 = arith.maximumf %get3A_130, %get3A_118 : vector<16xf32>
          %mul3A_132 = arith.constant 128 : i32
          %mul3A_133 = arith.muli %squeeze3A, %mul3A_132 : i32
          %add3A_134 = arith.constant 16 : i32
          %add3A_135 = arith.addi %mul3A_133, %add3A_134 : i32
          %swap3A_136 = arith.index_cast %add3A_135 : i32 to index
          %swap3A_137 = tpu.vector_load %arg11[%swap3A_136] {strides = array<i32>} : memref<40960xf32, #tpu.memory_space<vmem>>, vector<16xf32>,
          tpu.vector_store %arg11[%swap3A_136], %max3A_131 {strides = array<i32>} : memref<40960xf32, #tpu.memory_space<vmem>>, vector<16xf32>,
          %get3A_138 = arith.index_cast %while3A_90 : i32 to index
          %get3A_139 = arith.constant 32 : index
          %get3A_140 = tpu.vector_load %arg9[%get3A_138, %get3A_139] {strides = array<i32>} : memref<16x256xf32, #tpu.memory_space<vmem>>, vector<16xf32>,
          %mul3A_141 = arith.constant 256 : i32
          %mul3A_142 = arith.muli %squeeze3A, %mul3A_141 : i32
          %add3A_143 = arith.constant 32 : i32
          %add3A_144 = arith.addi %mul3A_142, %add3A_143 : i32
          %swap3A_145 = arith.index_cast %add3A_144 : i32 to index
          %swap3A_146 = tpu.vector_load %arg10[%swap3A_145] {strides = array<i32>} : memref<81920xf32, #tpu.memory_space<vmem>>, vector<16xf32>,
          tpu.vector_store %arg10[%swap3A_145], %get3A_140 {add = true, strides = array<i32>} : memref<81920xf32, #tpu.memory_space<vmem>>, vector<16xf32>,
          %mul3A_147 = arith.constant 128 : i32
          %mul3A_148 = arith.muli %squeeze3A, %mul3A_147 : i32
          %add3A_149 = arith.constant 32 : i32
          %add3A_150 = arith.addi %mul3A_148, %add3A_149 : i32
          %get3A_151 = arith.index_cast %add3A_150 : i32 to index
          %get3A_152 = tpu.vector_load %arg11[%get3A_151] {strides = array<i32>} : memref<40960xf32, #tpu.memory_space<vmem>>, vector<16xf32>,
          %max3A_153 = arith.maximumf %get3A_152, %get3A_140 : vector<16xf32>
          %mul3A_154 = arith.constant 128 : i32
          %mul3A_155 = arith.muli %squeeze3A, %mul3A_154 : i32
          %add3A_156 = arith.constant 32 : i32
          %add3A_157 = arith.addi %mul3A_155, %add3A_156 : i32
          %swap3A_158 = arith.index_cast %add3A_157 : i32 to index
          %swap3A_159 = tpu.vector_load %arg11[%swap3A_158] {strides = array<i32>} : memref<40960xf32, #tpu.memory_space<vmem>>, vector<16xf32>,
          tpu.vector_store %arg11[%swap3A_158], %max3A_153 {strides = array<i32>} : memref<40960xf32, #tpu.memory_space<vmem>>, vector<16xf32>,
          %get3A_160 = arith.index_cast %while3A_90 : i32 to index
          %get3A_161 = arith.constant 48 : index
          %get3A_162 = tpu.vector_load %arg9[%get3A_160, %get3A_161] {strides = array<i32>} : memref<16x256xf32, #tpu.memory_space<vmem>>, vector<16xf32>,
          %mul3A_163 = arith.constant 256 : i32
          %mul3A_164 = arith.muli %squeeze3A, %mul3A_163 : i32
          %add3A_165 = arith.constant 48 : i32
          %add3A_166 = arith.addi %mul3A_164, %add3A_165 : i32
          %swap3A_167 = arith.index_cast %add3A_166 : i32 to index
          %swap3A_168 = tpu.vector_load %arg10[%swap3A_167] {strides = array<i32>} : memref<81920xf32, #tpu.memory_space<vmem>>, vector<16xf32>,
          tpu.vector_store %arg10[%swap3A_167], %get3A_162 {add = true, strides = array<i32>} : memref<81920xf32, #tpu.memory_space<vmem>>, vector<16xf32>,
          %mul3A_169 = arith.constant 128 : i32
          %mul3A_170 = arith.muli %squeeze3A, %mul3A_169 : i32
          %add3A_171 = arith.constant 48 : i32
          %add3A_172 = arith.addi %mul3A_170, %add3A_171 : i32
          %get3A_173 = arith.index_cast %add3A_172 : i32 to index
          %get3A_174 = tpu.vector_load %arg11[%get3A_173] {strides = array<i32>} : memref<40960xf32, #tpu.memory_space<vmem>>, vector<16xf32>,
          %max3A_175 = arith.maximumf %get3A_174, %get3A_162 : vector<16xf32>
          %mul3A_176 = arith.constant 128 : i32
          %mul3A_177 = arith.muli %squeeze3A, %mul3A_176 : i32
          %add3A_178 = arith.constant 48 : i32
          %add3A_179 = arith.addi %mul3A_177, %add3A_178 : i32
          %swap3A_180 = arith.index_cast %add3A_179 : i32 to index
          %swap3A_181 = tpu.vector_load %arg11[%swap3A_180] {strides = array<i32>} : memref<40960xf32, #tpu.memory_space<vmem>>, vector<16xf32>,
          tpu.vector_store %arg11[%swap3A_180], %max3A_175 {strides = array<i32>} : memref<40960xf32, #tpu.memory_space<vmem>>, vector<16xf32>,
          %get3A_182 = arith.index_cast %while3A_90 : i32 to index
          %get3A_183 = arith.constant 64 : index
          %get3A_184 = tpu.vector_load %arg9[%get3A_182, %get3A_183] {strides = array<i32>} : memref<16x256xf32, #tpu.memory_space<vmem>>, vector<16xf32>,
          %mul3A_185 = arith.constant 256 : i32
          %mul3A_186 = arith.muli %squeeze3A, %mul3A_185 : i32
          %add3A_187 = arith.constant 64 : i32
          %add3A_188 = arith.addi %mul3A_186, %add3A_187 : i32
          %swap3A_189 = arith.index_cast %add3A_188 : i32 to index
          %swap3A_190 = tpu.vector_load %arg10[%swap3A_189] {strides = array<i32>} : memref<81920xf32, #tpu.memory_space<vmem>>, vector<16xf32>,
          tpu.vector_store %arg10[%swap3A_189], %get3A_184 {add = true, strides = array<i32>} : memref<81920xf32, #tpu.memory_space<vmem>>, vector<16xf32>,
          %mul3A_191 = arith.constant 128 : i32
          %mul3A_192 = arith.muli %squeeze3A, %mul3A_191 : i32
          %add3A_193 = arith.constant 64 : i32
          %add3A_194 = arith.addi %mul3A_192, %add3A_193 : i32
          %get3A_195 = arith.index_cast %add3A_194 : i32 to index
          %get3A_196 = tpu.vector_load %arg11[%get3A_195] {strides = array<i32>} : memref<40960xf32, #tpu.memory_space<vmem>>, vector<16xf32>,
          %max3A_197 = arith.maximumf %get3A_196, %get3A_184 : vector<16xf32>
          %mul3A_198 = arith.constant 128 : i32
          %mul3A_199 = arith.muli %squeeze3A, %mul3A_198 : i32
          %add3A_200 = arith.constant 64 : i32
          %add3A_201 = arith.addi %mul3A_199, %add3A_200 : i32
          %swap3A_202 = arith.index_cast %add3A_201 : i32 to index
          %swap3A_203 = tpu.vector_load %arg11[%swap3A_202] {strides = array<i32>} : memref<40960xf32, #tpu.memory_space<vmem>>, vector<16xf32>,
          tpu.vector_store %arg11[%swap3A_202], %max3A_197 {strides = array<i32>} : memref<40960xf32, #tpu.memory_space<vmem>>, vector<16xf32>,
          %get3A_204 = arith.index_cast %while3A_90 : i32 to index
          %get3A_205 = arith.constant 80 : index
          %get3A_206 = tpu.vector_load %arg9[%get3A_204, %get3A_205] {strides = array<i32>} : memref<16x256xf32, #tpu.memory_space<vmem>>, vector<16xf32>,
          %mul3A_207 = arith.constant 256 : i32
          %mul3A_208 = arith.muli %squeeze3A, %mul3A_207 : i32
          %add3A_209 = arith.constant 80 : i32
          %add3A_210 = arith.addi %mul3A_208, %add3A_209 : i32
          %swap3A_211 = arith.index_cast %add3A_210 : i32 to index
          %swap3A_212 = tpu.vector_load %arg10[%swap3A_211] {strides = array<i32>} : memref<81920xf32, #tpu.memory_space<vmem>>, vector<16xf32>,
          tpu.vector_store %arg10[%swap3A_211], %get3A_206 {add = true, strides = array<i32>} : memref<81920xf32, #tpu.memory_space<vmem>>, vector<16xf32>,
          %mul3A_213 = arith.constant 128 : i32
          %mul3A_214 = arith.muli %squeeze3A, %mul3A_213 : i32
          %add3A_215 = arith.constant 80 : i32
          %add3A_216 = arith.addi %mul3A_214, %add3A_215 : i32
          %get3A_217 = arith.index_cast %add3A_216 : i32 to index
          %get3A_218 = tpu.vector_load %arg11[%get3A_217] {strides = array<i32>} : memref<40960xf32, #tpu.memory_space<vmem>>, vector<16xf32>,
          %max3A_219 = arith.maximumf %get3A_218, %get3A_206 : vector<16xf32>
          %mul3A_220 = arith.constant 128 : i32
          %mul3A_221 = arith.muli %squeeze3A, %mul3A_220 : i32
          %add3A_222 = arith.constant 80 : i32
          %add3A_223 = arith.addi %mul3A_221, %add3A_222 : i32
          %swap3A_224 = arith.index_cast %add3A_223 : i32 to index
          %swap3A_225 = tpu.vector_load %arg11[%swap3A_224] {strides = array<i32>} : memref<40960xf32, #tpu.memory_space<vmem>>, vector<16xf32>,
          tpu.vector_store %arg11[%swap3A_224], %max3A_219 {strides = array<i32>} : memref<40960xf32, #tpu.memory_space<vmem>>, vector<16xf32>,
          %get3A_226 = arith.index_cast %while3A_90 : i32 to index
          %get3A_227 = arith.constant 96 : index
          %get3A_228 = tpu.vector_load %arg9[%get3A_226, %get3A_227] {strides = array<i32>} : memref<16x256xf32, #tpu.memory_space<vmem>>, vector<16xf32>,
          %mul3A_229 = arith.constant 256 : i32
          %mul3A_230 = arith.muli %squeeze3A, %mul3A_229 : i32
          %add3A_231 = arith.constant 96 : i32
          %add3A_232 = arith.addi %mul3A_230, %add3A_231 : i32
          %swap3A_233 = arith.index_cast %add3A_232 : i32 to index
          %swap3A_234 = tpu.vector_load %arg10[%swap3A_233] {strides = array<i32>} : memref<81920xf32, #tpu.memory_space<vmem>>, vector<16xf32>,
          tpu.vector_store %arg10[%swap3A_233], %get3A_228 {add = true, strides = array<i32>} : memref<81920xf32, #tpu.memory_space<vmem>>, vector<16xf32>,
          %mul3A_235 = arith.constant 128 : i32
          %mul3A_236 = arith.muli %squeeze3A, %mul3A_235 : i32
          %add3A_237 = arith.constant 96 : i32
          %add3A_238 = arith.addi %mul3A_236, %add3A_237 : i32
          %get3A_239 = arith.index_cast %add3A_238 : i32 to index
          %get3A_240 = tpu.vector_load %arg11[%get3A_239] {strides = array<i32>} : memref<40960xf32, #tpu.memory_space<vmem>>, vector<16xf32>,
          %max3A_241 = arith.maximumf %get3A_240, %get3A_228 : vector<16xf32>
          %mul3A_242 = arith.constant 128 : i32
          %mul3A_243 = arith.muli %squeeze3A, %mul3A_242 : i32
          %add3A_244 = arith.constant 96 : i32
          %add3A_245 = arith.addi %mul3A_243, %add3A_244 : i32
          %swap3A_246 = arith.index_cast %add3A_245 : i32 to index
          %swap3A_247 = tpu.vector_load %arg11[%swap3A_246] {strides = array<i32>} : memref<40960xf32, #tpu.memory_space<vmem>>, vector<16xf32>,
          tpu.vector_store %arg11[%swap3A_246], %max3A_241 {strides = array<i32>} : memref<40960xf32, #tpu.memory_space<vmem>>, vector<16xf32>,
          %get3A_248 = arith.index_cast %while3A_90 : i32 to index
          %get3A_249 = arith.constant 112 : index
          %get3A_250 = tpu.vector_load %arg9[%get3A_248, %get3A_249] {strides = array<i32>} : memref<16x256xf32, #tpu.memory_space<vmem>>, vector<16xf32>,
          %mul3A_251 = arith.constant 256 : i32
          %mul3A_252 = arith.muli %squeeze3A, %mul3A_251 : i32
          %add3A_253 = arith.constant 112 : i32
          %add3A_254 = arith.addi %mul3A_252, %add3A_253 : i32
          %swap3A_255 = arith.index_cast %add3A_254 : i32 to index
          %swap3A_256 = tpu.vector_load %arg10[%swap3A_255] {strides = array<i32>} : memref<81920xf32, #tpu.memory_space<vmem>>, vector<16xf32>,
          tpu.vector_store %arg10[%swap3A_255], %get3A_250 {add = true, strides = array<i32>} : memref<81920xf32, #tpu.memory_space<vmem>>, vector<16xf32>,
          %mul3A_257 = arith.constant 128 : i32
          %mul3A_258 = arith.muli %squeeze3A, %mul3A_257 : i32
          %add3A_259 = arith.constant 112 : i32
          %add3A_260 = arith.addi %mul3A_258, %add3A_259 : i32
          %get3A_261 = arith.index_cast %add3A_260 : i32 to index
          %get3A_262 = tpu.vector_load %arg11[%get3A_261] {strides = array<i32>} : memref<40960xf32, #tpu.memory_space<vmem>>, vector<16xf32>,
          %max3A_263 = arith.maximumf %get3A_262, %get3A_250 : vector<16xf32>
          %mul3A_264 = arith.constant 128 : i32
          %mul3A_265 = arith.muli %squeeze3A, %mul3A_264 : i32
          %add3A_266 = arith.constant 112 : i32
          %add3A_267 = arith.addi %mul3A_265, %add3A_266 : i32
          %swap3A_268 = arith.index_cast %add3A_267 : i32 to index
          %swap3A_269 = tpu.vector_load %arg11[%swap3A_268] {strides = array<i32>} : memref<40960xf32, #tpu.memory_space<vmem>>, vector<16xf32>,
          tpu.vector_store %arg11[%swap3A_268], %max3A_263 {strides = array<i32>} : memref<40960xf32, #tpu.memory_space<vmem>>, vector<16xf32>,
          %get3A_270 = arith.index_cast %while3A_90 : i32 to index
          %get3A_271 = arith.constant 128 : index
          %get3A_272 = tpu.vector_load %arg9[%get3A_270, %get3A_271] {strides = array<i32>} : memref<16x256xf32, #tpu.memory_space<vmem>>, vector<16xf32>,
          %mul3A_273 = arith.constant 256 : i32
          %mul3A_274 = arith.muli %squeeze3A, %mul3A_273 : i32
          %add3A_275 = arith.constant 128 : i32
          %add3A_276 = arith.addi %mul3A_274, %add3A_275 : i32
          %swap3A_277 = arith.index_cast %add3A_276 : i32 to index
          %swap3A_278 = tpu.vector_load %arg10[%swap3A_277] {strides = array<i32>} : memref<81920xf32, #tpu.memory_space<vmem>>, vector<16xf32>,
          tpu.vector_store %arg10[%swap3A_277], %get3A_272 {add = true, strides = array<i32>} : memref<81920xf32, #tpu.memory_space<vmem>>, vector<16xf32>,
          %get3A_279 = arith.index_cast %while3A_90 : i32 to index
          %get3A_280 = arith.constant 144 : index
          %get3A_281 = tpu.vector_load %arg9[%get3A_279, %get3A_280] {strides = array<i32>} : memref<16x256xf32, #tpu.memory_space<vmem>>, vector<16xf32>,
          %mul3A_282 = arith.constant 256 : i32
          %mul3A_283 = arith.muli %squeeze3A, %mul3A_282 : i32
          %add3A_284 = arith.constant 144 : i32
          %add3A_285 = arith.addi %mul3A_283, %add3A_284 : i32
          %swap3A_286 = arith.index_cast %add3A_285 : i32 to index
          %swap3A_287 = tpu.vector_load %arg10[%swap3A_286] {strides = array<i32>} : memref<81920xf32, #tpu.memory_space<vmem>>, vector<16xf32>,
          tpu.vector_store %arg10[%swap3A_286], %get3A_281 {add = true, strides = array<i32>} : memref<81920xf32, #tpu.memory_space<vmem>>, vector<16xf32>,
          %get3A_288 = arith.index_cast %while3A_90 : i32 to index
          %get3A_289 = arith.constant 160 : index
          %get3A_290 = tpu.vector_load %arg9[%get3A_288, %get3A_289] {strides = array<i32>} : memref<16x256xf32, #tpu.memory_space<vmem>>, vector<16xf32>,
          %mul3A_291 = arith.constant 256 : i32
          %mul3A_292 = arith.muli %squeeze3A, %mul3A_291 : i32
          %add3A_293 = arith.constant 160 : i32
          %add3A_294 = arith.addi %mul3A_292, %add3A_293 : i32
          %swap3A_295 = arith.index_cast %add3A_294 : i32 to index
          %swap3A_296 = tpu.vector_load %arg10[%swap3A_295] {strides = array<i32>} : memref<81920xf32, #tpu.memory_space<vmem>>, vector<16xf32>,
          tpu.vector_store %arg10[%swap3A_295], %get3A_290 {add = true, strides = array<i32>} : memref<81920xf32, #tpu.memory_space<vmem>>, vector<16xf32>,
          %get3A_297 = arith.index_cast %while3A_90 : i32 to index
          %get3A_298 = arith.constant 176 : index
          %get3A_299 = tpu.vector_load %arg9[%get3A_297, %get3A_298] {strides = array<i32>} : memref<16x256xf32, #tpu.memory_space<vmem>>, vector<16xf32>,
          %mul3A_300 = arith.constant 256 : i32
          %mul3A_301 = arith.muli %squeeze3A, %mul3A_300 : i32
          %add3A_302 = arith.constant 176 : i32
          %add3A_303 = arith.addi %mul3A_301, %add3A_302 : i32
          %swap3A_304 = arith.index_cast %add3A_303 : i32 to index
          %swap3A_305 = tpu.vector_load %arg10[%swap3A_304] {strides = array<i32>} : memref<81920xf32, #tpu.memory_space<vmem>>, vector<16xf32>,
          tpu.vector_store %arg10[%swap3A_304], %get3A_299 {add = true, strides = array<i32>} : memref<81920xf32, #tpu.memory_space<vmem>>, vector<16xf32>,
          %get3A_306 = arith.index_cast %while3A_90 : i32 to index
          %get3A_307 = arith.constant 192 : index
          %get3A_308 = tpu.vector_load %arg9[%get3A_306, %get3A_307] {strides = array<i32>} : memref<16x256xf32, #tpu.memory_space<vmem>>, vector<16xf32>,
          %mul3A_309 = arith.constant 256 : i32
          %mul3A_310 = arith.muli %squeeze3A, %mul3A_309 : i32
          %add3A_311 = arith.constant 192 : i32
          %add3A_312 = arith.addi %mul3A_310, %add3A_311 : i32
          %swap3A_313 = arith.index_cast %add3A_312 : i32 to index
          %swap3A_314 = tpu.vector_load %arg10[%swap3A_313] {strides = array<i32>} : memref<81920xf32, #tpu.memory_space<vmem>>, vector<16xf32>,
          tpu.vector_store %arg10[%swap3A_313], %get3A_308 {add = true, strides = array<i32>} : memref<81920xf32, #tpu.memory_space<vmem>>, vector<16xf32>,
          %get3A_315 = arith.index_cast %while3A_90 : i32 to index
          %get3A_316 = arith.constant 208 : index
          %get3A_317 = tpu.vector_load %arg9[%get3A_315, %get3A_316] {strides = array<i32>} : memref<16x256xf32, #tpu.memory_space<vmem>>, vector<16xf32>,
          %mul3A_318 = arith.constant 256 : i32
          %mul3A_319 = arith.muli %squeeze3A, %mul3A_318 : i32
          %add3A_320 = arith.constant 208 : i32
          %add3A_321 = arith.addi %mul3A_319, %add3A_320 : i32
          %swap3A_322 = arith.index_cast %add3A_321 : i32 to index
          %swap3A_323 = tpu.vector_load %arg10[%swap3A_322] {strides = array<i32>} : memref<81920xf32, #tpu.memory_space<vmem>>, vector<16xf32>,
          tpu.vector_store %arg10[%swap3A_322], %get3A_317 {add = true, strides = array<i32>} : memref<81920xf32, #tpu.memory_space<vmem>>, vector<16xf32>,
          %get3A_324 = arith.index_cast %while3A_90 : i32 to index
          %get3A_325 = arith.constant 224 : index
          %get3A_326 = tpu.vector_load %arg9[%get3A_324, %get3A_325] {strides = array<i32>} : memref<16x256xf32, #tpu.memory_space<vmem>>, vector<16xf32>,
          %mul3A_327 = arith.constant 256 : i32
          %mul3A_328 = arith.muli %squeeze3A, %mul3A_327 : i32
          %add3A_329 = arith.constant 224 : i32
          %add3A_330 = arith.addi %mul3A_328, %add3A_329 : i32
          %swap3A_331 = arith.index_cast %add3A_330 : i32 to index
          %swap3A_332 = tpu.vector_load %arg10[%swap3A_331] {strides = array<i32>} : memref<81920xf32, #tpu.memory_space<vmem>>, vector<16xf32>,
          tpu.vector_store %arg10[%swap3A_331], %get3A_326 {add = true, strides = array<i32>} : memref<81920xf32, #tpu.memory_space<vmem>>, vector<16xf32>,
          %get3A_333 = arith.index_cast %while3A_90 : i32 to index
          %get3A_334 = arith.constant 240 : index
          %get3A_335 = tpu.vector_load %arg9[%get3A_333, %get3A_334] {strides = array<i32>} : memref<16x256xf32, #tpu.memory_space<vmem>>, vector<16xf32>,
          %mul3A_336 = arith.constant 256 : i32
          %mul3A_337 = arith.muli %squeeze3A, %mul3A_336 : i32
          %add3A_338 = arith.constant 240 : i32
          %add3A_339 = arith.addi %mul3A_337, %add3A_338 : i32
          %swap3A_340 = arith.index_cast %add3A_339 : i32 to index
          %swap3A_341 = tpu.vector_load %arg10[%swap3A_340] {strides = array<i32>} : memref<81920xf32, #tpu.memory_space<vmem>>, vector<16xf32>,
          tpu.vector_store %arg10[%swap3A_340], %get3A_335 {add = true, strides = array<i32>} : memref<81920xf32, #tpu.memory_space<vmem>>, vector<16xf32>,
        }
        %while3A_89 = arith.constant 1 : i32
        scf.for %while3A_90 = %while3A_87 to %while3A_83 step %while3A_89  : i32 {
          %mul3A_91 = arith.constant 16 : i32
          %mul3A_92 = arith.muli %while3A_68, %mul3A_91 : i32
          %add3A_93 = arith.addi %mul3A_92, %while3A_90 : i32
          %get3A_94 = arith.index_cast %add3A_93 : i32 to index
          %get3A_95 = tpu.vector_load %arg8[%get3A_94] {strides = array<i32>} : memref<816xi32, #tpu.memory_space<vmem>>, vector<16xi32>,
          %slice3A = vector.extract_strided_slice %get3A_95 {offsets = [0], sizes = [1], strides = [1]} : vector<16xi32> to vector<1xi32>
          %squeeze3A = vector.extract %slice3A[0] : i32 from vector<1xi32>
          %get3A_96 = arith.index_cast %while3A_90 : i32 to index
          %get3A_97 = arith.constant 0 : index
          %get3A_98 = tpu.vector_load %arg9[%get3A_96, %get3A_97] {strides = array<i32>} : memref<16x256xf32, #tpu.memory_space<vmem>>, vector<16xf32>,
          %mul3A_99 = arith.constant 256 : i32
          %mul3A_100 = arith.muli %squeeze3A, %mul3A_99 : i32
          %add3A_101 = arith.constant 0 : i32
          %add3A_102 = arith.addi %mul3A_100, %add3A_101 : i32
          %swap3A = arith.index_cast %add3A_102 : i32 to index
          %swap3A_103 = tpu.vector_load %arg10[%swap3A] {strides = array<i32>} : memref<81920xf32, #tpu.memory_space<vmem>>, vector<16xf32>,
          tpu.vector_store %arg10[%swap3A], %get3A_98 {add = true, strides = array<i32>} : memref<81920xf32, #tpu.memory_space<vmem>>, vector<16xf32>,
          %mul3A_104 = arith.constant 128 : i32
          %mul3A_105 = arith.muli %squeeze3A, %mul3A_104 : i32
          %add3A_106 = arith.constant 0 : i32
          %add3A_107 = arith.addi %mul3A_105, %add3A_106 : i32
          %get3A_108 = arith.index_cast %add3A_107 : i32 to index
          %get3A_109 = tpu.vector_load %arg11[%get3A_108] {strides = array<i32>} : memref<40960xf32, #tpu.memory_space<vmem>>, vector<16xf32>,
          %max3A = arith.maximumf %get3A_109, %get3A_98 : vector<16xf32>
          %mul3A_110 = arith.constant 128 : i32
          %mul3A_111 = arith.muli %squeeze3A, %mul3A_110 : i32
          %add3A_112 = arith.constant 0 : i32
          %add3A_113 = arith.addi %mul3A_111, %add3A_112 : i32
          %swap3A_114 = arith.index_cast %add3A_113 : i32 to index
          %swap3A_115 = tpu.vector_load %arg11[%swap3A_114] {strides = array<i32>} : memref<40960xf32, #tpu.memory_space<vmem>>, vector<16xf32>,
          tpu.vector_store %arg11[%swap3A_114], %max3A {strides = array<i32>} : memref<40960xf32, #tpu.memory_space<vmem>>, vector<16xf32>,
          %get3A_116 = arith.index_cast %while3A_90 : i32 to index
          %get3A_117 = arith.constant 16 : index
          %get3A_118 = tpu.vector_load %arg9[%get3A_116, %get3A_117] {strides = array<i32>} : memref<16x256xf32, #tpu.memory_space<vmem>>, vector<16xf32>,
          %mul3A_119 = arith.constant 256 : i32
          %mul3A_120 = arith.muli %squeeze3A, %mul3A_119 : i32
          %add3A_121 = arith.constant 16 : i32
          %add3A_122 = arith.addi %mul3A_120, %add3A_121 : i32
          %swap3A_123 = arith.index_cast %add3A_122 : i32 to index
          %swap3A_124 = tpu.vector_load %arg10[%swap3A_123] {strides = array<i32>} : memref<81920xf32, #tpu.memory_space<vmem>>, vector<16xf32>,
          tpu.vector_store %arg10[%swap3A_123], %get3A_118 {add = true, strides = array<i32>} : memref<81920xf32, #tpu.memory_space<vmem>>, vector<16xf32>,
          %mul3A_125 = arith.constant 128 : i32
          %mul3A_126 = arith.muli %squeeze3A, %mul3A_125 : i32
          %add3A_127 = arith.constant 16 : i32
          %add3A_128 = arith.addi %mul3A_126, %add3A_127 : i32
          %get3A_129 = arith.index_cast %add3A_128 : i32 to index
          %get3A_130 = tpu.vector_load %arg11[%get3A_129] {strides = array<i32>} : memref<40960xf32, #tpu.memory_space<vmem>>, vector<16xf32>,
          %max3A_131 = arith.maximumf %get3A_130, %get3A_118 : vector<16xf32>
          %mul3A_132 = arith.constant 128 : i32
          %mul3A_133 = arith.muli %squeeze3A, %mul3A_132 : i32
          %add3A_134 = arith.constant 16 : i32
          %add3A_135 = arith.addi %mul3A_133, %add3A_134 : i32
          %swap3A_136 = arith.index_cast %add3A_135 : i32 to index
          %swap3A_137 = tpu.vector_load %arg11[%swap3A_136] {strides = array<i32>} : memref<40960xf32, #tpu.memory_space<vmem>>, vector<16xf32>,
          tpu.vector_store %arg11[%swap3A_136], %max3A_131 {strides = array<i32>} : memref<40960xf32, #tpu.memory_space<vmem>>, vector<16xf32>,
          %get3A_138 = arith.index_cast %while3A_90 : i32 to index
          %get3A_139 = arith.constant 32 : index
          %get3A_140 = tpu.vector_load %arg9[%get3A_138, %get3A_139] {strides = array<i32>} : memref<16x256xf32, #tpu.memory_space<vmem>>, vector<16xf32>,
          %mul3A_141 = arith.constant 256 : i32
          %mul3A_142 = arith.muli %squeeze3A, %mul3A_141 : i32
          %add3A_143 = arith.constant 32 : i32
          %add3A_144 = arith.addi %mul3A_142, %add3A_143 : i32
          %swap3A_145 = arith.index_cast %add3A_144 : i32 to index
          %swap3A_146 = tpu.vector_load %arg10[%swap3A_145] {strides = array<i32>} : memref<81920xf32, #tpu.memory_space<vmem>>, vector<16xf32>,
          tpu.vector_store %arg10[%swap3A_145], %get3A_140 {add = true, strides = array<i32>} : memref<81920xf32, #tpu.memory_space<vmem>>, vector<16xf32>,
          %mul3A_147 = arith.constant 128 : i32
          %mul3A_148 = arith.muli %squeeze3A, %mul3A_147 : i32
          %add3A_149 = arith.constant 32 : i32
          %add3A_150 = arith.addi %mul3A_148, %add3A_149 : i32
          %get3A_151 = arith.index_cast %add3A_150 : i32 to index
          %get3A_152 = tpu.vector_load %arg11[%get3A_151] {strides = array<i32>} : memref<40960xf32, #tpu.memory_space<vmem>>, vector<16xf32>,
          %max3A_153 = arith.maximumf %get3A_152, %get3A_140 : vector<16xf32>
          %mul3A_154 = arith.constant 128 : i32
          %mul3A_155 = arith.muli %squeeze3A, %mul3A_154 : i32
          %add3A_156 = arith.constant 32 : i32
          %add3A_157 = arith.addi %mul3A_155, %add3A_156 : i32
          %swap3A_158 = arith.index_cast %add3A_157 : i32 to index
          %swap3A_159 = tpu.vector_load %arg11[%swap3A_158] {strides = array<i32>} : memref<40960xf32, #tpu.memory_space<vmem>>, vector<16xf32>,
          tpu.vector_store %arg11[%swap3A_158], %max3A_153 {strides = array<i32>} : memref<40960xf32, #tpu.memory_space<vmem>>, vector<16xf32>,
          %get3A_160 = arith.index_cast %while3A_90 : i32 to index
          %get3A_161 = arith.constant 48 : index
          %get3A_162 = tpu.vector_load %arg9[%get3A_160, %get3A_161] {strides = array<i32>} : memref<16x256xf32, #tpu.memory_space<vmem>>, vector<16xf32>,
          %mul3A_163 = arith.constant 256 : i32
          %mul3A_164 = arith.muli %squeeze3A, %mul3A_163 : i32
          %add3A_165 = arith.constant 48 : i32
          %add3A_166 = arith.addi %mul3A_164, %add3A_165 : i32
          %swap3A_167 = arith.index_cast %add3A_166 : i32 to index
          %swap3A_168 = tpu.vector_load %arg10[%swap3A_167] {strides = array<i32>} : memref<81920xf32, #tpu.memory_space<vmem>>, vector<16xf32>,
          tpu.vector_store %arg10[%swap3A_167], %get3A_162 {add = true, strides = array<i32>} : memref<81920xf32, #tpu.memory_space<vmem>>, vector<16xf32>,
          %mul3A_169 = arith.constant 128 : i32
          %mul3A_170 = arith.muli %squeeze3A, %mul3A_169 : i32
          %add3A_171 = arith.constant 48 : i32
          %add3A_172 = arith.addi %mul3A_170, %add3A_171 : i32
          %get3A_173 = arith.index_cast %add3A_172 : i32 to index
          %get3A_174 = tpu.vector_load %arg11[%get3A_173] {strides = array<i32>} : memref<40960xf32, #tpu.memory_space<vmem>>, vector<16xf32>,
          %max3A_175 = arith.maximumf %get3A_174, %get3A_162 : vector<16xf32>
          %mul3A_176 = arith.constant 128 : i32
          %mul3A_177 = arith.muli %squeeze3A, %mul3A_176 : i32
          %add3A_178 = arith.constant 48 : i32
          %add3A_179 = arith.addi %mul3A_177, %add3A_178 : i32
          %swap3A_180 = arith.index_cast %add3A_179 : i32 to index
          %swap3A_181 = tpu.vector_load %arg11[%swap3A_180] {strides = array<i32>} : memref<40960xf32, #tpu.memory_space<vmem>>, vector<16xf32>,
          tpu.vector_store %arg11[%swap3A_180], %max3A_175 {strides = array<i32>} : memref<40960xf32, #tpu.memory_space<vmem>>, vector<16xf32>,
          %get3A_182 = arith.index_cast %while3A_90 : i32 to index
          %get3A_183 = arith.constant 64 : index
          %get3A_184 = tpu.vector_load %arg9[%get3A_182, %get3A_183] {strides = array<i32>} : memref<16x256xf32, #tpu.memory_space<vmem>>, vector<16xf32>,
          %mul3A_185 = arith.constant 256 : i32
          %mul3A_186 = arith.muli %squeeze3A, %mul3A_185 : i32
          %add3A_187 = arith.constant 64 : i32
          %add3A_188 = arith.addi %mul3A_186, %add3A_187 : i32
          %swap3A_189 = arith.index_cast %add3A_188 : i32 to index
          %swap3A_190 = tpu.vector_load %arg10[%swap3A_189] {strides = array<i32>} : memref<81920xf32, #tpu.memory_space<vmem>>, vector<16xf32>,
          tpu.vector_store %arg10[%swap3A_189], %get3A_184 {add = true, strides = array<i32>} : memref<81920xf32, #tpu.memory_space<vmem>>, vector<16xf32>,
          %mul3A_191 = arith.constant 128 : i32
          %mul3A_192 = arith.muli %squeeze3A, %mul3A_191 : i32
          %add3A_193 = arith.constant 64 : i32
          %add3A_194 = arith.addi %mul3A_192, %add3A_193 : i32
          %get3A_195 = arith.index_cast %add3A_194 : i32 to index
          %get3A_196 = tpu.vector_load %arg11[%get3A_195] {strides = array<i32>} : memref<40960xf32, #tpu.memory_space<vmem>>, vector<16xf32>,
          %max3A_197 = arith.maximumf %get3A_196, %get3A_184 : vector<16xf32>
          %mul3A_198 = arith.constant 128 : i32
          %mul3A_199 = arith.muli %squeeze3A, %mul3A_198 : i32
          %add3A_200 = arith.constant 64 : i32
          %add3A_201 = arith.addi %mul3A_199, %add3A_200 : i32
          %swap3A_202 = arith.index_cast %add3A_201 : i32 to index
          %swap3A_203 = tpu.vector_load %arg11[%swap3A_202] {strides = array<i32>} : memref<40960xf32, #tpu.memory_space<vmem>>, vector<16xf32>,
          tpu.vector_store %arg11[%swap3A_202], %max3A_197 {strides = array<i32>} : memref<40960xf32, #tpu.memory_space<vmem>>, vector<16xf32>,
          %get3A_204 = arith.index_cast %while3A_90 : i32 to index
          %get3A_205 = arith.constant 80 : index
          %get3A_206 = tpu.vector_load %arg9[%get3A_204, %get3A_205] {strides = array<i32>} : memref<16x256xf32, #tpu.memory_space<vmem>>, vector<16xf32>,
          %mul3A_207 = arith.constant 256 : i32
          %mul3A_208 = arith.muli %squeeze3A, %mul3A_207 : i32
          %add3A_209 = arith.constant 80 : i32
          %add3A_210 = arith.addi %mul3A_208, %add3A_209 : i32
          %swap3A_211 = arith.index_cast %add3A_210 : i32 to index
          %swap3A_212 = tpu.vector_load %arg10[%swap3A_211] {strides = array<i32>} : memref<81920xf32, #tpu.memory_space<vmem>>, vector<16xf32>,
          tpu.vector_store %arg10[%swap3A_211], %get3A_206 {add = true, strides = array<i32>} : memref<81920xf32, #tpu.memory_space<vmem>>, vector<16xf32>,
          %mul3A_213 = arith.constant 128 : i32
          %mul3A_214 = arith.muli %squeeze3A, %mul3A_213 : i32
          %add3A_215 = arith.constant 80 : i32
          %add3A_216 = arith.addi %mul3A_214, %add3A_215 : i32
          %get3A_217 = arith.index_cast %add3A_216 : i32 to index
          %get3A_218 = tpu.vector_load %arg11[%get3A_217] {strides = array<i32>} : memref<40960xf32, #tpu.memory_space<vmem>>, vector<16xf32>,
          %max3A_219 = arith.maximumf %get3A_218, %get3A_206 : vector<16xf32>
          %mul3A_220 = arith.constant 128 : i32
          %mul3A_221 = arith.muli %squeeze3A, %mul3A_220 : i32
          %add3A_222 = arith.constant 80 : i32
          %add3A_223 = arith.addi %mul3A_221, %add3A_222 : i32
          %swap3A_224 = arith.index_cast %add3A_223 : i32 to index
          %swap3A_225 = tpu.vector_load %arg11[%swap3A_224] {strides = array<i32>} : memref<40960xf32, #tpu.memory_space<vmem>>, vector<16xf32>,
          tpu.vector_store %arg11[%swap3A_224], %max3A_219 {strides = array<i32>} : memref<40960xf32, #tpu.memory_space<vmem>>, vector<16xf32>,
          %get3A_226 = arith.index_cast %while3A_90 : i32 to index
          %get3A_227 = arith.constant 96 : index
          %get3A_228 = tpu.vector_load %arg9[%get3A_226, %get3A_227] {strides = array<i32>} : memref<16x256xf32, #tpu.memory_space<vmem>>, vector<16xf32>,
          %mul3A_229 = arith.constant 256 : i32
          %mul3A_230 = arith.muli %squeeze3A, %mul3A_229 : i32
          %add3A_231 = arith.constant 96 : i32
          %add3A_232 = arith.addi %mul3A_230, %add3A_231 : i32
          %swap3A_233 = arith.index_cast %add3A_232 : i32 to index
          %swap3A_234 = tpu.vector_load %arg10[%swap3A_233] {strides = array<i32>} : memref<81920xf32, #tpu.memory_space<vmem>>, vector<16xf32>,
          tpu.vector_store %arg10[%swap3A_233], %get3A_228 {add = true, strides = array<i32>} : memref<81920xf32, #tpu.memory_space<vmem>>, vector<16xf32>,
          %mul3A_235 = arith.constant 128 : i32
          %mul3A_236 = arith.muli %squeeze3A, %mul3A_235 : i32
          %add3A_237 = arith.constant 96 : i32
          %add3A_238 = arith.addi %mul3A_236, %add3A_237 : i32
          %get3A_239 = arith.index_cast %add3A_238 : i32 to index
          %get3A_240 = tpu.vector_load %arg11[%get3A_239] {strides = array<i32>} : memref<40960xf32, #tpu.memory_space<vmem>>, vector<16xf32>,
          %max3A_241 = arith.maximumf %get3A_240, %get3A_228 : vector<16xf32>
          %mul3A_242 = arith.constant 128 : i32
          %mul3A_243 = arith.muli %squeeze3A, %mul3A_242 : i32
          %add3A_244 = arith.constant 96 : i32
          %add3A_245 = arith.addi %mul3A_243, %add3A_244 : i32
          %swap3A_246 = arith.index_cast %add3A_245 : i32 to index
          %swap3A_247 = tpu.vector_load %arg11[%swap3A_246] {strides = array<i32>} : memref<40960xf32, #tpu.memory_space<vmem>>, vector<16xf32>,
          tpu.vector_store %arg11[%swap3A_246], %max3A_241 {strides = array<i32>} : memref<40960xf32, #tpu.memory_space<vmem>>, vector<16xf32>,
          %get3A_248 = arith.index_cast %while3A_90 : i32 to index
          %get3A_249 = arith.constant 112 : index
          %get3A_250 = tpu.vector_load %arg9[%get3A_248, %get3A_249] {strides = array<i32>} : memref<16x256xf32, #tpu.memory_space<vmem>>, vector<16xf32>,
          %mul3A_251 = arith.constant 256 : i32
          %mul3A_252 = arith.muli %squeeze3A, %mul3A_251 : i32
          %add3A_253 = arith.constant 112 : i32
          %add3A_254 = arith.addi %mul3A_252, %add3A_253 : i32
          %swap3A_255 = arith.index_cast %add3A_254 : i32 to index
          %swap3A_256 = tpu.vector_load %arg10[%swap3A_255] {strides = array<i32>} : memref<81920xf32, #tpu.memory_space<vmem>>, vector<16xf32>,
          tpu.vector_store %arg10[%swap3A_255], %get3A_250 {add = true, strides = array<i32>} : memref<81920xf32, #tpu.memory_space<vmem>>, vector<16xf32>,
          %mul3A_257 = arith.constant 128 : i32
          %mul3A_258 = arith.muli %squeeze3A, %mul3A_257 : i32
          %add3A_259 = arith.constant 112 : i32
          %add3A_260 = arith.addi %mul3A_258, %add3A_259 : i32
          %get3A_261 = arith.index_cast %add3A_260 : i32 to index
          %get3A_262 = tpu.vector_load %arg11[%get3A_261] {strides = array<i32>} : memref<40960xf32, #tpu.memory_space<vmem>>, vector<16xf32>,
          %max3A_263 = arith.maximumf %get3A_262, %get3A_250 : vector<16xf32>
          %mul3A_264 = arith.constant 128 : i32
          %mul3A_265 = arith.muli %squeeze3A, %mul3A_264 : i32
          %add3A_266 = arith.constant 112 : i32
          %add3A_267 = arith.addi %mul3A_265, %add3A_266 : i32
          %swap3A_268 = arith.index_cast %add3A_267 : i32 to index
          %swap3A_269 = tpu.vector_load %arg11[%swap3A_268] {strides = array<i32>} : memref<40960xf32, #tpu.memory_space<vmem>>, vector<16xf32>,
          tpu.vector_store %arg11[%swap3A_268], %max3A_263 {strides = array<i32>} : memref<40960xf32, #tpu.memory_space<vmem>>, vector<16xf32>,
          %get3A_270 = arith.index_cast %while3A_90 : i32 to index
          %get3A_271 = arith.constant 128 : index
          %get3A_272 = tpu.vector_load %arg9[%get3A_270, %get3A_271] {strides = array<i32>} : memref<16x256xf32, #tpu.memory_space<vmem>>, vector<16xf32>,
          %mul3A_273 = arith.constant 256 : i32
          %mul3A_274 = arith.muli %squeeze3A, %mul3A_273 : i32
          %add3A_275 = arith.constant 128 : i32
          %add3A_276 = arith.addi %mul3A_274, %add3A_275 : i32
          %swap3A_277 = arith.index_cast %add3A_276 : i32 to index
          %swap3A_278 = tpu.vector_load %arg10[%swap3A_277] {strides = array<i32>} : memref<81920xf32, #tpu.memory_space<vmem>>, vector<16xf32>,
          tpu.vector_store %arg10[%swap3A_277], %get3A_272 {add = true, strides = array<i32>} : memref<81920xf32, #tpu.memory_space<vmem>>, vector<16xf32>,
          %get3A_279 = arith.index_cast %while3A_90 : i32 to index
          %get3A_280 = arith.constant 144 : index
          %get3A_281 = tpu.vector_load %arg9[%get3A_279, %get3A_280] {strides = array<i32>} : memref<16x256xf32, #tpu.memory_space<vmem>>, vector<16xf32>,
          %mul3A_282 = arith.constant 256 : i32
          %mul3A_283 = arith.muli %squeeze3A, %mul3A_282 : i32
          %add3A_284 = arith.constant 144 : i32
          %add3A_285 = arith.addi %mul3A_283, %add3A_284 : i32
          %swap3A_286 = arith.index_cast %add3A_285 : i32 to index
          %swap3A_287 = tpu.vector_load %arg10[%swap3A_286] {strides = array<i32>} : memref<81920xf32, #tpu.memory_space<vmem>>, vector<16xf32>,
          tpu.vector_store %arg10[%swap3A_286], %get3A_281 {add = true, strides = array<i32>} : memref<81920xf32, #tpu.memory_space<vmem>>, vector<16xf32>,
          %get3A_288 = arith.index_cast %while3A_90 : i32 to index
          %get3A_289 = arith.constant 160 : index
          %get3A_290 = tpu.vector_load %arg9[%get3A_288, %get3A_289] {strides = array<i32>} : memref<16x256xf32, #tpu.memory_space<vmem>>, vector<16xf32>,
          %mul3A_291 = arith.constant 256 : i32
          %mul3A_292 = arith.muli %squeeze3A, %mul3A_291 : i32
          %add3A_293 = arith.constant 160 : i32
          %add3A_294 = arith.addi %mul3A_292, %add3A_293 : i32
          %swap3A_295 = arith.index_cast %add3A_294 : i32 to index
          %swap3A_296 = tpu.vector_load %arg10[%swap3A_295] {strides = array<i32>} : memref<81920xf32, #tpu.memory_space<vmem>>, vector<16xf32>,
          tpu.vector_store %arg10[%swap3A_295], %get3A_290 {add = true, strides = array<i32>} : memref<81920xf32, #tpu.memory_space<vmem>>, vector<16xf32>,
          %get3A_297 = arith.index_cast %while3A_90 : i32 to index
          %get3A_298 = arith.constant 176 : index
          %get3A_299 = tpu.vector_load %arg9[%get3A_297, %get3A_298] {strides = array<i32>} : memref<16x256xf32, #tpu.memory_space<vmem>>, vector<16xf32>,
          %mul3A_300 = arith.constant 256 : i32
          %mul3A_301 = arith.muli %squeeze3A, %mul3A_300 : i32
          %add3A_302 = arith.constant 176 : i32
          %add3A_303 = arith.addi %mul3A_301, %add3A_302 : i32
          %swap3A_304 = arith.index_cast %add3A_303 : i32 to index
          %swap3A_305 = tpu.vector_load %arg10[%swap3A_304] {strides = array<i32>} : memref<81920xf32, #tpu.memory_space<vmem>>, vector<16xf32>,
          tpu.vector_store %arg10[%swap3A_304], %get3A_299 {add = true, strides = array<i32>} : memref<81920xf32, #tpu.memory_space<vmem>>, vector<16xf32>,
          %get3A_306 = arith.index_cast %while3A_90 : i32 to index
          %get3A_307 = arith.constant 192 : index
          %get3A_308 = tpu.vector_load %arg9[%get3A_306, %get3A_307] {strides = array<i32>} : memref<16x256xf32, #tpu.memory_space<vmem>>, vector<16xf32>,
          %mul3A_309 = arith.constant 256 : i32
          %mul3A_310 = arith.muli %squeeze3A, %mul3A_309 : i32
          %add3A_311 = arith.constant 192 : i32
          %add3A_312 = arith.addi %mul3A_310, %add3A_311 : i32
          %swap3A_313 = arith.index_cast %add3A_312 : i32 to index
          %swap3A_314 = tpu.vector_load %arg10[%swap3A_313] {strides = array<i32>} : memref<81920xf32, #tpu.memory_space<vmem>>, vector<16xf32>,
          tpu.vector_store %arg10[%swap3A_313], %get3A_308 {add = true, strides = array<i32>} : memref<81920xf32, #tpu.memory_space<vmem>>, vector<16xf32>,
          %get3A_315 = arith.index_cast %while3A_90 : i32 to index
          %get3A_316 = arith.constant 208 : index
          %get3A_317 = tpu.vector_load %arg9[%get3A_315, %get3A_316] {strides = array<i32>} : memref<16x256xf32, #tpu.memory_space<vmem>>, vector<16xf32>,
          %mul3A_318 = arith.constant 256 : i32
          %mul3A_319 = arith.muli %squeeze3A, %mul3A_318 : i32
          %add3A_320 = arith.constant 208 : i32
          %add3A_321 = arith.addi %mul3A_319, %add3A_320 : i32
          %swap3A_322 = arith.index_cast %add3A_321 : i32 to index
          %swap3A_323 = tpu.vector_load %arg10[%swap3A_322] {strides = array<i32>} : memref<81920xf32, #tpu.memory_space<vmem>>, vector<16xf32>,
          tpu.vector_store %arg10[%swap3A_322], %get3A_317 {add = true, strides = array<i32>} : memref<81920xf32, #tpu.memory_space<vmem>>, vector<16xf32>,
          %get3A_324 = arith.index_cast %while3A_90 : i32 to index
          %get3A_325 = arith.constant 224 : index
          %get3A_326 = tpu.vector_load %arg9[%get3A_324, %get3A_325] {strides = array<i32>} : memref<16x256xf32, #tpu.memory_space<vmem>>, vector<16xf32>,
          %mul3A_327 = arith.constant 256 : i32
          %mul3A_328 = arith.muli %squeeze3A, %mul3A_327 : i32
          %add3A_329 = arith.constant 224 : i32
          %add3A_330 = arith.addi %mul3A_328, %add3A_329 : i32
          %swap3A_331 = arith.index_cast %add3A_330 : i32 to index
          %swap3A_332 = tpu.vector_load %arg10[%swap3A_331] {strides = array<i32>} : memref<81920xf32, #tpu.memory_space<vmem>>, vector<16xf32>,
          tpu.vector_store %arg10[%swap3A_331], %get3A_326 {add = true, strides = array<i32>} : memref<81920xf32, #tpu.memory_space<vmem>>, vector<16xf32>,
          %get3A_333 = arith.index_cast %while3A_90 : i32 to index
          %get3A_334 = arith.constant 240 : index
          %get3A_335 = tpu.vector_load %arg9[%get3A_333, %get3A_334] {strides = array<i32>} : memref<16x256xf32, #tpu.memory_space<vmem>>, vector<16xf32>,
          %mul3A_336 = arith.constant 256 : i32
          %mul3A_337 = arith.muli %squeeze3A, %mul3A_336 : i32
          %add3A_338 = arith.constant 240 : i32
          %add3A_339 = arith.addi %mul3A_337, %add3A_338 : i32
          %swap3A_340 = arith.index_cast %add3A_339 : i32 to index
          %swap3A_341 = tpu.vector_load %arg10[%swap3A_340] {strides = array<i32>} : memref<81920xf32, #tpu.memory_space<vmem>>, vector<16xf32>,
          tpu.vector_store %arg10[%swap3A_340], %get3A_335 {add = true, strides = array<i32>} : memref<81920xf32, #tpu.memory_space<vmem>>, vector<16xf32>,
        }
      }
      %while3A_67 = arith.constant 1 : i32
      scf.for %while3A_68 = %while3A_65 to %while3A_61 step %while3A_67  : i32 {
        %mul3A_69 = arith.constant 16 : i32
        %mul3A_70 = arith.muli %while3A_68, %mul3A_69 : i32
        %get3A = arith.index_cast %mul3A_70 : i32 to index
        %get3A_71 = tpu.vector_load %arg7[%get3A] {strides = array<i32>} : memref<816xi32, #tpu.memory_space<vmem>>, vector<16xi32>,
        %dma_start3A = arith.constant 0 : i32
        %dma_start3A_72 = arith.constant 0 : i32
        %dma_start3A_73 = tpu.memref_slice %arg3[%dma_start3A, %dma_start3A_72] : memref<10240x256xf32, #tpu.memory_space<hbm>> -> memref<10240x256xf32, #tpu.memory_space<hbm>>
        tpu.enqueue_indirect_dma source(%dma_start3A_73 : memref<10240x256xf32, #tpu.memory_space<hbm>>) target(%arg9 : memref<16x256xf32, #tpu.memory_space<vmem>>) offsets(%get3A_71 : vector<16xi32>) semaphore(%arg12 : memref<!tpu.dma_semaphore, #tpu.memory_space<semaphore_mem>>)
        %dma_wait3A = arith.constant 0 : i32
        %dma_wait3A_74 = arith.constant 0 : i32
        %dma_wait3A_75 = tpu.memref_slice %arg3[%dma_wait3A, %dma_wait3A_74] : memref<10240x256xf32, #tpu.memory_space<hbm>> -> memref<10240x256xf32, #tpu.memory_space<hbm>>
        tpu.wait_indirect_dma semaphore(%arg12 : memref<!tpu.dma_semaphore, #tpu.memory_space<semaphore_mem>>) src(%dma_wait3A_75 : memref<10240x256xf32, #tpu.memory_space<hbm>>) dst(%arg9 : memref<16x256xf32, #tpu.memory_space<vmem>>)
        %mul3A_76 = arith.constant 16 : i32
        %mul3A_77 = arith.muli %while3A_68, %mul3A_76 : i32
        %sub3A_78 = arith.subi %scan3A_37, %mul3A_77 : i32
        %min3A = arith.constant 16 : i32
        %min3A_79 = arith.minsi %sub3A_78, %min3A : i32
        %while3A_80 = arith.constant 0 : i32
        %while3A_81 = arith.constant 0 : i32
        %while3A_82 = arith.subi %min3A_79, %while3A_81 : i32
        %while3A_83 = arith.addi %while3A_81, %while3A_82 : i32
        %while3A_84 = arith.constant 1 : i32
        %while3A_85 = arith.divsi %while3A_82, %while3A_84 : i32
        %while3A_86 = arith.muli %while3A_85, %while3A_84 : i32
        %while3A_87 = arith.addi %while3A_81, %while3A_86 : i32
        %while3A_88 = arith.constant 1 : i32
        scf.for %while3A_90 = %while3A_81 to %while3A_87 step %while3A_88  : i32 {
          %mul3A_91 = arith.constant 16 : i32
          %mul3A_92 = arith.muli %while3A_68, %mul3A_91 : i32
          %add3A_93 = arith.addi %mul3A_92, %while3A_90 : i32
          %get3A_94 = arith.index_cast %add3A_93 : i32 to index
          %get3A_95 = tpu.vector_load %arg8[%get3A_94] {strides = array<i32>} : memref<816xi32, #tpu.memory_space<vmem>>, vector<16xi32>,
          %slice3A = vector.extract_strided_slice %get3A_95 {offsets = [0], sizes = [1], strides = [1]} : vector<16xi32> to vector<1xi32>
          %squeeze3A = vector.extract %slice3A[0] : i32 from vector<1xi32>
          %get3A_96 = arith.index_cast %while3A_90 : i32 to index
          %get3A_97 = arith.constant 0 : index
          %get3A_98 = tpu.vector_load %arg9[%get3A_96, %get3A_97] {strides = array<i32>} : memref<16x256xf32, #tpu.memory_space<vmem>>, vector<16xf32>,
          %mul3A_99 = arith.constant 256 : i32
          %mul3A_100 = arith.muli %squeeze3A, %mul3A_99 : i32
          %add3A_101 = arith.constant 0 : i32
          %add3A_102 = arith.addi %mul3A_100, %add3A_101 : i32
          %swap3A = arith.index_cast %add3A_102 : i32 to index
          %swap3A_103 = tpu.vector_load %arg10[%swap3A] {strides = array<i32>} : memref<81920xf32, #tpu.memory_space<vmem>>, vector<16xf32>,
          tpu.vector_store %arg10[%swap3A], %get3A_98 {add = true, strides = array<i32>} : memref<81920xf32, #tpu.memory_space<vmem>>, vector<16xf32>,
          %mul3A_104 = arith.constant 128 : i32
          %mul3A_105 = arith.muli %squeeze3A, %mul3A_104 : i32
          %add3A_106 = arith.constant 0 : i32
          %add3A_107 = arith.addi %mul3A_105, %add3A_106 : i32
          %get3A_108 = arith.index_cast %add3A_107 : i32 to index
          %get3A_109 = tpu.vector_load %arg11[%get3A_108] {strides = array<i32>} : memref<40960xf32, #tpu.memory_space<vmem>>, vector<16xf32>,
          %max3A = arith.maximumf %get3A_109, %get3A_98 : vector<16xf32>
          %mul3A_110 = arith.constant 128 : i32
          %mul3A_111 = arith.muli %squeeze3A, %mul3A_110 : i32
          %add3A_112 = arith.constant 0 : i32
          %add3A_113 = arith.addi %mul3A_111, %add3A_112 : i32
          %swap3A_114 = arith.index_cast %add3A_113 : i32 to index
          %swap3A_115 = tpu.vector_load %arg11[%swap3A_114] {strides = array<i32>} : memref<40960xf32, #tpu.memory_space<vmem>>, vector<16xf32>,
          tpu.vector_store %arg11[%swap3A_114], %max3A {strides = array<i32>} : memref<40960xf32, #tpu.memory_space<vmem>>, vector<16xf32>,
          %get3A_116 = arith.index_cast %while3A_90 : i32 to index
          %get3A_117 = arith.constant 16 : index
          %get3A_118 = tpu.vector_load %arg9[%get3A_116, %get3A_117] {strides = array<i32>} : memref<16x256xf32, #tpu.memory_space<vmem>>, vector<16xf32>,
          %mul3A_119 = arith.constant 256 : i32
          %mul3A_120 = arith.muli %squeeze3A, %mul3A_119 : i32
          %add3A_121 = arith.constant 16 : i32
          %add3A_122 = arith.addi %mul3A_120, %add3A_121 : i32
          %swap3A_123 = arith.index_cast %add3A_122 : i32 to index
          %swap3A_124 = tpu.vector_load %arg10[%swap3A_123] {strides = array<i32>} : memref<81920xf32, #tpu.memory_space<vmem>>, vector<16xf32>,
          tpu.vector_store %arg10[%swap3A_123], %get3A_118 {add = true, strides = array<i32>} : memref<81920xf32, #tpu.memory_space<vmem>>, vector<16xf32>,
          %mul3A_125 = arith.constant 128 : i32
          %mul3A_126 = arith.muli %squeeze3A, %mul3A_125 : i32
          %add3A_127 = arith.constant 16 : i32
          %add3A_128 = arith.addi %mul3A_126, %add3A_127 : i32
          %get3A_129 = arith.index_cast %add3A_128 : i32 to index
          %get3A_130 = tpu.vector_load %arg11[%get3A_129] {strides = array<i32>} : memref<40960xf32, #tpu.memory_space<vmem>>, vector<16xf32>,
          %max3A_131 = arith.maximumf %get3A_130, %get3A_118 : vector<16xf32>
          %mul3A_132 = arith.constant 128 : i32
          %mul3A_133 = arith.muli %squeeze3A, %mul3A_132 : i32
          %add3A_134 = arith.constant 16 : i32
          %add3A_135 = arith.addi %mul3A_133, %add3A_134 : i32
          %swap3A_136 = arith.index_cast %add3A_135 : i32 to index
          %swap3A_137 = tpu.vector_load %arg11[%swap3A_136] {strides = array<i32>} : memref<40960xf32, #tpu.memory_space<vmem>>, vector<16xf32>,
          tpu.vector_store %arg11[%swap3A_136], %max3A_131 {strides = array<i32>} : memref<40960xf32, #tpu.memory_space<vmem>>, vector<16xf32>,
          %get3A_138 = arith.index_cast %while3A_90 : i32 to index
          %get3A_139 = arith.constant 32 : index
          %get3A_140 = tpu.vector_load %arg9[%get3A_138, %get3A_139] {strides = array<i32>} : memref<16x256xf32, #tpu.memory_space<vmem>>, vector<16xf32>,
          %mul3A_141 = arith.constant 256 : i32
          %mul3A_142 = arith.muli %squeeze3A, %mul3A_141 : i32
          %add3A_143 = arith.constant 32 : i32
          %add3A_144 = arith.addi %mul3A_142, %add3A_143 : i32
          %swap3A_145 = arith.index_cast %add3A_144 : i32 to index
          %swap3A_146 = tpu.vector_load %arg10[%swap3A_145] {strides = array<i32>} : memref<81920xf32, #tpu.memory_space<vmem>>, vector<16xf32>,
          tpu.vector_store %arg10[%swap3A_145], %get3A_140 {add = true, strides = array<i32>} : memref<81920xf32, #tpu.memory_space<vmem>>, vector<16xf32>,
          %mul3A_147 = arith.constant 128 : i32
          %mul3A_148 = arith.muli %squeeze3A, %mul3A_147 : i32
          %add3A_149 = arith.constant 32 : i32
          %add3A_150 = arith.addi %mul3A_148, %add3A_149 : i32
          %get3A_151 = arith.index_cast %add3A_150 : i32 to index
          %get3A_152 = tpu.vector_load %arg11[%get3A_151] {strides = array<i32>} : memref<40960xf32, #tpu.memory_space<vmem>>, vector<16xf32>,
          %max3A_153 = arith.maximumf %get3A_152, %get3A_140 : vector<16xf32>
          %mul3A_154 = arith.constant 128 : i32
          %mul3A_155 = arith.muli %squeeze3A, %mul3A_154 : i32
          %add3A_156 = arith.constant 32 : i32
          %add3A_157 = arith.addi %mul3A_155, %add3A_156 : i32
          %swap3A_158 = arith.index_cast %add3A_157 : i32 to index
          %swap3A_159 = tpu.vector_load %arg11[%swap3A_158] {strides = array<i32>} : memref<40960xf32, #tpu.memory_space<vmem>>, vector<16xf32>,
          tpu.vector_store %arg11[%swap3A_158], %max3A_153 {strides = array<i32>} : memref<40960xf32, #tpu.memory_space<vmem>>, vector<16xf32>,
          %get3A_160 = arith.index_cast %while3A_90 : i32 to index
          %get3A_161 = arith.constant 48 : index
          %get3A_162 = tpu.vector_load %arg9[%get3A_160, %get3A_161] {strides = array<i32>} : memref<16x256xf32, #tpu.memory_space<vmem>>, vector<16xf32>,
          %mul3A_163 = arith.constant 256 : i32
          %mul3A_164 = arith.muli %squeeze3A, %mul3A_163 : i32
          %add3A_165 = arith.constant 48 : i32
          %add3A_166 = arith.addi %mul3A_164, %add3A_165 : i32
          %swap3A_167 = arith.index_cast %add3A_166 : i32 to index
          %swap3A_168 = tpu.vector_load %arg10[%swap3A_167] {strides = array<i32>} : memref<81920xf32, #tpu.memory_space<vmem>>, vector<16xf32>,
          tpu.vector_store %arg10[%swap3A_167], %get3A_162 {add = true, strides = array<i32>} : memref<81920xf32, #tpu.memory_space<vmem>>, vector<16xf32>,
          %mul3A_169 = arith.constant 128 : i32
          %mul3A_170 = arith.muli %squeeze3A, %mul3A_169 : i32
          %add3A_171 = arith.constant 48 : i32
          %add3A_172 = arith.addi %mul3A_170, %add3A_171 : i32
          %get3A_173 = arith.index_cast %add3A_172 : i32 to index
          %get3A_174 = tpu.vector_load %arg11[%get3A_173] {strides = array<i32>} : memref<40960xf32, #tpu.memory_space<vmem>>, vector<16xf32>,
          %max3A_175 = arith.maximumf %get3A_174, %get3A_162 : vector<16xf32>
          %mul3A_176 = arith.constant 128 : i32
          %mul3A_177 = arith.muli %squeeze3A, %mul3A_176 : i32
          %add3A_178 = arith.constant 48 : i32
          %add3A_179 = arith.addi %mul3A_177, %add3A_178 : i32
          %swap3A_180 = arith.index_cast %add3A_179 : i32 to index
          %swap3A_181 = tpu.vector_load %arg11[%swap3A_180] {strides = array<i32>} : memref<40960xf32, #tpu.memory_space<vmem>>, vector<16xf32>,
          tpu.vector_store %arg11[%swap3A_180], %max3A_175 {strides = array<i32>} : memref<40960xf32, #tpu.memory_space<vmem>>, vector<16xf32>,
          %get3A_182 = arith.index_cast %while3A_90 : i32 to index
          %get3A_183 = arith.constant 64 : index
          %get3A_184 = tpu.vector_load %arg9[%get3A_182, %get3A_183] {strides = array<i32>} : memref<16x256xf32, #tpu.memory_space<vmem>>, vector<16xf32>,
          %mul3A_185 = arith.constant 256 : i32
          %mul3A_186 = arith.muli %squeeze3A, %mul3A_185 : i32
          %add3A_187 = arith.constant 64 : i32
          %add3A_188 = arith.addi %mul3A_186, %add3A_187 : i32
          %swap3A_189 = arith.index_cast %add3A_188 : i32 to index
          %swap3A_190 = tpu.vector_load %arg10[%swap3A_189] {strides = array<i32>} : memref<81920xf32, #tpu.memory_space<vmem>>, vector<16xf32>,
          tpu.vector_store %arg10[%swap3A_189], %get3A_184 {add = true, strides = array<i32>} : memref<81920xf32, #tpu.memory_space<vmem>>, vector<16xf32>,
          %mul3A_191 = arith.constant 128 : i32
          %mul3A_192 = arith.muli %squeeze3A, %mul3A_191 : i32
          %add3A_193 = arith.constant 64 : i32
          %add3A_194 = arith.addi %mul3A_192, %add3A_193 : i32
          %get3A_195 = arith.index_cast %add3A_194 : i32 to index
          %get3A_196 = tpu.vector_load %arg11[%get3A_195] {strides = array<i32>} : memref<40960xf32, #tpu.memory_space<vmem>>, vector<16xf32>,
          %max3A_197 = arith.maximumf %get3A_196, %get3A_184 : vector<16xf32>
          %mul3A_198 = arith.constant 128 : i32
          %mul3A_199 = arith.muli %squeeze3A, %mul3A_198 : i32
          %add3A_200 = arith.constant 64 : i32
          %add3A_201 = arith.addi %mul3A_199, %add3A_200 : i32
          %swap3A_202 = arith.index_cast %add3A_201 : i32 to index
          %swap3A_203 = tpu.vector_load %arg11[%swap3A_202] {strides = array<i32>} : memref<40960xf32, #tpu.memory_space<vmem>>, vector<16xf32>,
          tpu.vector_store %arg11[%swap3A_202], %max3A_197 {strides = array<i32>} : memref<40960xf32, #tpu.memory_space<vmem>>, vector<16xf32>,
          %get3A_204 = arith.index_cast %while3A_90 : i32 to index
          %get3A_205 = arith.constant 80 : index
          %get3A_206 = tpu.vector_load %arg9[%get3A_204, %get3A_205] {strides = array<i32>} : memref<16x256xf32, #tpu.memory_space<vmem>>, vector<16xf32>,
          %mul3A_207 = arith.constant 256 : i32
          %mul3A_208 = arith.muli %squeeze3A, %mul3A_207 : i32
          %add3A_209 = arith.constant 80 : i32
          %add3A_210 = arith.addi %mul3A_208, %add3A_209 : i32
          %swap3A_211 = arith.index_cast %add3A_210 : i32 to index
          %swap3A_212 = tpu.vector_load %arg10[%swap3A_211] {strides = array<i32>} : memref<81920xf32, #tpu.memory_space<vmem>>, vector<16xf32>,
          tpu.vector_store %arg10[%swap3A_211], %get3A_206 {add = true, strides = array<i32>} : memref<81920xf32, #tpu.memory_space<vmem>>, vector<16xf32>,
          %mul3A_213 = arith.constant 128 : i32
          %mul3A_214 = arith.muli %squeeze3A, %mul3A_213 : i32
          %add3A_215 = arith.constant 80 : i32
          %add3A_216 = arith.addi %mul3A_214, %add3A_215 : i32
          %get3A_217 = arith.index_cast %add3A_216 : i32 to index
          %get3A_218 = tpu.vector_load %arg11[%get3A_217] {strides = array<i32>} : memref<40960xf32, #tpu.memory_space<vmem>>, vector<16xf32>,
          %max3A_219 = arith.maximumf %get3A_218, %get3A_206 : vector<16xf32>
          %mul3A_220 = arith.constant 128 : i32
          %mul3A_221 = arith.muli %squeeze3A, %mul3A_220 : i32
          %add3A_222 = arith.constant 80 : i32
          %add3A_223 = arith.addi %mul3A_221, %add3A_222 : i32
          %swap3A_224 = arith.index_cast %add3A_223 : i32 to index
          %swap3A_225 = tpu.vector_load %arg11[%swap3A_224] {strides = array<i32>} : memref<40960xf32, #tpu.memory_space<vmem>>, vector<16xf32>,
          tpu.vector_store %arg11[%swap3A_224], %max3A_219 {strides = array<i32>} : memref<40960xf32, #tpu.memory_space<vmem>>, vector<16xf32>,
          %get3A_226 = arith.index_cast %while3A_90 : i32 to index
          %get3A_227 = arith.constant 96 : index
          %get3A_228 = tpu.vector_load %arg9[%get3A_226, %get3A_227] {strides = array<i32>} : memref<16x256xf32, #tpu.memory_space<vmem>>, vector<16xf32>,
          %mul3A_229 = arith.constant 256 : i32
          %mul3A_230 = arith.muli %squeeze3A, %mul3A_229 : i32
          %add3A_231 = arith.constant 96 : i32
          %add3A_232 = arith.addi %mul3A_230, %add3A_231 : i32
          %swap3A_233 = arith.index_cast %add3A_232 : i32 to index
          %swap3A_234 = tpu.vector_load %arg10[%swap3A_233] {strides = array<i32>} : memref<81920xf32, #tpu.memory_space<vmem>>, vector<16xf32>,
          tpu.vector_store %arg10[%swap3A_233], %get3A_228 {add = true, strides = array<i32>} : memref<81920xf32, #tpu.memory_space<vmem>>, vector<16xf32>,
          %mul3A_235 = arith.constant 128 : i32
          %mul3A_236 = arith.muli %squeeze3A, %mul3A_235 : i32
          %add3A_237 = arith.constant 96 : i32
          %add3A_238 = arith.addi %mul3A_236, %add3A_237 : i32
          %get3A_239 = arith.index_cast %add3A_238 : i32 to index
          %get3A_240 = tpu.vector_load %arg11[%get3A_239] {strides = array<i32>} : memref<40960xf32, #tpu.memory_space<vmem>>, vector<16xf32>,
          %max3A_241 = arith.maximumf %get3A_240, %get3A_228 : vector<16xf32>
          %mul3A_242 = arith.constant 128 : i32
          %mul3A_243 = arith.muli %squeeze3A, %mul3A_242 : i32
          %add3A_244 = arith.constant 96 : i32
          %add3A_245 = arith.addi %mul3A_243, %add3A_244 : i32
          %swap3A_246 = arith.index_cast %add3A_245 : i32 to index
          %swap3A_247 = tpu.vector_load %arg11[%swap3A_246] {strides = array<i32>} : memref<40960xf32, #tpu.memory_space<vmem>>, vector<16xf32>,
          tpu.vector_store %arg11[%swap3A_246], %max3A_241 {strides = array<i32>} : memref<40960xf32, #tpu.memory_space<vmem>>, vector<16xf32>,
          %get3A_248 = arith.index_cast %while3A_90 : i32 to index
          %get3A_249 = arith.constant 112 : index
          %get3A_250 = tpu.vector_load %arg9[%get3A_248, %get3A_249] {strides = array<i32>} : memref<16x256xf32, #tpu.memory_space<vmem>>, vector<16xf32>,
          %mul3A_251 = arith.constant 256 : i32
          %mul3A_252 = arith.muli %squeeze3A, %mul3A_251 : i32
          %add3A_253 = arith.constant 112 : i32
          %add3A_254 = arith.addi %mul3A_252, %add3A_253 : i32
          %swap3A_255 = arith.index_cast %add3A_254 : i32 to index
          %swap3A_256 = tpu.vector_load %arg10[%swap3A_255] {strides = array<i32>} : memref<81920xf32, #tpu.memory_space<vmem>>, vector<16xf32>,
          tpu.vector_store %arg10[%swap3A_255], %get3A_250 {add = true, strides = array<i32>} : memref<81920xf32, #tpu.memory_space<vmem>>, vector<16xf32>,
          %mul3A_257 = arith.constant 128 : i32
          %mul3A_258 = arith.muli %squeeze3A, %mul3A_257 : i32
          %add3A_259 = arith.constant 112 : i32
          %add3A_260 = arith.addi %mul3A_258, %add3A_259 : i32
          %get3A_261 = arith.index_cast %add3A_260 : i32 to index
          %get3A_262 = tpu.vector_load %arg11[%get3A_261] {strides = array<i32>} : memref<40960xf32, #tpu.memory_space<vmem>>, vector<16xf32>,
          %max3A_263 = arith.maximumf %get3A_262, %get3A_250 : vector<16xf32>
          %mul3A_264 = arith.constant 128 : i32
          %mul3A_265 = arith.muli %squeeze3A, %mul3A_264 : i32
          %add3A_266 = arith.constant 112 : i32
          %add3A_267 = arith.addi %mul3A_265, %add3A_266 : i32
          %swap3A_268 = arith.index_cast %add3A_267 : i32 to index
          %swap3A_269 = tpu.vector_load %arg11[%swap3A_268] {strides = array<i32>} : memref<40960xf32, #tpu.memory_space<vmem>>, vector<16xf32>,
          tpu.vector_store %arg11[%swap3A_268], %max3A_263 {strides = array<i32>} : memref<40960xf32, #tpu.memory_space<vmem>>, vector<16xf32>,
          %get3A_270 = arith.index_cast %while3A_90 : i32 to index
          %get3A_271 = arith.constant 128 : index
          %get3A_272 = tpu.vector_load %arg9[%get3A_270, %get3A_271] {strides = array<i32>} : memref<16x256xf32, #tpu.memory_space<vmem>>, vector<16xf32>,
          %mul3A_273 = arith.constant 256 : i32
          %mul3A_274 = arith.muli %squeeze3A, %mul3A_273 : i32
          %add3A_275 = arith.constant 128 : i32
          %add3A_276 = arith.addi %mul3A_274, %add3A_275 : i32
          %swap3A_277 = arith.index_cast %add3A_276 : i32 to index
          %swap3A_278 = tpu.vector_load %arg10[%swap3A_277] {strides = array<i32>} : memref<81920xf32, #tpu.memory_space<vmem>>, vector<16xf32>,
          tpu.vector_store %arg10[%swap3A_277], %get3A_272 {add = true, strides = array<i32>} : memref<81920xf32, #tpu.memory_space<vmem>>, vector<16xf32>,
          %get3A_279 = arith.index_cast %while3A_90 : i32 to index
          %get3A_280 = arith.constant 144 : index
          %get3A_281 = tpu.vector_load %arg9[%get3A_279, %get3A_280] {strides = array<i32>} : memref<16x256xf32, #tpu.memory_space<vmem>>, vector<16xf32>,
          %mul3A_282 = arith.constant 256 : i32
          %mul3A_283 = arith.muli %squeeze3A, %mul3A_282 : i32
          %add3A_284 = arith.constant 144 : i32
          %add3A_285 = arith.addi %mul3A_283, %add3A_284 : i32
          %swap3A_286 = arith.index_cast %add3A_285 : i32 to index
          %swap3A_287 = tpu.vector_load %arg10[%swap3A_286] {strides = array<i32>} : memref<81920xf32, #tpu.memory_space<vmem>>, vector<16xf32>,
          tpu.vector_store %arg10[%swap3A_286], %get3A_281 {add = true, strides = array<i32>} : memref<81920xf32, #tpu.memory_space<vmem>>, vector<16xf32>,
          %get3A_288 = arith.index_cast %while3A_90 : i32 to index
          %get3A_289 = arith.constant 160 : index
          %get3A_290 = tpu.vector_load %arg9[%get3A_288, %get3A_289] {strides = array<i32>} : memref<16x256xf32, #tpu.memory_space<vmem>>, vector<16xf32>,
          %mul3A_291 = arith.constant 256 : i32
          %mul3A_292 = arith.muli %squeeze3A, %mul3A_291 : i32
          %add3A_293 = arith.constant 160 : i32
          %add3A_294 = arith.addi %mul3A_292, %add3A_293 : i32
          %swap3A_295 = arith.index_cast %add3A_294 : i32 to index
          %swap3A_296 = tpu.vector_load %arg10[%swap3A_295] {strides = array<i32>} : memref<81920xf32, #tpu.memory_space<vmem>>, vector<16xf32>,
          tpu.vector_store %arg10[%swap3A_295], %get3A_290 {add = true, strides = array<i32>} : memref<81920xf32, #tpu.memory_space<vmem>>, vector<16xf32>,
          %get3A_297 = arith.index_cast %while3A_90 : i32 to index
          %get3A_298 = arith.constant 176 : index
          %get3A_299 = tpu.vector_load %arg9[%get3A_297, %get3A_298] {strides = array<i32>} : memref<16x256xf32, #tpu.memory_space<vmem>>, vector<16xf32>,
          %mul3A_300 = arith.constant 256 : i32
          %mul3A_301 = arith.muli %squeeze3A, %mul3A_300 : i32
          %add3A_302 = arith.constant 176 : i32
          %add3A_303 = arith.addi %mul3A_301, %add3A_302 : i32
          %swap3A_304 = arith.index_cast %add3A_303 : i32 to index
          %swap3A_305 = tpu.vector_load %arg10[%swap3A_304] {strides = array<i32>} : memref<81920xf32, #tpu.memory_space<vmem>>, vector<16xf32>,
          tpu.vector_store %arg10[%swap3A_304], %get3A_299 {add = true, strides = array<i32>} : memref<81920xf32, #tpu.memory_space<vmem>>, vector<16xf32>,
          %get3A_306 = arith.index_cast %while3A_90 : i32 to index
          %get3A_307 = arith.constant 192 : index
          %get3A_308 = tpu.vector_load %arg9[%get3A_306, %get3A_307] {strides = array<i32>} : memref<16x256xf32, #tpu.memory_space<vmem>>, vector<16xf32>,
          %mul3A_309 = arith.constant 256 : i32
          %mul3A_310 = arith.muli %squeeze3A, %mul3A_309 : i32
          %add3A_311 = arith.constant 192 : i32
          %add3A_312 = arith.addi %mul3A_310, %add3A_311 : i32
          %swap3A_313 = arith.index_cast %add3A_312 : i32 to index
          %swap3A_314 = tpu.vector_load %arg10[%swap3A_313] {strides = array<i32>} : memref<81920xf32, #tpu.memory_space<vmem>>, vector<16xf32>,
          tpu.vector_store %arg10[%swap3A_313], %get3A_308 {add = true, strides = array<i32>} : memref<81920xf32, #tpu.memory_space<vmem>>, vector<16xf32>,
          %get3A_315 = arith.index_cast %while3A_90 : i32 to index
          %get3A_316 = arith.constant 208 : index
          %get3A_317 = tpu.vector_load %arg9[%get3A_315, %get3A_316] {strides = array<i32>} : memref<16x256xf32, #tpu.memory_space<vmem>>, vector<16xf32>,
          %mul3A_318 = arith.constant 256 : i32
          %mul3A_319 = arith.muli %squeeze3A, %mul3A_318 : i32
          %add3A_320 = arith.constant 208 : i32
          %add3A_321 = arith.addi %mul3A_319, %add3A_320 : i32
          %swap3A_322 = arith.index_cast %add3A_321 : i32 to index
          %swap3A_323 = tpu.vector_load %arg10[%swap3A_322] {strides = array<i32>} : memref<81920xf32, #tpu.memory_space<vmem>>, vector<16xf32>,
          tpu.vector_store %arg10[%swap3A_322], %get3A_317 {add = true, strides = array<i32>} : memref<81920xf32, #tpu.memory_space<vmem>>, vector<16xf32>,
          %get3A_324 = arith.index_cast %while3A_90 : i32 to index
          %get3A_325 = arith.constant 224 : index
          %get3A_326 = tpu.vector_load %arg9[%get3A_324, %get3A_325] {strides = array<i32>} : memref<16x256xf32, #tpu.memory_space<vmem>>, vector<16xf32>,
          %mul3A_327 = arith.constant 256 : i32
          %mul3A_328 = arith.muli %squeeze3A, %mul3A_327 : i32
          %add3A_329 = arith.constant 224 : i32
          %add3A_330 = arith.addi %mul3A_328, %add3A_329 : i32
          %swap3A_331 = arith.index_cast %add3A_330 : i32 to index
          %swap3A_332 = tpu.vector_load %arg10[%swap3A_331] {strides = array<i32>} : memref<81920xf32, #tpu.memory_space<vmem>>, vector<16xf32>,
          tpu.vector_store %arg10[%swap3A_331], %get3A_326 {add = true, strides = array<i32>} : memref<81920xf32, #tpu.memory_space<vmem>>, vector<16xf32>,
          %get3A_333 = arith.index_cast %while3A_90 : i32 to index
          %get3A_334 = arith.constant 240 : index
          %get3A_335 = tpu.vector_load %arg9[%get3A_333, %get3A_334] {strides = array<i32>} : memref<16x256xf32, #tpu.memory_space<vmem>>, vector<16xf32>,
          %mul3A_336 = arith.constant 256 : i32
          %mul3A_337 = arith.muli %squeeze3A, %mul3A_336 : i32
          %add3A_338 = arith.constant 240 : i32
          %add3A_339 = arith.addi %mul3A_337, %add3A_338 : i32
          %swap3A_340 = arith.index_cast %add3A_339 : i32 to index
          %swap3A_341 = tpu.vector_load %arg10[%swap3A_340] {strides = array<i32>} : memref<81920xf32, #tpu.memory_space<vmem>>, vector<16xf32>,
          tpu.vector_store %arg10[%swap3A_340], %get3A_335 {add = true, strides = array<i32>} : memref<81920xf32, #tpu.memory_space<vmem>>, vector<16xf32>,
        }
        %while3A_89 = arith.constant 1 : i32
        scf.for %while3A_90 = %while3A_87 to %while3A_83 step %while3A_89  : i32 {
          %mul3A_91 = arith.constant 16 : i32
          %mul3A_92 = arith.muli %while3A_68, %mul3A_91 : i32
          %add3A_93 = arith.addi %mul3A_92, %while3A_90 : i32
          %get3A_94 = arith.index_cast %add3A_93 : i32 to index
          %get3A_95 = tpu.vector_load %arg8[%get3A_94] {strides = array<i32>} : memref<816xi32, #tpu.memory_space<vmem>>, vector<16xi32>,
          %slice3A = vector.extract_strided_slice %get3A_95 {offsets = [0], sizes = [1], strides = [1]} : vector<16xi32> to vector<1xi32>
          %squeeze3A = vector.extract %slice3A[0] : i32 from vector<1xi32>
          %get3A_96 = arith.index_cast %while3A_90 : i32 to index
          %get3A_97 = arith.constant 0 : index
          %get3A_98 = tpu.vector_load %arg9[%get3A_96, %get3A_97] {strides = array<i32>} : memref<16x256xf32, #tpu.memory_space<vmem>>, vector<16xf32>,
          %mul3A_99 = arith.constant 256 : i32
          %mul3A_100 = arith.muli %squeeze3A, %mul3A_99 : i32
          %add3A_101 = arith.constant 0 : i32
          %add3A_102 = arith.addi %mul3A_100, %add3A_101 : i32
          %swap3A = arith.index_cast %add3A_102 : i32 to index
          %swap3A_103 = tpu.vector_load %arg10[%swap3A] {strides = array<i32>} : memref<81920xf32, #tpu.memory_space<vmem>>, vector<16xf32>,
          tpu.vector_store %arg10[%swap3A], %get3A_98 {add = true, strides = array<i32>} : memref<81920xf32, #tpu.memory_space<vmem>>, vector<16xf32>,
          %mul3A_104 = arith.constant 128 : i32
          %mul3A_105 = arith.muli %squeeze3A, %mul3A_104 : i32
          %add3A_106 = arith.constant 0 : i32
          %add3A_107 = arith.addi %mul3A_105, %add3A_106 : i32
          %get3A_108 = arith.index_cast %add3A_107 : i32 to index
          %get3A_109 = tpu.vector_load %arg11[%get3A_108] {strides = array<i32>} : memref<40960xf32, #tpu.memory_space<vmem>>, vector<16xf32>,
          %max3A = arith.maximumf %get3A_109, %get3A_98 : vector<16xf32>
          %mul3A_110 = arith.constant 128 : i32
          %mul3A_111 = arith.muli %squeeze3A, %mul3A_110 : i32
          %add3A_112 = arith.constant 0 : i32
          %add3A_113 = arith.addi %mul3A_111, %add3A_112 : i32
          %swap3A_114 = arith.index_cast %add3A_113 : i32 to index
          %swap3A_115 = tpu.vector_load %arg11[%swap3A_114] {strides = array<i32>} : memref<40960xf32, #tpu.memory_space<vmem>>, vector<16xf32>,
          tpu.vector_store %arg11[%swap3A_114], %max3A {strides = array<i32>} : memref<40960xf32, #tpu.memory_space<vmem>>, vector<16xf32>,
          %get3A_116 = arith.index_cast %while3A_90 : i32 to index
          %get3A_117 = arith.constant 16 : index
          %get3A_118 = tpu.vector_load %arg9[%get3A_116, %get3A_117] {strides = array<i32>} : memref<16x256xf32, #tpu.memory_space<vmem>>, vector<16xf32>,
          %mul3A_119 = arith.constant 256 : i32
          %mul3A_120 = arith.muli %squeeze3A, %mul3A_119 : i32
          %add3A_121 = arith.constant 16 : i32
          %add3A_122 = arith.addi %mul3A_120, %add3A_121 : i32
          %swap3A_123 = arith.index_cast %add3A_122 : i32 to index
          %swap3A_124 = tpu.vector_load %arg10[%swap3A_123] {strides = array<i32>} : memref<81920xf32, #tpu.memory_space<vmem>>, vector<16xf32>,
          tpu.vector_store %arg10[%swap3A_123], %get3A_118 {add = true, strides = array<i32>} : memref<81920xf32, #tpu.memory_space<vmem>>, vector<16xf32>,
          %mul3A_125 = arith.constant 128 : i32
          %mul3A_126 = arith.muli %squeeze3A, %mul3A_125 : i32
          %add3A_127 = arith.constant 16 : i32
          %add3A_128 = arith.addi %mul3A_126, %add3A_127 : i32
          %get3A_129 = arith.index_cast %add3A_128 : i32 to index
          %get3A_130 = tpu.vector_load %arg11[%get3A_129] {strides = array<i32>} : memref<40960xf32, #tpu.memory_space<vmem>>, vector<16xf32>,
          %max3A_131 = arith.maximumf %get3A_130, %get3A_118 : vector<16xf32>
          %mul3A_132 = arith.constant 128 : i32
          %mul3A_133 = arith.muli %squeeze3A, %mul3A_132 : i32
          %add3A_134 = arith.constant 16 : i32
          %add3A_135 = arith.addi %mul3A_133, %add3A_134 : i32
          %swap3A_136 = arith.index_cast %add3A_135 : i32 to index
          %swap3A_137 = tpu.vector_load %arg11[%swap3A_136] {strides = array<i32>} : memref<40960xf32, #tpu.memory_space<vmem>>, vector<16xf32>,
          tpu.vector_store %arg11[%swap3A_136], %max3A_131 {strides = array<i32>} : memref<40960xf32, #tpu.memory_space<vmem>>, vector<16xf32>,
          %get3A_138 = arith.index_cast %while3A_90 : i32 to index
          %get3A_139 = arith.constant 32 : index
          %get3A_140 = tpu.vector_load %arg9[%get3A_138, %get3A_139] {strides = array<i32>} : memref<16x256xf32, #tpu.memory_space<vmem>>, vector<16xf32>,
          %mul3A_141 = arith.constant 256 : i32
          %mul3A_142 = arith.muli %squeeze3A, %mul3A_141 : i32
          %add3A_143 = arith.constant 32 : i32
          %add3A_144 = arith.addi %mul3A_142, %add3A_143 : i32
          %swap3A_145 = arith.index_cast %add3A_144 : i32 to index
          %swap3A_146 = tpu.vector_load %arg10[%swap3A_145] {strides = array<i32>} : memref<81920xf32, #tpu.memory_space<vmem>>, vector<16xf32>,
          tpu.vector_store %arg10[%swap3A_145], %get3A_140 {add = true, strides = array<i32>} : memref<81920xf32, #tpu.memory_space<vmem>>, vector<16xf32>,
          %mul3A_147 = arith.constant 128 : i32
          %mul3A_148 = arith.muli %squeeze3A, %mul3A_147 : i32
          %add3A_149 = arith.constant 32 : i32
          %add3A_150 = arith.addi %mul3A_148, %add3A_149 : i32
          %get3A_151 = arith.index_cast %add3A_150 : i32 to index
          %get3A_152 = tpu.vector_load %arg11[%get3A_151] {strides = array<i32>} : memref<40960xf32, #tpu.memory_space<vmem>>, vector<16xf32>,
          %max3A_153 = arith.maximumf %get3A_152, %get3A_140 : vector<16xf32>
          %mul3A_154 = arith.constant 128 : i32
          %mul3A_155 = arith.muli %squeeze3A, %mul3A_154 : i32
          %add3A_156 = arith.constant 32 : i32
          %add3A_157 = arith.addi %mul3A_155, %add3A_156 : i32
          %swap3A_158 = arith.index_cast %add3A_157 : i32 to index
          %swap3A_159 = tpu.vector_load %arg11[%swap3A_158] {strides = array<i32>} : memref<40960xf32, #tpu.memory_space<vmem>>, vector<16xf32>,
          tpu.vector_store %arg11[%swap3A_158], %max3A_153 {strides = array<i32>} : memref<40960xf32, #tpu.memory_space<vmem>>, vector<16xf32>,
          %get3A_160 = arith.index_cast %while3A_90 : i32 to index
          %get3A_161 = arith.constant 48 : index
          %get3A_162 = tpu.vector_load %arg9[%get3A_160, %get3A_161] {strides = array<i32>} : memref<16x256xf32, #tpu.memory_space<vmem>>, vector<16xf32>,
          %mul3A_163 = arith.constant 256 : i32
          %mul3A_164 = arith.muli %squeeze3A, %mul3A_163 : i32
          %add3A_165 = arith.constant 48 : i32
          %add3A_166 = arith.addi %mul3A_164, %add3A_165 : i32
          %swap3A_167 = arith.index_cast %add3A_166 : i32 to index
          %swap3A_168 = tpu.vector_load %arg10[%swap3A_167] {strides = array<i32>} : memref<81920xf32, #tpu.memory_space<vmem>>, vector<16xf32>,
          tpu.vector_store %arg10[%swap3A_167], %get3A_162 {add = true, strides = array<i32>} : memref<81920xf32, #tpu.memory_space<vmem>>, vector<16xf32>,
          %mul3A_169 = arith.constant 128 : i32
          %mul3A_170 = arith.muli %squeeze3A, %mul3A_169 : i32
          %add3A_171 = arith.constant 48 : i32
          %add3A_172 = arith.addi %mul3A_170, %add3A_171 : i32
          %get3A_173 = arith.index_cast %add3A_172 : i32 to index
          %get3A_174 = tpu.vector_load %arg11[%get3A_173] {strides = array<i32>} : memref<40960xf32, #tpu.memory_space<vmem>>, vector<16xf32>,
          %max3A_175 = arith.maximumf %get3A_174, %get3A_162 : vector<16xf32>
          %mul3A_176 = arith.constant 128 : i32
          %mul3A_177 = arith.muli %squeeze3A, %mul3A_176 : i32
          %add3A_178 = arith.constant 48 : i32
          %add3A_179 = arith.addi %mul3A_177, %add3A_178 : i32
          %swap3A_180 = arith.index_cast %add3A_179 : i32 to index
          %swap3A_181 = tpu.vector_load %arg11[%swap3A_180] {strides = array<i32>} : memref<40960xf32, #tpu.memory_space<vmem>>, vector<16xf32>,
          tpu.vector_store %arg11[%swap3A_180], %max3A_175 {strides = array<i32>} : memref<40960xf32, #tpu.memory_space<vmem>>, vector<16xf32>,
          %get3A_182 = arith.index_cast %while3A_90 : i32 to index
          %get3A_183 = arith.constant 64 : index
          %get3A_184 = tpu.vector_load %arg9[%get3A_182, %get3A_183] {strides = array<i32>} : memref<16x256xf32, #tpu.memory_space<vmem>>, vector<16xf32>,
          %mul3A_185 = arith.constant 256 : i32
          %mul3A_186 = arith.muli %squeeze3A, %mul3A_185 : i32
          %add3A_187 = arith.constant 64 : i32
          %add3A_188 = arith.addi %mul3A_186, %add3A_187 : i32
          %swap3A_189 = arith.index_cast %add3A_188 : i32 to index
          %swap3A_190 = tpu.vector_load %arg10[%swap3A_189] {strides = array<i32>} : memref<81920xf32, #tpu.memory_space<vmem>>, vector<16xf32>,
          tpu.vector_store %arg10[%swap3A_189], %get3A_184 {add = true, strides = array<i32>} : memref<81920xf32, #tpu.memory_space<vmem>>, vector<16xf32>,
          %mul3A_191 = arith.constant 128 : i32
          %mul3A_192 = arith.muli %squeeze3A, %mul3A_191 : i32
          %add3A_193 = arith.constant 64 : i32
          %add3A_194 = arith.addi %mul3A_192, %add3A_193 : i32
          %get3A_195 = arith.index_cast %add3A_194 : i32 to index
          %get3A_196 = tpu.vector_load %arg11[%get3A_195] {strides = array<i32>} : memref<40960xf32, #tpu.memory_space<vmem>>, vector<16xf32>,
          %max3A_197 = arith.maximumf %get3A_196, %get3A_184 : vector<16xf32>
          %mul3A_198 = arith.constant 128 : i32
          %mul3A_199 = arith.muli %squeeze3A, %mul3A_198 : i32
          %add3A_200 = arith.constant 64 : i32
          %add3A_201 = arith.addi %mul3A_199, %add3A_200 : i32
          %swap3A_202 = arith.index_cast %add3A_201 : i32 to index
          %swap3A_203 = tpu.vector_load %arg11[%swap3A_202] {strides = array<i32>} : memref<40960xf32, #tpu.memory_space<vmem>>, vector<16xf32>,
          tpu.vector_store %arg11[%swap3A_202], %max3A_197 {strides = array<i32>} : memref<40960xf32, #tpu.memory_space<vmem>>, vector<16xf32>,
          %get3A_204 = arith.index_cast %while3A_90 : i32 to index
          %get3A_205 = arith.constant 80 : index
          %get3A_206 = tpu.vector_load %arg9[%get3A_204, %get3A_205] {strides = array<i32>} : memref<16x256xf32, #tpu.memory_space<vmem>>, vector<16xf32>,
          %mul3A_207 = arith.constant 256 : i32
          %mul3A_208 = arith.muli %squeeze3A, %mul3A_207 : i32
          %add3A_209 = arith.constant 80 : i32
          %add3A_210 = arith.addi %mul3A_208, %add3A_209 : i32
          %swap3A_211 = arith.index_cast %add3A_210 : i32 to index
          %swap3A_212 = tpu.vector_load %arg10[%swap3A_211] {strides = array<i32>} : memref<81920xf32, #tpu.memory_space<vmem>>, vector<16xf32>,
          tpu.vector_store %arg10[%swap3A_211], %get3A_206 {add = true, strides = array<i32>} : memref<81920xf32, #tpu.memory_space<vmem>>, vector<16xf32>,
          %mul3A_213 = arith.constant 128 : i32
          %mul3A_214 = arith.muli %squeeze3A, %mul3A_213 : i32
          %add3A_215 = arith.constant 80 : i32
          %add3A_216 = arith.addi %mul3A_214, %add3A_215 : i32
          %get3A_217 = arith.index_cast %add3A_216 : i32 to index
          %get3A_218 = tpu.vector_load %arg11[%get3A_217] {strides = array<i32>} : memref<40960xf32, #tpu.memory_space<vmem>>, vector<16xf32>,
          %max3A_219 = arith.maximumf %get3A_218, %get3A_206 : vector<16xf32>
          %mul3A_220 = arith.constant 128 : i32
          %mul3A_221 = arith.muli %squeeze3A, %mul3A_220 : i32
          %add3A_222 = arith.constant 80 : i32
          %add3A_223 = arith.addi %mul3A_221, %add3A_222 : i32
          %swap3A_224 = arith.index_cast %add3A_223 : i32 to index
          %swap3A_225 = tpu.vector_load %arg11[%swap3A_224] {strides = array<i32>} : memref<40960xf32, #tpu.memory_space<vmem>>, vector<16xf32>,
          tpu.vector_store %arg11[%swap3A_224], %max3A_219 {strides = array<i32>} : memref<40960xf32, #tpu.memory_space<vmem>>, vector<16xf32>,
          %get3A_226 = arith.index_cast %while3A_90 : i32 to index
          %get3A_227 = arith.constant 96 : index
          %get3A_228 = tpu.vector_load %arg9[%get3A_226, %get3A_227] {strides = array<i32>} : memref<16x256xf32, #tpu.memory_space<vmem>>, vector<16xf32>,
          %mul3A_229 = arith.constant 256 : i32
          %mul3A_230 = arith.muli %squeeze3A, %mul3A_229 : i32
          %add3A_231 = arith.constant 96 : i32
          %add3A_232 = arith.addi %mul3A_230, %add3A_231 : i32
          %swap3A_233 = arith.index_cast %add3A_232 : i32 to index
          %swap3A_234 = tpu.vector_load %arg10[%swap3A_233] {strides = array<i32>} : memref<81920xf32, #tpu.memory_space<vmem>>, vector<16xf32>,
          tpu.vector_store %arg10[%swap3A_233], %get3A_228 {add = true, strides = array<i32>} : memref<81920xf32, #tpu.memory_space<vmem>>, vector<16xf32>,
          %mul3A_235 = arith.constant 128 : i32
          %mul3A_236 = arith.muli %squeeze3A, %mul3A_235 : i32
          %add3A_237 = arith.constant 96 : i32
          %add3A_238 = arith.addi %mul3A_236, %add3A_237 : i32
          %get3A_239 = arith.index_cast %add3A_238 : i32 to index
          %get3A_240 = tpu.vector_load %arg11[%get3A_239] {strides = array<i32>} : memref<40960xf32, #tpu.memory_space<vmem>>, vector<16xf32>,
          %max3A_241 = arith.maximumf %get3A_240, %get3A_228 : vector<16xf32>
          %mul3A_242 = arith.constant 128 : i32
          %mul3A_243 = arith.muli %squeeze3A, %mul3A_242 : i32
          %add3A_244 = arith.constant 96 : i32
          %add3A_245 = arith.addi %mul3A_243, %add3A_244 : i32
          %swap3A_246 = arith.index_cast %add3A_245 : i32 to index
          %swap3A_247 = tpu.vector_load %arg11[%swap3A_246] {strides = array<i32>} : memref<40960xf32, #tpu.memory_space<vmem>>, vector<16xf32>,
          tpu.vector_store %arg11[%swap3A_246], %max3A_241 {strides = array<i32>} : memref<40960xf32, #tpu.memory_space<vmem>>, vector<16xf32>,
          %get3A_248 = arith.index_cast %while3A_90 : i32 to index
          %get3A_249 = arith.constant 112 : index
          %get3A_250 = tpu.vector_load %arg9[%get3A_248, %get3A_249] {strides = array<i32>} : memref<16x256xf32, #tpu.memory_space<vmem>>, vector<16xf32>,
          %mul3A_251 = arith.constant 256 : i32
          %mul3A_252 = arith.muli %squeeze3A, %mul3A_251 : i32
          %add3A_253 = arith.constant 112 : i32
          %add3A_254 = arith.addi %mul3A_252, %add3A_253 : i32
          %swap3A_255 = arith.index_cast %add3A_254 : i32 to index
          %swap3A_256 = tpu.vector_load %arg10[%swap3A_255] {strides = array<i32>} : memref<81920xf32, #tpu.memory_space<vmem>>, vector<16xf32>,
          tpu.vector_store %arg10[%swap3A_255], %get3A_250 {add = true, strides = array<i32>} : memref<81920xf32, #tpu.memory_space<vmem>>, vector<16xf32>,
          %mul3A_257 = arith.constant 128 : i32
          %mul3A_258 = arith.muli %squeeze3A, %mul3A_257 : i32
          %add3A_259 = arith.constant 112 : i32
          %add3A_260 = arith.addi %mul3A_258, %add3A_259 : i32
          %get3A_261 = arith.index_cast %add3A_260 : i32 to index
          %get3A_262 = tpu.vector_load %arg11[%get3A_261] {strides = array<i32>} : memref<40960xf32, #tpu.memory_space<vmem>>, vector<16xf32>,
          %max3A_263 = arith.maximumf %get3A_262, %get3A_250 : vector<16xf32>
          %mul3A_264 = arith.constant 128 : i32
          %mul3A_265 = arith.muli %squeeze3A, %mul3A_264 : i32
          %add3A_266 = arith.constant 112 : i32
          %add3A_267 = arith.addi %mul3A_265, %add3A_266 : i32
          %swap3A_268 = arith.index_cast %add3A_267 : i32 to index
          %swap3A_269 = tpu.vector_load %arg11[%swap3A_268] {strides = array<i32>} : memref<40960xf32, #tpu.memory_space<vmem>>, vector<16xf32>,
          tpu.vector_store %arg11[%swap3A_268], %max3A_263 {strides = array<i32>} : memref<40960xf32, #tpu.memory_space<vmem>>, vector<16xf32>,
          %get3A_270 = arith.index_cast %while3A_90 : i32 to index
          %get3A_271 = arith.constant 128 : index
          %get3A_272 = tpu.vector_load %arg9[%get3A_270, %get3A_271] {strides = array<i32>} : memref<16x256xf32, #tpu.memory_space<vmem>>, vector<16xf32>,
          %mul3A_273 = arith.constant 256 : i32
          %mul3A_274 = arith.muli %squeeze3A, %mul3A_273 : i32
          %add3A_275 = arith.constant 128 : i32
          %add3A_276 = arith.addi %mul3A_274, %add3A_275 : i32
          %swap3A_277 = arith.index_cast %add3A_276 : i32 to index
          %swap3A_278 = tpu.vector_load %arg10[%swap3A_277] {strides = array<i32>} : memref<81920xf32, #tpu.memory_space<vmem>>, vector<16xf32>,
          tpu.vector_store %arg10[%swap3A_277], %get3A_272 {add = true, strides = array<i32>} : memref<81920xf32, #tpu.memory_space<vmem>>, vector<16xf32>,
          %get3A_279 = arith.index_cast %while3A_90 : i32 to index
          %get3A_280 = arith.constant 144 : index
          %get3A_281 = tpu.vector_load %arg9[%get3A_279, %get3A_280] {strides = array<i32>} : memref<16x256xf32, #tpu.memory_space<vmem>>, vector<16xf32>,
          %mul3A_282 = arith.constant 256 : i32
          %mul3A_283 = arith.muli %squeeze3A, %mul3A_282 : i32
          %add3A_284 = arith.constant 144 : i32
          %add3A_285 = arith.addi %mul3A_283, %add3A_284 : i32
          %swap3A_286 = arith.index_cast %add3A_285 : i32 to index
          %swap3A_287 = tpu.vector_load %arg10[%swap3A_286] {strides = array<i32>} : memref<81920xf32, #tpu.memory_space<vmem>>, vector<16xf32>,
          tpu.vector_store %arg10[%swap3A_286], %get3A_281 {add = true, strides = array<i32>} : memref<81920xf32, #tpu.memory_space<vmem>>, vector<16xf32>,
          %get3A_288 = arith.index_cast %while3A_90 : i32 to index
          %get3A_289 = arith.constant 160 : index
          %get3A_290 = tpu.vector_load %arg9[%get3A_288, %get3A_289] {strides = array<i32>} : memref<16x256xf32, #tpu.memory_space<vmem>>, vector<16xf32>,
          %mul3A_291 = arith.constant 256 : i32
          %mul3A_292 = arith.muli %squeeze3A, %mul3A_291 : i32
          %add3A_293 = arith.constant 160 : i32
          %add3A_294 = arith.addi %mul3A_292, %add3A_293 : i32
          %swap3A_295 = arith.index_cast %add3A_294 : i32 to index
          %swap3A_296 = tpu.vector_load %arg10[%swap3A_295] {strides = array<i32>} : memref<81920xf32, #tpu.memory_space<vmem>>, vector<16xf32>,
          tpu.vector_store %arg10[%swap3A_295], %get3A_290 {add = true, strides = array<i32>} : memref<81920xf32, #tpu.memory_space<vmem>>, vector<16xf32>,
          %get3A_297 = arith.index_cast %while3A_90 : i32 to index
          %get3A_298 = arith.constant 176 : index
          %get3A_299 = tpu.vector_load %arg9[%get3A_297, %get3A_298] {strides = array<i32>} : memref<16x256xf32, #tpu.memory_space<vmem>>, vector<16xf32>,
          %mul3A_300 = arith.constant 256 : i32
          %mul3A_301 = arith.muli %squeeze3A, %mul3A_300 : i32
          %add3A_302 = arith.constant 176 : i32
          %add3A_303 = arith.addi %mul3A_301, %add3A_302 : i32
          %swap3A_304 = arith.index_cast %add3A_303 : i32 to index
          %swap3A_305 = tpu.vector_load %arg10[%swap3A_304] {strides = array<i32>} : memref<81920xf32, #tpu.memory_space<vmem>>, vector<16xf32>,
          tpu.vector_store %arg10[%swap3A_304], %get3A_299 {add = true, strides = array<i32>} : memref<81920xf32, #tpu.memory_space<vmem>>, vector<16xf32>,
          %get3A_306 = arith.index_cast %while3A_90 : i32 to index
          %get3A_307 = arith.constant 192 : index
          %get3A_308 = tpu.vector_load %arg9[%get3A_306, %get3A_307] {strides = array<i32>} : memref<16x256xf32, #tpu.memory_space<vmem>>, vector<16xf32>,
          %mul3A_309 = arith.constant 256 : i32
          %mul3A_310 = arith.muli %squeeze3A, %mul3A_309 : i32
          %add3A_311 = arith.constant 192 : i32
          %add3A_312 = arith.addi %mul3A_310, %add3A_311 : i32
          %swap3A_313 = arith.index_cast %add3A_312 : i32 to index
          %swap3A_314 = tpu.vector_load %arg10[%swap3A_313] {strides = array<i32>} : memref<81920xf32, #tpu.memory_space<vmem>>, vector<16xf32>,
          tpu.vector_store %arg10[%swap3A_313], %get3A_308 {add = true, strides = array<i32>} : memref<81920xf32, #tpu.memory_space<vmem>>, vector<16xf32>,
          %get3A_315 = arith.index_cast %while3A_90 : i32 to index
          %get3A_316 = arith.constant 208 : index
          %get3A_317 = tpu.vector_load %arg9[%get3A_315, %get3A_316] {strides = array<i32>} : memref<16x256xf32, #tpu.memory_space<vmem>>, vector<16xf32>,
          %mul3A_318 = arith.constant 256 : i32
          %mul3A_319 = arith.muli %squeeze3A, %mul3A_318 : i32
          %add3A_320 = arith.constant 208 : i32
          %add3A_321 = arith.addi %mul3A_319, %add3A_320 : i32
          %swap3A_322 = arith.index_cast %add3A_321 : i32 to index
          %swap3A_323 = tpu.vector_load %arg10[%swap3A_322] {strides = array<i32>} : memref<81920xf32, #tpu.memory_space<vmem>>, vector<16xf32>,
          tpu.vector_store %arg10[%swap3A_322], %get3A_317 {add = true, strides = array<i32>} : memref<81920xf32, #tpu.memory_space<vmem>>, vector<16xf32>,
          %get3A_324 = arith.index_cast %while3A_90 : i32 to index
          %get3A_325 = arith.constant 224 : index
          %get3A_326 = tpu.vector_load %arg9[%get3A_324, %get3A_325] {strides = array<i32>} : memref<16x256xf32, #tpu.memory_space<vmem>>, vector<16xf32>,
          %mul3A_327 = arith.constant 256 : i32
          %mul3A_328 = arith.muli %squeeze3A, %mul3A_327 : i32
          %add3A_329 = arith.constant 224 : i32
          %add3A_330 = arith.addi %mul3A_328, %add3A_329 : i32
          %swap3A_331 = arith.index_cast %add3A_330 : i32 to index
          %swap3A_332 = tpu.vector_load %arg10[%swap3A_331] {strides = array<i32>} : memref<81920xf32, #tpu.memory_space<vmem>>, vector<16xf32>,
          tpu.vector_store %arg10[%swap3A_331], %get3A_326 {add = true, strides = array<i32>} : memref<81920xf32, #tpu.memory_space<vmem>>, vector<16xf32>,
          %get3A_333 = arith.index_cast %while3A_90 : i32 to index
          %get3A_334 = arith.constant 240 : index
          %get3A_335 = tpu.vector_load %arg9[%get3A_333, %get3A_334] {strides = array<i32>} : memref<16x256xf32, #tpu.memory_space<vmem>>, vector<16xf32>,
          %mul3A_336 = arith.constant 256 : i32
          %mul3A_337 = arith.muli %squeeze3A, %mul3A_336 : i32
          %add3A_338 = arith.constant 240 : i32
          %add3A_339 = arith.addi %mul3A_337, %add3A_338 : i32
          %swap3A_340 = arith.index_cast %add3A_339 : i32 to index
          %swap3A_341 = tpu.vector_load %arg10[%swap3A_340] {strides = array<i32>} : memref<81920xf32, #tpu.memory_space<vmem>>, vector<16xf32>,
          tpu.vector_store %arg10[%swap3A_340], %get3A_335 {add = true, strides = array<i32>} : memref<81920xf32, #tpu.memory_space<vmem>>, vector<16xf32>,
        }
      }
    }
    %scan3A_22 = arith.constant 400 : i32
    %mul3A_23 = arith.constant 256 : i32
    %mul3A_24 = arith.muli %mul3A_2, %mul3A_23 : i32
    "tpu.region"() ({
      %run_scoped3A = tpu.sem_alloc : memref<!tpu.dma_semaphore, #tpu.memory_space<semaphore_mem>>
      %dma_start3A = tpu.memref_slice %arg4[%mul3A_24] : memref<2621440xf32, #tpu.memory_space<hbm>> -> memref<81920xf32, #tpu.memory_space<hbm>>
      %dma_start3A_27 = tpu.memref_slice %arg4[%mul3A_24] : memref<2621440xf32, #tpu.memory_space<hbm>> -> memref<81920xf32, #tpu.memory_space<hbm>>
      tpu.enqueue_dma source(%arg10 : memref<81920xf32, #tpu.memory_space<vmem>>) target(%dma_start3A_27 : memref<81920xf32, #tpu.memory_space<hbm>>) target_semaphore(%run_scoped3A : memref<!tpu.dma_semaphore, #tpu.memory_space<semaphore_mem>>)
      %dma_wait3A = tpu.memref_slice %arg4[%mul3A_24] : memref<2621440xf32, #tpu.memory_space<hbm>> -> memref<81920xf32, #tpu.memory_space<hbm>>
      %dma_wait3A_28 = tpu.memref_slice %arg4[%mul3A_24] : memref<2621440xf32, #tpu.memory_space<hbm>> -> memref<81920xf32, #tpu.memory_space<hbm>>
      tpu.wait_dma2 semaphore(%run_scoped3A : memref<!tpu.dma_semaphore, #tpu.memory_space<semaphore_mem>>) src(%arg10 : memref<81920xf32, #tpu.memory_space<vmem>>) dst(%dma_wait3A_28 : memref<81920xf32, #tpu.memory_space<hbm>>)
      tpu.yield
    }) : () -> ()
    %mul3A_25 = arith.constant 128 : i32
    %mul3A_26 = arith.muli %mul3A_2, %mul3A_25 : i32
    "tpu.region"() ({
      %run_scoped3A = tpu.sem_alloc : memref<!tpu.dma_semaphore, #tpu.memory_space<semaphore_mem>>
      %dma_start3A = tpu.memref_slice %arg5[%mul3A_26] : memref<1310720xf32, #tpu.memory_space<hbm>> -> memref<40960xf32, #tpu.memory_space<hbm>>
      %dma_start3A_27 = tpu.memref_slice %arg5[%mul3A_26] : memref<1310720xf32, #tpu.memory_space<hbm>> -> memref<40960xf32, #tpu.memory_space<hbm>>
      tpu.enqueue_dma source(%arg11 : memref<40960xf32, #tpu.memory_space<vmem>>) target(%dma_start3A_27 : memref<40960xf32, #tpu.memory_space<hbm>>) target_semaphore(%run_scoped3A : memref<!tpu.dma_semaphore, #tpu.memory_space<semaphore_mem>>)
      %dma_wait3A = tpu.memref_slice %arg5[%mul3A_26] : memref<1310720xf32, #tpu.memory_space<hbm>> -> memref<40960xf32, #tpu.memory_space<hbm>>
      %dma_wait3A_28 = tpu.memref_slice %arg5[%mul3A_26] : memref<1310720xf32, #tpu.memory_space<hbm>> -> memref<40960xf32, #tpu.memory_space<hbm>>
      tpu.wait_dma2 semaphore(%run_scoped3A : memref<!tpu.dma_semaphore, #tpu.memory_space<semaphore_mem>>) src(%arg11 : memref<40960xf32, #tpu.memory_space<vmem>>) dst(%dma_wait3A_28 : memref<40960xf32, #tpu.memory_space<hbm>>)
      tpu.yield
    }) : () -> ()
    return
  }
}

#map = affine_map<(d0, d1) -> (0)>
module attributes {stable_mosaic.version = 14 : i64} {
  func.func @_deg_body(%arg0: i32, %arg1: i32, %arg2: memref<320000xi32, #tpu.memory_space<hbm>>, %arg3: memref<20480xf32, #tpu.memory_space<hbm>>, %arg4: memref<10000xi32, #tpu.memory_space<vmem>>, %arg5: memref<10256xf32, #tpu.memory_space<vmem>>, %arg6: memref<640xf32, #tpu.memory_space<vmem>>, %arg7: memref<640xf32, #tpu.memory_space<vmem>>, %arg8: memref<16x10256xf32, #tpu.memory_space<vmem_shared>>) attributes {dimension_semantics = [#tpu.dimension_semantics<core_parallel>, #tpu.dimension_semantics<subcore_parallel>], iteration_bounds = array<i64: 2, 16>, scalar_prefetch = 0 : i64, scratch_operands = 5 : i64, tpu.core_type = #tpu.core_type<sc_vector_subcore>, window_params = [{transform_indices = #map}, {transform_indices = #map}]} {
    %mul3A = arith.constant 2 : i32
    %mul3A_0 = arith.muli %arg1, %mul3A : i32
    %add3A = arith.addi %mul3A_0, %arg0 : i32
    %broadcast_in_dim3A = arith.constant 0.000000e+00 : f32
    %broadcast_in_dim3A_1 = vector.broadcast %broadcast_in_dim3A : f32 to vector<16xf32>
    %scan3A = arith.constant 0 : i32
    %scan3A_2 = arith.constant 0 : i32
    %scan3A_3 = arith.constant 641 : i32
    %scan3A_4 = arith.addi %scan3A_2, %scan3A_3 : i32
    %scan3A_5 = arith.constant 1 : i32
    scf.for %scan3A_172 = %scan3A_2 to %scan3A_4 step %scan3A_5  : i32 {
      %mul3A_173 = arith.constant 16 : i32
      %mul3A_174 = arith.muli %scan3A_172, %mul3A_173 : i32
      %swap3A = arith.index_cast %mul3A_174 : i32 to index
      %swap3A_175 = tpu.vector_load %arg5[%swap3A] {strides = array<i32>} : memref<10256xf32, #tpu.memory_space<vmem>>, vector<16xf32>,
      tpu.vector_store %arg5[%swap3A], %broadcast_in_dim3A_1 {strides = array<i32>} : memref<10256xf32, #tpu.memory_space<vmem>>, vector<16xf32>,
    }
    %scan3A_6 = arith.constant 641 : i32
    %mul3A_7 = arith.constant 10000 : i32
    %mul3A_8 = arith.muli %add3A, %mul3A_7 : i32
    "tpu.region"() ({
      %run_scoped3A_172 = tpu.sem_alloc : memref<!tpu.dma_semaphore, #tpu.memory_space<semaphore_mem>>
      %dma_start3A = tpu.memref_slice %arg2[%mul3A_8] : memref<320000xi32, #tpu.memory_space<hbm>> -> memref<10000xi32, #tpu.memory_space<hbm>>
      %dma_start3A_173 = tpu.memref_slice %arg2[%mul3A_8] : memref<320000xi32, #tpu.memory_space<hbm>> -> memref<10000xi32, #tpu.memory_space<hbm>>
      tpu.enqueue_dma source(%dma_start3A_173 : memref<10000xi32, #tpu.memory_space<hbm>>) target(%arg4 : memref<10000xi32, #tpu.memory_space<vmem>>) target_semaphore(%run_scoped3A_172 : memref<!tpu.dma_semaphore, #tpu.memory_space<semaphore_mem>>)
      %dma_wait3A = tpu.memref_slice %arg2[%mul3A_8] : memref<320000xi32, #tpu.memory_space<hbm>> -> memref<10000xi32, #tpu.memory_space<hbm>>
      %dma_wait3A_174 = tpu.memref_slice %arg2[%mul3A_8] : memref<320000xi32, #tpu.memory_space<hbm>> -> memref<10000xi32, #tpu.memory_space<hbm>>
      tpu.wait_dma2 semaphore(%run_scoped3A_172 : memref<!tpu.dma_semaphore, #tpu.memory_space<semaphore_mem>>) src(%dma_wait3A_174 : memref<10000xi32, #tpu.memory_space<hbm>>) dst(%arg4 : memref<10000xi32, #tpu.memory_space<vmem>>)
      tpu.yield
    }) : () -> ()
    %iota3A = tpu.iota {dimensions = array<i32: 0>} : vector<16xi32>
    %eq3A = arith.constant 0 : i32
    %eq3A_9 = vector.broadcast %eq3A : i32 to vector<16xi32>
    %eq3A_10 = arith.cmpi eq, %iota3A, %eq3A_9 : vector<16xi32>
    %convert_element_type3A = arith.extui %eq3A_10 : vector<16xi1> to vector<16xi32>
    %convert_element_type3A_11 = arith.sitofp %convert_element_type3A : vector<16xi32> to vector<16xf32>
    %scan3A_12 = arith.constant 0 : i32
    %scan3A_13 = arith.constant 0 : i32
    %scan3A_14 = arith.constant 625 : i32
    %scan3A_15 = arith.addi %scan3A_13, %scan3A_14 : i32
    %scan3A_16 = arith.constant 1 : i32
    scf.for %scan3A_172 = %scan3A_13 to %scan3A_15 step %scan3A_16  : i32 {
      %mul3A_173 = arith.constant 16 : i32
      %mul3A_174 = arith.muli %scan3A_172, %mul3A_173 : i32
      %get3A = arith.index_cast %mul3A_174 : i32 to index
      %get3A_175 = tpu.vector_load %arg4[%get3A] {strides = array<i32>} : memref<10000xi32, #tpu.memory_space<vmem>>, vector<16xi32>,
      %slice3A = vector.extract_strided_slice %get3A_175 {offsets = [0], sizes = [1], strides = [1]} : vector<16xi32> to vector<1xi32>
      %squeeze3A = vector.extract %slice3A[0] : i32 from vector<1xi32>
      %get3A_176 = arith.index_cast %squeeze3A : i32 to index
      %get3A_177 = tpu.vector_load %arg5[%get3A_176] {strides = array<i32>} : memref<10256xf32, #tpu.memory_space<vmem>>, vector<16xf32>,
      %add3A_178 = arith.addf %get3A_177, %convert_element_type3A_11 : vector<16xf32>
      %swap3A = arith.index_cast %squeeze3A : i32 to index
      %swap3A_179 = tpu.vector_load %arg5[%swap3A] {strides = array<i32>} : memref<10256xf32, #tpu.memory_space<vmem>>, vector<16xf32>,
      tpu.vector_store %arg5[%swap3A], %add3A_178 {strides = array<i32>} : memref<10256xf32, #tpu.memory_space<vmem>>, vector<16xf32>,
      %slice3A_180 = vector.extract_strided_slice %get3A_175 {offsets = [1], sizes = [1], strides = [1]} : vector<16xi32> to vector<1xi32>
      %squeeze3A_181 = vector.extract %slice3A_180[0] : i32 from vector<1xi32>
      %get3A_182 = arith.index_cast %squeeze3A_181 : i32 to index
      %get3A_183 = tpu.vector_load %arg5[%get3A_182] {strides = array<i32>} : memref<10256xf32, #tpu.memory_space<vmem>>, vector<16xf32>,
      %add3A_184 = arith.addf %get3A_183, %convert_element_type3A_11 : vector<16xf32>
      %swap3A_185 = arith.index_cast %squeeze3A_181 : i32 to index
      %swap3A_186 = tpu.vector_load %arg5[%swap3A_185] {strides = array<i32>} : memref<10256xf32, #tpu.memory_space<vmem>>, vector<16xf32>,
      tpu.vector_store %arg5[%swap3A_185], %add3A_184 {strides = array<i32>} : memref<10256xf32, #tpu.memory_space<vmem>>, vector<16xf32>,
      %slice3A_187 = vector.extract_strided_slice %get3A_175 {offsets = [2], sizes = [1], strides = [1]} : vector<16xi32> to vector<1xi32>
      %squeeze3A_188 = vector.extract %slice3A_187[0] : i32 from vector<1xi32>
      %get3A_189 = arith.index_cast %squeeze3A_188 : i32 to index
      %get3A_190 = tpu.vector_load %arg5[%get3A_189] {strides = array<i32>} : memref<10256xf32, #tpu.memory_space<vmem>>, vector<16xf32>,
      %add3A_191 = arith.addf %get3A_190, %convert_element_type3A_11 : vector<16xf32>
      %swap3A_192 = arith.index_cast %squeeze3A_188 : i32 to index
      %swap3A_193 = tpu.vector_load %arg5[%swap3A_192] {strides = array<i32>} : memref<10256xf32, #tpu.memory_space<vmem>>, vector<16xf32>,
      tpu.vector_store %arg5[%swap3A_192], %add3A_191 {strides = array<i32>} : memref<10256xf32, #tpu.memory_space<vmem>>, vector<16xf32>,
      %slice3A_194 = vector.extract_strided_slice %get3A_175 {offsets = [3], sizes = [1], strides = [1]} : vector<16xi32> to vector<1xi32>
      %squeeze3A_195 = vector.extract %slice3A_194[0] : i32 from vector<1xi32>
      %get3A_196 = arith.index_cast %squeeze3A_195 : i32 to index
      %get3A_197 = tpu.vector_load %arg5[%get3A_196] {strides = array<i32>} : memref<10256xf32, #tpu.memory_space<vmem>>, vector<16xf32>,
      %add3A_198 = arith.addf %get3A_197, %convert_element_type3A_11 : vector<16xf32>
      %swap3A_199 = arith.index_cast %squeeze3A_195 : i32 to index
      %swap3A_200 = tpu.vector_load %arg5[%swap3A_199] {strides = array<i32>} : memref<10256xf32, #tpu.memory_space<vmem>>, vector<16xf32>,
      tpu.vector_store %arg5[%swap3A_199], %add3A_198 {strides = array<i32>} : memref<10256xf32, #tpu.memory_space<vmem>>, vector<16xf32>,
      %slice3A_201 = vector.extract_strided_slice %get3A_175 {offsets = [4], sizes = [1], strides = [1]} : vector<16xi32> to vector<1xi32>
      %squeeze3A_202 = vector.extract %slice3A_201[0] : i32 from vector<1xi32>
      %get3A_203 = arith.index_cast %squeeze3A_202 : i32 to index
      %get3A_204 = tpu.vector_load %arg5[%get3A_203] {strides = array<i32>} : memref<10256xf32, #tpu.memory_space<vmem>>, vector<16xf32>,
      %add3A_205 = arith.addf %get3A_204, %convert_element_type3A_11 : vector<16xf32>
      %swap3A_206 = arith.index_cast %squeeze3A_202 : i32 to index
      %swap3A_207 = tpu.vector_load %arg5[%swap3A_206] {strides = array<i32>} : memref<10256xf32, #tpu.memory_space<vmem>>, vector<16xf32>,
      tpu.vector_store %arg5[%swap3A_206], %add3A_205 {strides = array<i32>} : memref<10256xf32, #tpu.memory_space<vmem>>, vector<16xf32>,
      %slice3A_208 = vector.extract_strided_slice %get3A_175 {offsets = [5], sizes = [1], strides = [1]} : vector<16xi32> to vector<1xi32>
      %squeeze3A_209 = vector.extract %slice3A_208[0] : i32 from vector<1xi32>
      %get3A_210 = arith.index_cast %squeeze3A_209 : i32 to index
      %get3A_211 = tpu.vector_load %arg5[%get3A_210] {strides = array<i32>} : memref<10256xf32, #tpu.memory_space<vmem>>, vector<16xf32>,
      %add3A_212 = arith.addf %get3A_211, %convert_element_type3A_11 : vector<16xf32>
      %swap3A_213 = arith.index_cast %squeeze3A_209 : i32 to index
      %swap3A_214 = tpu.vector_load %arg5[%swap3A_213] {strides = array<i32>} : memref<10256xf32, #tpu.memory_space<vmem>>, vector<16xf32>,
      tpu.vector_store %arg5[%swap3A_213], %add3A_212 {strides = array<i32>} : memref<10256xf32, #tpu.memory_space<vmem>>, vector<16xf32>,
      %slice3A_215 = vector.extract_strided_slice %get3A_175 {offsets = [6], sizes = [1], strides = [1]} : vector<16xi32> to vector<1xi32>
      %squeeze3A_216 = vector.extract %slice3A_215[0] : i32 from vector<1xi32>
      %get3A_217 = arith.index_cast %squeeze3A_216 : i32 to index
      %get3A_218 = tpu.vector_load %arg5[%get3A_217] {strides = array<i32>} : memref<10256xf32, #tpu.memory_space<vmem>>, vector<16xf32>,
      %add3A_219 = arith.addf %get3A_218, %convert_element_type3A_11 : vector<16xf32>
      %swap3A_220 = arith.index_cast %squeeze3A_216 : i32 to index
      %swap3A_221 = tpu.vector_load %arg5[%swap3A_220] {strides = array<i32>} : memref<10256xf32, #tpu.memory_space<vmem>>, vector<16xf32>,
      tpu.vector_store %arg5[%swap3A_220], %add3A_219 {strides = array<i32>} : memref<10256xf32, #tpu.memory_space<vmem>>, vector<16xf32>,
      %slice3A_222 = vector.extract_strided_slice %get3A_175 {offsets = [7], sizes = [1], strides = [1]} : vector<16xi32> to vector<1xi32>
      %squeeze3A_223 = vector.extract %slice3A_222[0] : i32 from vector<1xi32>
      %get3A_224 = arith.index_cast %squeeze3A_223 : i32 to index
      %get3A_225 = tpu.vector_load %arg5[%get3A_224] {strides = array<i32>} : memref<10256xf32, #tpu.memory_space<vmem>>, vector<16xf32>,
      %add3A_226 = arith.addf %get3A_225, %convert_element_type3A_11 : vector<16xf32>
      %swap3A_227 = arith.index_cast %squeeze3A_223 : i32 to index
      %swap3A_228 = tpu.vector_load %arg5[%swap3A_227] {strides = array<i32>} : memref<10256xf32, #tpu.memory_space<vmem>>, vector<16xf32>,
      tpu.vector_store %arg5[%swap3A_227], %add3A_226 {strides = array<i32>} : memref<10256xf32, #tpu.memory_space<vmem>>, vector<16xf32>,
      %slice3A_229 = vector.extract_strided_slice %get3A_175 {offsets = [8], sizes = [1], strides = [1]} : vector<16xi32> to vector<1xi32>
      %squeeze3A_230 = vector.extract %slice3A_229[0] : i32 from vector<1xi32>
      %get3A_231 = arith.index_cast %squeeze3A_230 : i32 to index
      %get3A_232 = tpu.vector_load %arg5[%get3A_231] {strides = array<i32>} : memref<10256xf32, #tpu.memory_space<vmem>>, vector<16xf32>,
      %add3A_233 = arith.addf %get3A_232, %convert_element_type3A_11 : vector<16xf32>
      %swap3A_234 = arith.index_cast %squeeze3A_230 : i32 to index
      %swap3A_235 = tpu.vector_load %arg5[%swap3A_234] {strides = array<i32>} : memref<10256xf32, #tpu.memory_space<vmem>>, vector<16xf32>,
      tpu.vector_store %arg5[%swap3A_234], %add3A_233 {strides = array<i32>} : memref<10256xf32, #tpu.memory_space<vmem>>, vector<16xf32>,
      %slice3A_236 = vector.extract_strided_slice %get3A_175 {offsets = [9], sizes = [1], strides = [1]} : vector<16xi32> to vector<1xi32>
      %squeeze3A_237 = vector.extract %slice3A_236[0] : i32 from vector<1xi32>
      %get3A_238 = arith.index_cast %squeeze3A_237 : i32 to index
      %get3A_239 = tpu.vector_load %arg5[%get3A_238] {strides = array<i32>} : memref<10256xf32, #tpu.memory_space<vmem>>, vector<16xf32>,
      %add3A_240 = arith.addf %get3A_239, %convert_element_type3A_11 : vector<16xf32>
      %swap3A_241 = arith.index_cast %squeeze3A_237 : i32 to index
      %swap3A_242 = tpu.vector_load %arg5[%swap3A_241] {strides = array<i32>} : memref<10256xf32, #tpu.memory_space<vmem>>, vector<16xf32>,
      tpu.vector_store %arg5[%swap3A_241], %add3A_240 {strides = array<i32>} : memref<10256xf32, #tpu.memory_space<vmem>>, vector<16xf32>,
      %slice3A_243 = vector.extract_strided_slice %get3A_175 {offsets = [10], sizes = [1], strides = [1]} : vector<16xi32> to vector<1xi32>
      %squeeze3A_244 = vector.extract %slice3A_243[0] : i32 from vector<1xi32>
      %get3A_245 = arith.index_cast %squeeze3A_244 : i32 to index
      %get3A_246 = tpu.vector_load %arg5[%get3A_245] {strides = array<i32>} : memref<10256xf32, #tpu.memory_space<vmem>>, vector<16xf32>,
      %add3A_247 = arith.addf %get3A_246, %convert_element_type3A_11 : vector<16xf32>
      %swap3A_248 = arith.index_cast %squeeze3A_244 : i32 to index
      %swap3A_249 = tpu.vector_load %arg5[%swap3A_248] {strides = array<i32>} : memref<10256xf32, #tpu.memory_space<vmem>>, vector<16xf32>,
      tpu.vector_store %arg5[%swap3A_248], %add3A_247 {strides = array<i32>} : memref<10256xf32, #tpu.memory_space<vmem>>, vector<16xf32>,
      %slice3A_250 = vector.extract_strided_slice %get3A_175 {offsets = [11], sizes = [1], strides = [1]} : vector<16xi32> to vector<1xi32>
      %squeeze3A_251 = vector.extract %slice3A_250[0] : i32 from vector<1xi32>
      %get3A_252 = arith.index_cast %squeeze3A_251 : i32 to index
      %get3A_253 = tpu.vector_load %arg5[%get3A_252] {strides = array<i32>} : memref<10256xf32, #tpu.memory_space<vmem>>, vector<16xf32>,
      %add3A_254 = arith.addf %get3A_253, %convert_element_type3A_11 : vector<16xf32>
      %swap3A_255 = arith.index_cast %squeeze3A_251 : i32 to index
      %swap3A_256 = tpu.vector_load %arg5[%swap3A_255] {strides = array<i32>} : memref<10256xf32, #tpu.memory_space<vmem>>, vector<16xf32>,
      tpu.vector_store %arg5[%swap3A_255], %add3A_254 {strides = array<i32>} : memref<10256xf32, #tpu.memory_space<vmem>>, vector<16xf32>,
      %slice3A_257 = vector.extract_strided_slice %get3A_175 {offsets = [12], sizes = [1], strides = [1]} : vector<16xi32> to vector<1xi32>
      %squeeze3A_258 = vector.extract %slice3A_257[0] : i32 from vector<1xi32>
      %get3A_259 = arith.index_cast %squeeze3A_258 : i32 to index
      %get3A_260 = tpu.vector_load %arg5[%get3A_259] {strides = array<i32>} : memref<10256xf32, #tpu.memory_space<vmem>>, vector<16xf32>,
      %add3A_261 = arith.addf %get3A_260, %convert_element_type3A_11 : vector<16xf32>
      %swap3A_262 = arith.index_cast %squeeze3A_258 : i32 to index
      %swap3A_263 = tpu.vector_load %arg5[%swap3A_262] {strides = array<i32>} : memref<10256xf32, #tpu.memory_space<vmem>>, vector<16xf32>,
      tpu.vector_store %arg5[%swap3A_262], %add3A_261 {strides = array<i32>} : memref<10256xf32, #tpu.memory_space<vmem>>, vector<16xf32>,
      %slice3A_264 = vector.extract_strided_slice %get3A_175 {offsets = [13], sizes = [1], strides = [1]} : vector<16xi32> to vector<1xi32>
      %squeeze3A_265 = vector.extract %slice3A_264[0] : i32 from vector<1xi32>
      %get3A_266 = arith.index_cast %squeeze3A_265 : i32 to index
      %get3A_267 = tpu.vector_load %arg5[%get3A_266] {strides = array<i32>} : memref<10256xf32, #tpu.memory_space<vmem>>, vector<16xf32>,
      %add3A_268 = arith.addf %get3A_267, %convert_element_type3A_11 : vector<16xf32>
      %swap3A_269 = arith.index_cast %squeeze3A_265 : i32 to index
      %swap3A_270 = tpu.vector_load %arg5[%swap3A_269] {strides = array<i32>} : memref<10256xf32, #tpu.memory_space<vmem>>, vector<16xf32>,
      tpu.vector_store %arg5[%swap3A_269], %add3A_268 {strides = array<i32>} : memref<10256xf32, #tpu.memory_space<vmem>>, vector<16xf32>,
      %slice3A_271 = vector.extract_strided_slice %get3A_175 {offsets = [14], sizes = [1], strides = [1]} : vector<16xi32> to vector<1xi32>
      %squeeze3A_272 = vector.extract %slice3A_271[0] : i32 from vector<1xi32>
      %get3A_273 = arith.index_cast %squeeze3A_272 : i32 to index
      %get3A_274 = tpu.vector_load %arg5[%get3A_273] {strides = array<i32>} : memref<10256xf32, #tpu.memory_space<vmem>>, vector<16xf32>,
      %add3A_275 = arith.addf %get3A_274, %convert_element_type3A_11 : vector<16xf32>
      %swap3A_276 = arith.index_cast %squeeze3A_272 : i32 to index
      %swap3A_277 = tpu.vector_load %arg5[%swap3A_276] {strides = array<i32>} : memref<10256xf32, #tpu.memory_space<vmem>>, vector<16xf32>,
      tpu.vector_store %arg5[%swap3A_276], %add3A_275 {strides = array<i32>} : memref<10256xf32, #tpu.memory_space<vmem>>, vector<16xf32>,
      %slice3A_278 = vector.extract_strided_slice %get3A_175 {offsets = [15], sizes = [1], strides = [1]} : vector<16xi32> to vector<1xi32>
      %squeeze3A_279 = vector.extract %slice3A_278[0] : i32 from vector<1xi32>
      %get3A_280 = arith.index_cast %squeeze3A_279 : i32 to index
      %get3A_281 = tpu.vector_load %arg5[%get3A_280] {strides = array<i32>} : memref<10256xf32, #tpu.memory_space<vmem>>, vector<16xf32>,
      %add3A_282 = arith.addf %get3A_281, %convert_element_type3A_11 : vector<16xf32>
      %swap3A_283 = arith.index_cast %squeeze3A_279 : i32 to index
      %swap3A_284 = tpu.vector_load %arg5[%swap3A_283] {strides = array<i32>} : memref<10256xf32, #tpu.memory_space<vmem>>, vector<16xf32>,
      tpu.vector_store %arg5[%swap3A_283], %add3A_282 {strides = array<i32>} : memref<10256xf32, #tpu.memory_space<vmem>>, vector<16xf32>,
    }
    %scan3A_17 = arith.constant 625 : i32
    "tpu.region"() ({
      %run_scoped3A_172 = tpu.sem_alloc : memref<!tpu.dma_semaphore, #tpu.memory_space<semaphore_mem>>
      %dma_start3A = arith.constant 0 : i32
      %dma_start3A_173 = tpu.memref_slice %arg8[%arg1, %dma_start3A] : memref<16x10256xf32, #tpu.memory_space<vmem_shared>> -> memref<1x10256xf32, #tpu.memory_space<vmem_shared>>
      %dma_start3A_174 = tpu.memref_squeeze %dma_start3A_173 : memref<1x10256xf32, #tpu.memory_space<vmem_shared>> -> memref<10256xf32, #tpu.memory_space<vmem_shared>>
      %dma_start3A_175 = arith.constant 0 : i32
      %dma_start3A_176 = tpu.memref_slice %arg8[%arg1, %dma_start3A_175] : memref<16x10256xf32, #tpu.memory_space<vmem_shared>> -> memref<1x10256xf32, #tpu.memory_space<vmem_shared>>
      %dma_start3A_177 = tpu.memref_squeeze %dma_start3A_176 : memref<1x10256xf32, #tpu.memory_space<vmem_shared>> -> memref<10256xf32, #tpu.memory_space<vmem_shared>>
      tpu.enqueue_dma source(%arg5 : memref<10256xf32, #tpu.memory_space<vmem>>) target(%dma_start3A_177 : memref<10256xf32, #tpu.memory_space<vmem_shared>>) target_semaphore(%run_scoped3A_172 : memref<!tpu.dma_semaphore, #tpu.memory_space<semaphore_mem>>)
      %dma_wait3A = arith.constant 0 : i32
      %dma_wait3A_178 = tpu.memref_slice %arg8[%arg1, %dma_wait3A] : memref<16x10256xf32, #tpu.memory_space<vmem_shared>> -> memref<1x10256xf32, #tpu.memory_space<vmem_shared>>
      %dma_wait3A_179 = tpu.memref_squeeze %dma_wait3A_178 : memref<1x10256xf32, #tpu.memory_space<vmem_shared>> -> memref<10256xf32, #tpu.memory_space<vmem_shared>>
      %dma_wait3A_180 = arith.constant 0 : i32
      %dma_wait3A_181 = tpu.memref_slice %arg8[%arg1, %dma_wait3A_180] : memref<16x10256xf32, #tpu.memory_space<vmem_shared>> -> memref<1x10256xf32, #tpu.memory_space<vmem_shared>>
      %dma_wait3A_182 = tpu.memref_squeeze %dma_wait3A_181 : memref<1x10256xf32, #tpu.memory_space<vmem_shared>> -> memref<10256xf32, #tpu.memory_space<vmem_shared>>
      tpu.wait_dma2 semaphore(%run_scoped3A_172 : memref<!tpu.dma_semaphore, #tpu.memory_space<semaphore_mem>>) src(%arg5 : memref<10256xf32, #tpu.memory_space<vmem>>) dst(%dma_wait3A_182 : memref<10256xf32, #tpu.memory_space<vmem_shared>>)
      tpu.yield
    }) : () -> ()
    %barrier3A = arith.constant 0 : index
    tpu.barrier barrier_id(%barrier3A)
    %scan3A_18 = arith.constant 0 : i32
    %scan3A_19 = arith.constant 0 : i32
    %scan3A_20 = arith.constant 40 : i32
    %scan3A_21 = arith.addi %scan3A_19, %scan3A_20 : i32
    %scan3A_22 = arith.constant 1 : i32
    scf.for %scan3A_172 = %scan3A_19 to %scan3A_21 step %scan3A_22  : i32 {
      %mul3A_173 = arith.constant 16 : i32
      %mul3A_174 = arith.muli %scan3A_172, %mul3A_173 : i32
      %swap3A = arith.index_cast %mul3A_174 : i32 to index
      %swap3A_175 = tpu.vector_load %arg7[%swap3A] {strides = array<i32>} : memref<640xf32, #tpu.memory_space<vmem>>, vector<16xf32>,
      tpu.vector_store %arg7[%swap3A], %broadcast_in_dim3A_1 {strides = array<i32>} : memref<640xf32, #tpu.memory_space<vmem>>, vector<16xf32>,
    }
    %scan3A_23 = arith.constant 40 : i32
    %mul3A_24 = arith.constant 640 : i32
    %mul3A_25 = arith.muli %arg1, %mul3A_24 : i32
    %run_scoped3A = arith.constant 0 : i32
    "tpu.region"() ({
      %run_scoped3A_172 = tpu.sem_alloc : memref<!tpu.dma_semaphore, #tpu.memory_space<semaphore_mem>>
      %dma_start3A = tpu.memref_slice %arg8[%run_scoped3A, %mul3A_25] : memref<16x10256xf32, #tpu.memory_space<vmem_shared>> -> memref<1x640xf32, #tpu.memory_space<vmem_shared>>
      %dma_start3A_173 = tpu.memref_squeeze %dma_start3A : memref<1x640xf32, #tpu.memory_space<vmem_shared>> -> memref<640xf32, #tpu.memory_space<vmem_shared>>
      %dma_start3A_174 = tpu.memref_slice %arg8[%run_scoped3A, %mul3A_25] : memref<16x10256xf32, #tpu.memory_space<vmem_shared>> -> memref<1x640xf32, #tpu.memory_space<vmem_shared>>
      %dma_start3A_175 = tpu.memref_squeeze %dma_start3A_174 : memref<1x640xf32, #tpu.memory_space<vmem_shared>> -> memref<640xf32, #tpu.memory_space<vmem_shared>>
      tpu.enqueue_dma source(%dma_start3A_175 : memref<640xf32, #tpu.memory_space<vmem_shared>>) target(%arg6 : memref<640xf32, #tpu.memory_space<vmem>>) target_semaphore(%run_scoped3A_172 : memref<!tpu.dma_semaphore, #tpu.memory_space<semaphore_mem>>)
      %dma_wait3A = tpu.memref_slice %arg8[%run_scoped3A, %mul3A_25] : memref<16x10256xf32, #tpu.memory_space<vmem_shared>> -> memref<1x640xf32, #tpu.memory_space<vmem_shared>>
      %dma_wait3A_176 = tpu.memref_squeeze %dma_wait3A : memref<1x640xf32, #tpu.memory_space<vmem_shared>> -> memref<640xf32, #tpu.memory_space<vmem_shared>>
      %dma_wait3A_177 = tpu.memref_slice %arg8[%run_scoped3A, %mul3A_25] : memref<16x10256xf32, #tpu.memory_space<vmem_shared>> -> memref<1x640xf32, #tpu.memory_space<vmem_shared>>
      %dma_wait3A_178 = tpu.memref_squeeze %dma_wait3A_177 : memref<1x640xf32, #tpu.memory_space<vmem_shared>> -> memref<640xf32, #tpu.memory_space<vmem_shared>>
      tpu.wait_dma2 semaphore(%run_scoped3A_172 : memref<!tpu.dma_semaphore, #tpu.memory_space<semaphore_mem>>) src(%dma_wait3A_178 : memref<640xf32, #tpu.memory_space<vmem_shared>>) dst(%arg6 : memref<640xf32, #tpu.memory_space<vmem>>)
      tpu.yield
    }) : () -> ()
    %scan3A_26 = arith.constant 0 : i32
    %scan3A_27 = arith.constant 0 : i32
    %scan3A_28 = arith.constant 40 : i32
    %scan3A_29 = arith.addi %scan3A_27, %scan3A_28 : i32
    %scan3A_30 = arith.constant 1 : i32
    scf.for %scan3A_172 = %scan3A_27 to %scan3A_29 step %scan3A_30  : i32 {
      %mul3A_173 = arith.constant 16 : i32
      %mul3A_174 = arith.muli %scan3A_172, %mul3A_173 : i32
      %get3A = arith.index_cast %mul3A_174 : i32 to index
      %get3A_175 = tpu.vector_load %arg7[%get3A] {strides = array<i32>} : memref<640xf32, #tpu.memory_space<vmem>>, vector<16xf32>,
      %mul3A_176 = arith.constant 16 : i32
      %mul3A_177 = arith.muli %scan3A_172, %mul3A_176 : i32
      %get3A_178 = arith.index_cast %mul3A_177 : i32 to index
      %get3A_179 = tpu.vector_load %arg6[%get3A_178] {strides = array<i32>} : memref<640xf32, #tpu.memory_space<vmem>>, vector<16xf32>,
      %add3A_180 = arith.addf %get3A_175, %get3A_179 : vector<16xf32>
      %mul3A_181 = arith.constant 16 : i32
      %mul3A_182 = arith.muli %scan3A_172, %mul3A_181 : i32
      %swap3A = arith.index_cast %mul3A_182 : i32 to index
      %swap3A_183 = tpu.vector_load %arg7[%swap3A] {strides = array<i32>} : memref<640xf32, #tpu.memory_space<vmem>>, vector<16xf32>,
      tpu.vector_store %arg7[%swap3A], %add3A_180 {strides = array<i32>} : memref<640xf32, #tpu.memory_space<vmem>>, vector<16xf32>,
    }
    %scan3A_31 = arith.constant 40 : i32
    %mul3A_32 = arith.constant 640 : i32
    %mul3A_33 = arith.muli %arg1, %mul3A_32 : i32
    %run_scoped3A_34 = arith.constant 1 : i32
    "tpu.region"() ({
      %run_scoped3A_172 = tpu.sem_alloc : memref<!tpu.dma_semaphore, #tpu.memory_space<semaphore_mem>>
      %dma_start3A = tpu.memref_slice %arg8[%run_scoped3A_34, %mul3A_33] : memref<16x10256xf32, #tpu.memory_space<vmem_shared>> -> memref<1x640xf32, #tpu.memory_space<vmem_shared>>
      %dma_start3A_173 = tpu.memref_squeeze %dma_start3A : memref<1x640xf32, #tpu.memory_space<vmem_shared>> -> memref<640xf32, #tpu.memory_space<vmem_shared>>
      %dma_start3A_174 = tpu.memref_slice %arg8[%run_scoped3A_34, %mul3A_33] : memref<16x10256xf32, #tpu.memory_space<vmem_shared>> -> memref<1x640xf32, #tpu.memory_space<vmem_shared>>
      %dma_start3A_175 = tpu.memref_squeeze %dma_start3A_174 : memref<1x640xf32, #tpu.memory_space<vmem_shared>> -> memref<640xf32, #tpu.memory_space<vmem_shared>>
      tpu.enqueue_dma source(%dma_start3A_175 : memref<640xf32, #tpu.memory_space<vmem_shared>>) target(%arg6 : memref<640xf32, #tpu.memory_space<vmem>>) target_semaphore(%run_scoped3A_172 : memref<!tpu.dma_semaphore, #tpu.memory_space<semaphore_mem>>)
      %dma_wait3A = tpu.memref_slice %arg8[%run_scoped3A_34, %mul3A_33] : memref<16x10256xf32, #tpu.memory_space<vmem_shared>> -> memref<1x640xf32, #tpu.memory_space<vmem_shared>>
      %dma_wait3A_176 = tpu.memref_squeeze %dma_wait3A : memref<1x640xf32, #tpu.memory_space<vmem_shared>> -> memref<640xf32, #tpu.memory_space<vmem_shared>>
      %dma_wait3A_177 = tpu.memref_slice %arg8[%run_scoped3A_34, %mul3A_33] : memref<16x10256xf32, #tpu.memory_space<vmem_shared>> -> memref<1x640xf32, #tpu.memory_space<vmem_shared>>
      %dma_wait3A_178 = tpu.memref_squeeze %dma_wait3A_177 : memref<1x640xf32, #tpu.memory_space<vmem_shared>> -> memref<640xf32, #tpu.memory_space<vmem_shared>>
      tpu.wait_dma2 semaphore(%run_scoped3A_172 : memref<!tpu.dma_semaphore, #tpu.memory_space<semaphore_mem>>) src(%dma_wait3A_178 : memref<640xf32, #tpu.memory_space<vmem_shared>>) dst(%arg6 : memref<640xf32, #tpu.memory_space<vmem>>)
      tpu.yield
    }) : () -> ()
    %scan3A_35 = arith.constant 0 : i32
    %scan3A_36 = arith.constant 0 : i32
    %scan3A_37 = arith.constant 40 : i32
    %scan3A_38 = arith.addi %scan3A_36, %scan3A_37 : i32
    %scan3A_39 = arith.constant 1 : i32
    scf.for %scan3A_172 = %scan3A_36 to %scan3A_38 step %scan3A_39  : i32 {
      %mul3A_173 = arith.constant 16 : i32
      %mul3A_174 = arith.muli %scan3A_172, %mul3A_173 : i32
      %get3A = arith.index_cast %mul3A_174 : i32 to index
      %get3A_175 = tpu.vector_load %arg7[%get3A] {strides = array<i32>} : memref<640xf32, #tpu.memory_space<vmem>>, vector<16xf32>,
      %mul3A_176 = arith.constant 16 : i32
      %mul3A_177 = arith.muli %scan3A_172, %mul3A_176 : i32
      %get3A_178 = arith.index_cast %mul3A_177 : i32 to index
      %get3A_179 = tpu.vector_load %arg6[%get3A_178] {strides = array<i32>} : memref<640xf32, #tpu.memory_space<vmem>>, vector<16xf32>,
      %add3A_180 = arith.addf %get3A_175, %get3A_179 : vector<16xf32>
      %mul3A_181 = arith.constant 16 : i32
      %mul3A_182 = arith.muli %scan3A_172, %mul3A_181 : i32
      %swap3A = arith.index_cast %mul3A_182 : i32 to index
      %swap3A_183 = tpu.vector_load %arg7[%swap3A] {strides = array<i32>} : memref<640xf32, #tpu.memory_space<vmem>>, vector<16xf32>,
      tpu.vector_store %arg7[%swap3A], %add3A_180 {strides = array<i32>} : memref<640xf32, #tpu.memory_space<vmem>>, vector<16xf32>,
    }
    %scan3A_40 = arith.constant 40 : i32
    %mul3A_41 = arith.constant 640 : i32
    %mul3A_42 = arith.muli %arg1, %mul3A_41 : i32
    %run_scoped3A_43 = arith.constant 2 : i32
    "tpu.region"() ({
      %run_scoped3A_172 = tpu.sem_alloc : memref<!tpu.dma_semaphore, #tpu.memory_space<semaphore_mem>>
      %dma_start3A = tpu.memref_slice %arg8[%run_scoped3A_43, %mul3A_42] : memref<16x10256xf32, #tpu.memory_space<vmem_shared>> -> memref<1x640xf32, #tpu.memory_space<vmem_shared>>
      %dma_start3A_173 = tpu.memref_squeeze %dma_start3A : memref<1x640xf32, #tpu.memory_space<vmem_shared>> -> memref<640xf32, #tpu.memory_space<vmem_shared>>
      %dma_start3A_174 = tpu.memref_slice %arg8[%run_scoped3A_43, %mul3A_42] : memref<16x10256xf32, #tpu.memory_space<vmem_shared>> -> memref<1x640xf32, #tpu.memory_space<vmem_shared>>
      %dma_start3A_175 = tpu.memref_squeeze %dma_start3A_174 : memref<1x640xf32, #tpu.memory_space<vmem_shared>> -> memref<640xf32, #tpu.memory_space<vmem_shared>>
      tpu.enqueue_dma source(%dma_start3A_175 : memref<640xf32, #tpu.memory_space<vmem_shared>>) target(%arg6 : memref<640xf32, #tpu.memory_space<vmem>>) target_semaphore(%run_scoped3A_172 : memref<!tpu.dma_semaphore, #tpu.memory_space<semaphore_mem>>)
      %dma_wait3A = tpu.memref_slice %arg8[%run_scoped3A_43, %mul3A_42] : memref<16x10256xf32, #tpu.memory_space<vmem_shared>> -> memref<1x640xf32, #tpu.memory_space<vmem_shared>>
      %dma_wait3A_176 = tpu.memref_squeeze %dma_wait3A : memref<1x640xf32, #tpu.memory_space<vmem_shared>> -> memref<640xf32, #tpu.memory_space<vmem_shared>>
      %dma_wait3A_177 = tpu.memref_slice %arg8[%run_scoped3A_43, %mul3A_42] : memref<16x10256xf32, #tpu.memory_space<vmem_shared>> -> memref<1x640xf32, #tpu.memory_space<vmem_shared>>
      %dma_wait3A_178 = tpu.memref_squeeze %dma_wait3A_177 : memref<1x640xf32, #tpu.memory_space<vmem_shared>> -> memref<640xf32, #tpu.memory_space<vmem_shared>>
      tpu.wait_dma2 semaphore(%run_scoped3A_172 : memref<!tpu.dma_semaphore, #tpu.memory_space<semaphore_mem>>) src(%dma_wait3A_178 : memref<640xf32, #tpu.memory_space<vmem_shared>>) dst(%arg6 : memref<640xf32, #tpu.memory_space<vmem>>)
      tpu.yield
    }) : () -> ()
    %scan3A_44 = arith.constant 0 : i32
    %scan3A_45 = arith.constant 0 : i32
    %scan3A_46 = arith.constant 40 : i32
    %scan3A_47 = arith.addi %scan3A_45, %scan3A_46 : i32
    %scan3A_48 = arith.constant 1 : i32
    scf.for %scan3A_172 = %scan3A_45 to %scan3A_47 step %scan3A_48  : i32 {
      %mul3A_173 = arith.constant 16 : i32
      %mul3A_174 = arith.muli %scan3A_172, %mul3A_173 : i32
      %get3A = arith.index_cast %mul3A_174 : i32 to index
      %get3A_175 = tpu.vector_load %arg7[%get3A] {strides = array<i32>} : memref<640xf32, #tpu.memory_space<vmem>>, vector<16xf32>,
      %mul3A_176 = arith.constant 16 : i32
      %mul3A_177 = arith.muli %scan3A_172, %mul3A_176 : i32
      %get3A_178 = arith.index_cast %mul3A_177 : i32 to index
      %get3A_179 = tpu.vector_load %arg6[%get3A_178] {strides = array<i32>} : memref<640xf32, #tpu.memory_space<vmem>>, vector<16xf32>,
      %add3A_180 = arith.addf %get3A_175, %get3A_179 : vector<16xf32>
      %mul3A_181 = arith.constant 16 : i32
      %mul3A_182 = arith.muli %scan3A_172, %mul3A_181 : i32
      %swap3A = arith.index_cast %mul3A_182 : i32 to index
      %swap3A_183 = tpu.vector_load %arg7[%swap3A] {strides = array<i32>} : memref<640xf32, #tpu.memory_space<vmem>>, vector<16xf32>,
      tpu.vector_store %arg7[%swap3A], %add3A_180 {strides = array<i32>} : memref<640xf32, #tpu.memory_space<vmem>>, vector<16xf32>,
    }
    %scan3A_49 = arith.constant 40 : i32
    %mul3A_50 = arith.constant 640 : i32
    %mul3A_51 = arith.muli %arg1, %mul3A_50 : i32
    %run_scoped3A_52 = arith.constant 3 : i32
    "tpu.region"() ({
      %run_scoped3A_172 = tpu.sem_alloc : memref<!tpu.dma_semaphore, #tpu.memory_space<semaphore_mem>>
      %dma_start3A = tpu.memref_slice %arg8[%run_scoped3A_52, %mul3A_51] : memref<16x10256xf32, #tpu.memory_space<vmem_shared>> -> memref<1x640xf32, #tpu.memory_space<vmem_shared>>
      %dma_start3A_173 = tpu.memref_squeeze %dma_start3A : memref<1x640xf32, #tpu.memory_space<vmem_shared>> -> memref<640xf32, #tpu.memory_space<vmem_shared>>
      %dma_start3A_174 = tpu.memref_slice %arg8[%run_scoped3A_52, %mul3A_51] : memref<16x10256xf32, #tpu.memory_space<vmem_shared>> -> memref<1x640xf32, #tpu.memory_space<vmem_shared>>
      %dma_start3A_175 = tpu.memref_squeeze %dma_start3A_174 : memref<1x640xf32, #tpu.memory_space<vmem_shared>> -> memref<640xf32, #tpu.memory_space<vmem_shared>>
      tpu.enqueue_dma source(%dma_start3A_175 : memref<640xf32, #tpu.memory_space<vmem_shared>>) target(%arg6 : memref<640xf32, #tpu.memory_space<vmem>>) target_semaphore(%run_scoped3A_172 : memref<!tpu.dma_semaphore, #tpu.memory_space<semaphore_mem>>)
      %dma_wait3A = tpu.memref_slice %arg8[%run_scoped3A_52, %mul3A_51] : memref<16x10256xf32, #tpu.memory_space<vmem_shared>> -> memref<1x640xf32, #tpu.memory_space<vmem_shared>>
      %dma_wait3A_176 = tpu.memref_squeeze %dma_wait3A : memref<1x640xf32, #tpu.memory_space<vmem_shared>> -> memref<640xf32, #tpu.memory_space<vmem_shared>>
      %dma_wait3A_177 = tpu.memref_slice %arg8[%run_scoped3A_52, %mul3A_51] : memref<16x10256xf32, #tpu.memory_space<vmem_shared>> -> memref<1x640xf32, #tpu.memory_space<vmem_shared>>
      %dma_wait3A_178 = tpu.memref_squeeze %dma_wait3A_177 : memref<1x640xf32, #tpu.memory_space<vmem_shared>> -> memref<640xf32, #tpu.memory_space<vmem_shared>>
      tpu.wait_dma2 semaphore(%run_scoped3A_172 : memref<!tpu.dma_semaphore, #tpu.memory_space<semaphore_mem>>) src(%dma_wait3A_178 : memref<640xf32, #tpu.memory_space<vmem_shared>>) dst(%arg6 : memref<640xf32, #tpu.memory_space<vmem>>)
      tpu.yield
    }) : () -> ()
    %scan3A_53 = arith.constant 0 : i32
    %scan3A_54 = arith.constant 0 : i32
    %scan3A_55 = arith.constant 40 : i32
    %scan3A_56 = arith.addi %scan3A_54, %scan3A_55 : i32
    %scan3A_57 = arith.constant 1 : i32
    scf.for %scan3A_172 = %scan3A_54 to %scan3A_56 step %scan3A_57  : i32 {
      %mul3A_173 = arith.constant 16 : i32
      %mul3A_174 = arith.muli %scan3A_172, %mul3A_173 : i32
      %get3A = arith.index_cast %mul3A_174 : i32 to index
      %get3A_175 = tpu.vector_load %arg7[%get3A] {strides = array<i32>} : memref<640xf32, #tpu.memory_space<vmem>>, vector<16xf32>,
      %mul3A_176 = arith.constant 16 : i32
      %mul3A_177 = arith.muli %scan3A_172, %mul3A_176 : i32
      %get3A_178 = arith.index_cast %mul3A_177 : i32 to index
      %get3A_179 = tpu.vector_load %arg6[%get3A_178] {strides = array<i32>} : memref<640xf32, #tpu.memory_space<vmem>>, vector<16xf32>,
      %add3A_180 = arith.addf %get3A_175, %get3A_179 : vector<16xf32>
      %mul3A_181 = arith.constant 16 : i32
      %mul3A_182 = arith.muli %scan3A_172, %mul3A_181 : i32
      %swap3A = arith.index_cast %mul3A_182 : i32 to index
      %swap3A_183 = tpu.vector_load %arg7[%swap3A] {strides = array<i32>} : memref<640xf32, #tpu.memory_space<vmem>>, vector<16xf32>,
      tpu.vector_store %arg7[%swap3A], %add3A_180 {strides = array<i32>} : memref<640xf32, #tpu.memory_space<vmem>>, vector<16xf32>,
    }
    %scan3A_58 = arith.constant 40 : i32
    %mul3A_59 = arith.constant 640 : i32
    %mul3A_60 = arith.muli %arg1, %mul3A_59 : i32
    %run_scoped3A_61 = arith.constant 4 : i32
    "tpu.region"() ({
      %run_scoped3A_172 = tpu.sem_alloc : memref<!tpu.dma_semaphore, #tpu.memory_space<semaphore_mem>>
      %dma_start3A = tpu.memref_slice %arg8[%run_scoped3A_61, %mul3A_60] : memref<16x10256xf32, #tpu.memory_space<vmem_shared>> -> memref<1x640xf32, #tpu.memory_space<vmem_shared>>
      %dma_start3A_173 = tpu.memref_squeeze %dma_start3A : memref<1x640xf32, #tpu.memory_space<vmem_shared>> -> memref<640xf32, #tpu.memory_space<vmem_shared>>
      %dma_start3A_174 = tpu.memref_slice %arg8[%run_scoped3A_61, %mul3A_60] : memref<16x10256xf32, #tpu.memory_space<vmem_shared>> -> memref<1x640xf32, #tpu.memory_space<vmem_shared>>
      %dma_start3A_175 = tpu.memref_squeeze %dma_start3A_174 : memref<1x640xf32, #tpu.memory_space<vmem_shared>> -> memref<640xf32, #tpu.memory_space<vmem_shared>>
      tpu.enqueue_dma source(%dma_start3A_175 : memref<640xf32, #tpu.memory_space<vmem_shared>>) target(%arg6 : memref<640xf32, #tpu.memory_space<vmem>>) target_semaphore(%run_scoped3A_172 : memref<!tpu.dma_semaphore, #tpu.memory_space<semaphore_mem>>)
      %dma_wait3A = tpu.memref_slice %arg8[%run_scoped3A_61, %mul3A_60] : memref<16x10256xf32, #tpu.memory_space<vmem_shared>> -> memref<1x640xf32, #tpu.memory_space<vmem_shared>>
      %dma_wait3A_176 = tpu.memref_squeeze %dma_wait3A : memref<1x640xf32, #tpu.memory_space<vmem_shared>> -> memref<640xf32, #tpu.memory_space<vmem_shared>>
      %dma_wait3A_177 = tpu.memref_slice %arg8[%run_scoped3A_61, %mul3A_60] : memref<16x10256xf32, #tpu.memory_space<vmem_shared>> -> memref<1x640xf32, #tpu.memory_space<vmem_shared>>
      %dma_wait3A_178 = tpu.memref_squeeze %dma_wait3A_177 : memref<1x640xf32, #tpu.memory_space<vmem_shared>> -> memref<640xf32, #tpu.memory_space<vmem_shared>>
      tpu.wait_dma2 semaphore(%run_scoped3A_172 : memref<!tpu.dma_semaphore, #tpu.memory_space<semaphore_mem>>) src(%dma_wait3A_178 : memref<640xf32, #tpu.memory_space<vmem_shared>>) dst(%arg6 : memref<640xf32, #tpu.memory_space<vmem>>)
      tpu.yield
    }) : () -> ()
    %scan3A_62 = arith.constant 0 : i32
    %scan3A_63 = arith.constant 0 : i32
    %scan3A_64 = arith.constant 40 : i32
    %scan3A_65 = arith.addi %scan3A_63, %scan3A_64 : i32
    %scan3A_66 = arith.constant 1 : i32
    scf.for %scan3A_172 = %scan3A_63 to %scan3A_65 step %scan3A_66  : i32 {
      %mul3A_173 = arith.constant 16 : i32
      %mul3A_174 = arith.muli %scan3A_172, %mul3A_173 : i32
      %get3A = arith.index_cast %mul3A_174 : i32 to index
      %get3A_175 = tpu.vector_load %arg7[%get3A] {strides = array<i32>} : memref<640xf32, #tpu.memory_space<vmem>>, vector<16xf32>,
      %mul3A_176 = arith.constant 16 : i32
      %mul3A_177 = arith.muli %scan3A_172, %mul3A_176 : i32
      %get3A_178 = arith.index_cast %mul3A_177 : i32 to index
      %get3A_179 = tpu.vector_load %arg6[%get3A_178] {strides = array<i32>} : memref<640xf32, #tpu.memory_space<vmem>>, vector<16xf32>,
      %add3A_180 = arith.addf %get3A_175, %get3A_179 : vector<16xf32>
      %mul3A_181 = arith.constant 16 : i32
      %mul3A_182 = arith.muli %scan3A_172, %mul3A_181 : i32
      %swap3A = arith.index_cast %mul3A_182 : i32 to index
      %swap3A_183 = tpu.vector_load %arg7[%swap3A] {strides = array<i32>} : memref<640xf32, #tpu.memory_space<vmem>>, vector<16xf32>,
      tpu.vector_store %arg7[%swap3A], %add3A_180 {strides = array<i32>} : memref<640xf32, #tpu.memory_space<vmem>>, vector<16xf32>,
    }
    %scan3A_67 = arith.constant 40 : i32
    %mul3A_68 = arith.constant 640 : i32
    %mul3A_69 = arith.muli %arg1, %mul3A_68 : i32
    %run_scoped3A_70 = arith.constant 5 : i32
    "tpu.region"() ({
      %run_scoped3A_172 = tpu.sem_alloc : memref<!tpu.dma_semaphore, #tpu.memory_space<semaphore_mem>>
      %dma_start3A = tpu.memref_slice %arg8[%run_scoped3A_70, %mul3A_69] : memref<16x10256xf32, #tpu.memory_space<vmem_shared>> -> memref<1x640xf32, #tpu.memory_space<vmem_shared>>
      %dma_start3A_173 = tpu.memref_squeeze %dma_start3A : memref<1x640xf32, #tpu.memory_space<vmem_shared>> -> memref<640xf32, #tpu.memory_space<vmem_shared>>
      %dma_start3A_174 = tpu.memref_slice %arg8[%run_scoped3A_70, %mul3A_69] : memref<16x10256xf32, #tpu.memory_space<vmem_shared>> -> memref<1x640xf32, #tpu.memory_space<vmem_shared>>
      %dma_start3A_175 = tpu.memref_squeeze %dma_start3A_174 : memref<1x640xf32, #tpu.memory_space<vmem_shared>> -> memref<640xf32, #tpu.memory_space<vmem_shared>>
      tpu.enqueue_dma source(%dma_start3A_175 : memref<640xf32, #tpu.memory_space<vmem_shared>>) target(%arg6 : memref<640xf32, #tpu.memory_space<vmem>>) target_semaphore(%run_scoped3A_172 : memref<!tpu.dma_semaphore, #tpu.memory_space<semaphore_mem>>)
      %dma_wait3A = tpu.memref_slice %arg8[%run_scoped3A_70, %mul3A_69] : memref<16x10256xf32, #tpu.memory_space<vmem_shared>> -> memref<1x640xf32, #tpu.memory_space<vmem_shared>>
      %dma_wait3A_176 = tpu.memref_squeeze %dma_wait3A : memref<1x640xf32, #tpu.memory_space<vmem_shared>> -> memref<640xf32, #tpu.memory_space<vmem_shared>>
      %dma_wait3A_177 = tpu.memref_slice %arg8[%run_scoped3A_70, %mul3A_69] : memref<16x10256xf32, #tpu.memory_space<vmem_shared>> -> memref<1x640xf32, #tpu.memory_space<vmem_shared>>
      %dma_wait3A_178 = tpu.memref_squeeze %dma_wait3A_177 : memref<1x640xf32, #tpu.memory_space<vmem_shared>> -> memref<640xf32, #tpu.memory_space<vmem_shared>>
      tpu.wait_dma2 semaphore(%run_scoped3A_172 : memref<!tpu.dma_semaphore, #tpu.memory_space<semaphore_mem>>) src(%dma_wait3A_178 : memref<640xf32, #tpu.memory_space<vmem_shared>>) dst(%arg6 : memref<640xf32, #tpu.memory_space<vmem>>)
      tpu.yield
    }) : () -> ()
    %scan3A_71 = arith.constant 0 : i32
    %scan3A_72 = arith.constant 0 : i32
    %scan3A_73 = arith.constant 40 : i32
    %scan3A_74 = arith.addi %scan3A_72, %scan3A_73 : i32
    %scan3A_75 = arith.constant 1 : i32
    scf.for %scan3A_172 = %scan3A_72 to %scan3A_74 step %scan3A_75  : i32 {
      %mul3A_173 = arith.constant 16 : i32
      %mul3A_174 = arith.muli %scan3A_172, %mul3A_173 : i32
      %get3A = arith.index_cast %mul3A_174 : i32 to index
      %get3A_175 = tpu.vector_load %arg7[%get3A] {strides = array<i32>} : memref<640xf32, #tpu.memory_space<vmem>>, vector<16xf32>,
      %mul3A_176 = arith.constant 16 : i32
      %mul3A_177 = arith.muli %scan3A_172, %mul3A_176 : i32
      %get3A_178 = arith.index_cast %mul3A_177 : i32 to index
      %get3A_179 = tpu.vector_load %arg6[%get3A_178] {strides = array<i32>} : memref<640xf32, #tpu.memory_space<vmem>>, vector<16xf32>,
      %add3A_180 = arith.addf %get3A_175, %get3A_179 : vector<16xf32>
      %mul3A_181 = arith.constant 16 : i32
      %mul3A_182 = arith.muli %scan3A_172, %mul3A_181 : i32
      %swap3A = arith.index_cast %mul3A_182 : i32 to index
      %swap3A_183 = tpu.vector_load %arg7[%swap3A] {strides = array<i32>} : memref<640xf32, #tpu.memory_space<vmem>>, vector<16xf32>,
      tpu.vector_store %arg7[%swap3A], %add3A_180 {strides = array<i32>} : memref<640xf32, #tpu.memory_space<vmem>>, vector<16xf32>,
    }
    %scan3A_76 = arith.constant 40 : i32
    %mul3A_77 = arith.constant 640 : i32
    %mul3A_78 = arith.muli %arg1, %mul3A_77 : i32
    %run_scoped3A_79 = arith.constant 6 : i32
    "tpu.region"() ({
      %run_scoped3A_172 = tpu.sem_alloc : memref<!tpu.dma_semaphore, #tpu.memory_space<semaphore_mem>>
      %dma_start3A = tpu.memref_slice %arg8[%run_scoped3A_79, %mul3A_78] : memref<16x10256xf32, #tpu.memory_space<vmem_shared>> -> memref<1x640xf32, #tpu.memory_space<vmem_shared>>
      %dma_start3A_173 = tpu.memref_squeeze %dma_start3A : memref<1x640xf32, #tpu.memory_space<vmem_shared>> -> memref<640xf32, #tpu.memory_space<vmem_shared>>
      %dma_start3A_174 = tpu.memref_slice %arg8[%run_scoped3A_79, %mul3A_78] : memref<16x10256xf32, #tpu.memory_space<vmem_shared>> -> memref<1x640xf32, #tpu.memory_space<vmem_shared>>
      %dma_start3A_175 = tpu.memref_squeeze %dma_start3A_174 : memref<1x640xf32, #tpu.memory_space<vmem_shared>> -> memref<640xf32, #tpu.memory_space<vmem_shared>>
      tpu.enqueue_dma source(%dma_start3A_175 : memref<640xf32, #tpu.memory_space<vmem_shared>>) target(%arg6 : memref<640xf32, #tpu.memory_space<vmem>>) target_semaphore(%run_scoped3A_172 : memref<!tpu.dma_semaphore, #tpu.memory_space<semaphore_mem>>)
      %dma_wait3A = tpu.memref_slice %arg8[%run_scoped3A_79, %mul3A_78] : memref<16x10256xf32, #tpu.memory_space<vmem_shared>> -> memref<1x640xf32, #tpu.memory_space<vmem_shared>>
      %dma_wait3A_176 = tpu.memref_squeeze %dma_wait3A : memref<1x640xf32, #tpu.memory_space<vmem_shared>> -> memref<640xf32, #tpu.memory_space<vmem_shared>>
      %dma_wait3A_177 = tpu.memref_slice %arg8[%run_scoped3A_79, %mul3A_78] : memref<16x10256xf32, #tpu.memory_space<vmem_shared>> -> memref<1x640xf32, #tpu.memory_space<vmem_shared>>
      %dma_wait3A_178 = tpu.memref_squeeze %dma_wait3A_177 : memref<1x640xf32, #tpu.memory_space<vmem_shared>> -> memref<640xf32, #tpu.memory_space<vmem_shared>>
      tpu.wait_dma2 semaphore(%run_scoped3A_172 : memref<!tpu.dma_semaphore, #tpu.memory_space<semaphore_mem>>) src(%dma_wait3A_178 : memref<640xf32, #tpu.memory_space<vmem_shared>>) dst(%arg6 : memref<640xf32, #tpu.memory_space<vmem>>)
      tpu.yield
    }) : () -> ()
    %scan3A_80 = arith.constant 0 : i32
    %scan3A_81 = arith.constant 0 : i32
    %scan3A_82 = arith.constant 40 : i32
    %scan3A_83 = arith.addi %scan3A_81, %scan3A_82 : i32
    %scan3A_84 = arith.constant 1 : i32
    scf.for %scan3A_172 = %scan3A_81 to %scan3A_83 step %scan3A_84  : i32 {
      %mul3A_173 = arith.constant 16 : i32
      %mul3A_174 = arith.muli %scan3A_172, %mul3A_173 : i32
      %get3A = arith.index_cast %mul3A_174 : i32 to index
      %get3A_175 = tpu.vector_load %arg7[%get3A] {strides = array<i32>} : memref<640xf32, #tpu.memory_space<vmem>>, vector<16xf32>,
      %mul3A_176 = arith.constant 16 : i32
      %mul3A_177 = arith.muli %scan3A_172, %mul3A_176 : i32
      %get3A_178 = arith.index_cast %mul3A_177 : i32 to index
      %get3A_179 = tpu.vector_load %arg6[%get3A_178] {strides = array<i32>} : memref<640xf32, #tpu.memory_space<vmem>>, vector<16xf32>,
      %add3A_180 = arith.addf %get3A_175, %get3A_179 : vector<16xf32>
      %mul3A_181 = arith.constant 16 : i32
      %mul3A_182 = arith.muli %scan3A_172, %mul3A_181 : i32
      %swap3A = arith.index_cast %mul3A_182 : i32 to index
      %swap3A_183 = tpu.vector_load %arg7[%swap3A] {strides = array<i32>} : memref<640xf32, #tpu.memory_space<vmem>>, vector<16xf32>,
      tpu.vector_store %arg7[%swap3A], %add3A_180 {strides = array<i32>} : memref<640xf32, #tpu.memory_space<vmem>>, vector<16xf32>,
    }
    %scan3A_85 = arith.constant 40 : i32
    %mul3A_86 = arith.constant 640 : i32
    %mul3A_87 = arith.muli %arg1, %mul3A_86 : i32
    %run_scoped3A_88 = arith.constant 7 : i32
    "tpu.region"() ({
      %run_scoped3A_172 = tpu.sem_alloc : memref<!tpu.dma_semaphore, #tpu.memory_space<semaphore_mem>>
      %dma_start3A = tpu.memref_slice %arg8[%run_scoped3A_88, %mul3A_87] : memref<16x10256xf32, #tpu.memory_space<vmem_shared>> -> memref<1x640xf32, #tpu.memory_space<vmem_shared>>
      %dma_start3A_173 = tpu.memref_squeeze %dma_start3A : memref<1x640xf32, #tpu.memory_space<vmem_shared>> -> memref<640xf32, #tpu.memory_space<vmem_shared>>
      %dma_start3A_174 = tpu.memref_slice %arg8[%run_scoped3A_88, %mul3A_87] : memref<16x10256xf32, #tpu.memory_space<vmem_shared>> -> memref<1x640xf32, #tpu.memory_space<vmem_shared>>
      %dma_start3A_175 = tpu.memref_squeeze %dma_start3A_174 : memref<1x640xf32, #tpu.memory_space<vmem_shared>> -> memref<640xf32, #tpu.memory_space<vmem_shared>>
      tpu.enqueue_dma source(%dma_start3A_175 : memref<640xf32, #tpu.memory_space<vmem_shared>>) target(%arg6 : memref<640xf32, #tpu.memory_space<vmem>>) target_semaphore(%run_scoped3A_172 : memref<!tpu.dma_semaphore, #tpu.memory_space<semaphore_mem>>)
      %dma_wait3A = tpu.memref_slice %arg8[%run_scoped3A_88, %mul3A_87] : memref<16x10256xf32, #tpu.memory_space<vmem_shared>> -> memref<1x640xf32, #tpu.memory_space<vmem_shared>>
      %dma_wait3A_176 = tpu.memref_squeeze %dma_wait3A : memref<1x640xf32, #tpu.memory_space<vmem_shared>> -> memref<640xf32, #tpu.memory_space<vmem_shared>>
      %dma_wait3A_177 = tpu.memref_slice %arg8[%run_scoped3A_88, %mul3A_87] : memref<16x10256xf32, #tpu.memory_space<vmem_shared>> -> memref<1x640xf32, #tpu.memory_space<vmem_shared>>
      %dma_wait3A_178 = tpu.memref_squeeze %dma_wait3A_177 : memref<1x640xf32, #tpu.memory_space<vmem_shared>> -> memref<640xf32, #tpu.memory_space<vmem_shared>>
      tpu.wait_dma2 semaphore(%run_scoped3A_172 : memref<!tpu.dma_semaphore, #tpu.memory_space<semaphore_mem>>) src(%dma_wait3A_178 : memref<640xf32, #tpu.memory_space<vmem_shared>>) dst(%arg6 : memref<640xf32, #tpu.memory_space<vmem>>)
      tpu.yield
    }) : () -> ()
    %scan3A_89 = arith.constant 0 : i32
    %scan3A_90 = arith.constant 0 : i32
    %scan3A_91 = arith.constant 40 : i32
    %scan3A_92 = arith.addi %scan3A_90, %scan3A_91 : i32
    %scan3A_93 = arith.constant 1 : i32
    scf.for %scan3A_172 = %scan3A_90 to %scan3A_92 step %scan3A_93  : i32 {
      %mul3A_173 = arith.constant 16 : i32
      %mul3A_174 = arith.muli %scan3A_172, %mul3A_173 : i32
      %get3A = arith.index_cast %mul3A_174 : i32 to index
      %get3A_175 = tpu.vector_load %arg7[%get3A] {strides = array<i32>} : memref<640xf32, #tpu.memory_space<vmem>>, vector<16xf32>,
      %mul3A_176 = arith.constant 16 : i32
      %mul3A_177 = arith.muli %scan3A_172, %mul3A_176 : i32
      %get3A_178 = arith.index_cast %mul3A_177 : i32 to index
      %get3A_179 = tpu.vector_load %arg6[%get3A_178] {strides = array<i32>} : memref<640xf32, #tpu.memory_space<vmem>>, vector<16xf32>,
      %add3A_180 = arith.addf %get3A_175, %get3A_179 : vector<16xf32>
      %mul3A_181 = arith.constant 16 : i32
      %mul3A_182 = arith.muli %scan3A_172, %mul3A_181 : i32
      %swap3A = arith.index_cast %mul3A_182 : i32 to index
      %swap3A_183 = tpu.vector_load %arg7[%swap3A] {strides = array<i32>} : memref<640xf32, #tpu.memory_space<vmem>>, vector<16xf32>,
      tpu.vector_store %arg7[%swap3A], %add3A_180 {strides = array<i32>} : memref<640xf32, #tpu.memory_space<vmem>>, vector<16xf32>,
    }
    %scan3A_94 = arith.constant 40 : i32
    %mul3A_95 = arith.constant 640 : i32
    %mul3A_96 = arith.muli %arg1, %mul3A_95 : i32
    %run_scoped3A_97 = arith.constant 8 : i32
    "tpu.region"() ({
      %run_scoped3A_172 = tpu.sem_alloc : memref<!tpu.dma_semaphore, #tpu.memory_space<semaphore_mem>>
      %dma_start3A = tpu.memref_slice %arg8[%run_scoped3A_97, %mul3A_96] : memref<16x10256xf32, #tpu.memory_space<vmem_shared>> -> memref<1x640xf32, #tpu.memory_space<vmem_shared>>
      %dma_start3A_173 = tpu.memref_squeeze %dma_start3A : memref<1x640xf32, #tpu.memory_space<vmem_shared>> -> memref<640xf32, #tpu.memory_space<vmem_shared>>
      %dma_start3A_174 = tpu.memref_slice %arg8[%run_scoped3A_97, %mul3A_96] : memref<16x10256xf32, #tpu.memory_space<vmem_shared>> -> memref<1x640xf32, #tpu.memory_space<vmem_shared>>
      %dma_start3A_175 = tpu.memref_squeeze %dma_start3A_174 : memref<1x640xf32, #tpu.memory_space<vmem_shared>> -> memref<640xf32, #tpu.memory_space<vmem_shared>>
      tpu.enqueue_dma source(%dma_start3A_175 : memref<640xf32, #tpu.memory_space<vmem_shared>>) target(%arg6 : memref<640xf32, #tpu.memory_space<vmem>>) target_semaphore(%run_scoped3A_172 : memref<!tpu.dma_semaphore, #tpu.memory_space<semaphore_mem>>)
      %dma_wait3A = tpu.memref_slice %arg8[%run_scoped3A_97, %mul3A_96] : memref<16x10256xf32, #tpu.memory_space<vmem_shared>> -> memref<1x640xf32, #tpu.memory_space<vmem_shared>>
      %dma_wait3A_176 = tpu.memref_squeeze %dma_wait3A : memref<1x640xf32, #tpu.memory_space<vmem_shared>> -> memref<640xf32, #tpu.memory_space<vmem_shared>>
      %dma_wait3A_177 = tpu.memref_slice %arg8[%run_scoped3A_97, %mul3A_96] : memref<16x10256xf32, #tpu.memory_space<vmem_shared>> -> memref<1x640xf32, #tpu.memory_space<vmem_shared>>
      %dma_wait3A_178 = tpu.memref_squeeze %dma_wait3A_177 : memref<1x640xf32, #tpu.memory_space<vmem_shared>> -> memref<640xf32, #tpu.memory_space<vmem_shared>>
      tpu.wait_dma2 semaphore(%run_scoped3A_172 : memref<!tpu.dma_semaphore, #tpu.memory_space<semaphore_mem>>) src(%dma_wait3A_178 : memref<640xf32, #tpu.memory_space<vmem_shared>>) dst(%arg6 : memref<640xf32, #tpu.memory_space<vmem>>)
      tpu.yield
    }) : () -> ()
    %scan3A_98 = arith.constant 0 : i32
    %scan3A_99 = arith.constant 0 : i32
    %scan3A_100 = arith.constant 40 : i32
    %scan3A_101 = arith.addi %scan3A_99, %scan3A_100 : i32
    %scan3A_102 = arith.constant 1 : i32
    scf.for %scan3A_172 = %scan3A_99 to %scan3A_101 step %scan3A_102  : i32 {
      %mul3A_173 = arith.constant 16 : i32
      %mul3A_174 = arith.muli %scan3A_172, %mul3A_173 : i32
      %get3A = arith.index_cast %mul3A_174 : i32 to index
      %get3A_175 = tpu.vector_load %arg7[%get3A] {strides = array<i32>} : memref<640xf32, #tpu.memory_space<vmem>>, vector<16xf32>,
      %mul3A_176 = arith.constant 16 : i32
      %mul3A_177 = arith.muli %scan3A_172, %mul3A_176 : i32
      %get3A_178 = arith.index_cast %mul3A_177 : i32 to index
      %get3A_179 = tpu.vector_load %arg6[%get3A_178] {strides = array<i32>} : memref<640xf32, #tpu.memory_space<vmem>>, vector<16xf32>,
      %add3A_180 = arith.addf %get3A_175, %get3A_179 : vector<16xf32>
      %mul3A_181 = arith.constant 16 : i32
      %mul3A_182 = arith.muli %scan3A_172, %mul3A_181 : i32
      %swap3A = arith.index_cast %mul3A_182 : i32 to index
      %swap3A_183 = tpu.vector_load %arg7[%swap3A] {strides = array<i32>} : memref<640xf32, #tpu.memory_space<vmem>>, vector<16xf32>,
      tpu.vector_store %arg7[%swap3A], %add3A_180 {strides = array<i32>} : memref<640xf32, #tpu.memory_space<vmem>>, vector<16xf32>,
    }
    %scan3A_103 = arith.constant 40 : i32
    %mul3A_104 = arith.constant 640 : i32
    %mul3A_105 = arith.muli %arg1, %mul3A_104 : i32
    %run_scoped3A_106 = arith.constant 9 : i32
    "tpu.region"() ({
      %run_scoped3A_172 = tpu.sem_alloc : memref<!tpu.dma_semaphore, #tpu.memory_space<semaphore_mem>>
      %dma_start3A = tpu.memref_slice %arg8[%run_scoped3A_106, %mul3A_105] : memref<16x10256xf32, #tpu.memory_space<vmem_shared>> -> memref<1x640xf32, #tpu.memory_space<vmem_shared>>
      %dma_start3A_173 = tpu.memref_squeeze %dma_start3A : memref<1x640xf32, #tpu.memory_space<vmem_shared>> -> memref<640xf32, #tpu.memory_space<vmem_shared>>
      %dma_start3A_174 = tpu.memref_slice %arg8[%run_scoped3A_106, %mul3A_105] : memref<16x10256xf32, #tpu.memory_space<vmem_shared>> -> memref<1x640xf32, #tpu.memory_space<vmem_shared>>
      %dma_start3A_175 = tpu.memref_squeeze %dma_start3A_174 : memref<1x640xf32, #tpu.memory_space<vmem_shared>> -> memref<640xf32, #tpu.memory_space<vmem_shared>>
      tpu.enqueue_dma source(%dma_start3A_175 : memref<640xf32, #tpu.memory_space<vmem_shared>>) target(%arg6 : memref<640xf32, #tpu.memory_space<vmem>>) target_semaphore(%run_scoped3A_172 : memref<!tpu.dma_semaphore, #tpu.memory_space<semaphore_mem>>)
      %dma_wait3A = tpu.memref_slice %arg8[%run_scoped3A_106, %mul3A_105] : memref<16x10256xf32, #tpu.memory_space<vmem_shared>> -> memref<1x640xf32, #tpu.memory_space<vmem_shared>>
      %dma_wait3A_176 = tpu.memref_squeeze %dma_wait3A : memref<1x640xf32, #tpu.memory_space<vmem_shared>> -> memref<640xf32, #tpu.memory_space<vmem_shared>>
      %dma_wait3A_177 = tpu.memref_slice %arg8[%run_scoped3A_106, %mul3A_105] : memref<16x10256xf32, #tpu.memory_space<vmem_shared>> -> memref<1x640xf32, #tpu.memory_space<vmem_shared>>
      %dma_wait3A_178 = tpu.memref_squeeze %dma_wait3A_177 : memref<1x640xf32, #tpu.memory_space<vmem_shared>> -> memref<640xf32, #tpu.memory_space<vmem_shared>>
      tpu.wait_dma2 semaphore(%run_scoped3A_172 : memref<!tpu.dma_semaphore, #tpu.memory_space<semaphore_mem>>) src(%dma_wait3A_178 : memref<640xf32, #tpu.memory_space<vmem_shared>>) dst(%arg6 : memref<640xf32, #tpu.memory_space<vmem>>)
      tpu.yield
    }) : () -> ()
    %scan3A_107 = arith.constant 0 : i32
    %scan3A_108 = arith.constant 0 : i32
    %scan3A_109 = arith.constant 40 : i32
    %scan3A_110 = arith.addi %scan3A_108, %scan3A_109 : i32
    %scan3A_111 = arith.constant 1 : i32
    scf.for %scan3A_172 = %scan3A_108 to %scan3A_110 step %scan3A_111  : i32 {
      %mul3A_173 = arith.constant 16 : i32
      %mul3A_174 = arith.muli %scan3A_172, %mul3A_173 : i32
      %get3A = arith.index_cast %mul3A_174 : i32 to index
      %get3A_175 = tpu.vector_load %arg7[%get3A] {strides = array<i32>} : memref<640xf32, #tpu.memory_space<vmem>>, vector<16xf32>,
      %mul3A_176 = arith.constant 16 : i32
      %mul3A_177 = arith.muli %scan3A_172, %mul3A_176 : i32
      %get3A_178 = arith.index_cast %mul3A_177 : i32 to index
      %get3A_179 = tpu.vector_load %arg6[%get3A_178] {strides = array<i32>} : memref<640xf32, #tpu.memory_space<vmem>>, vector<16xf32>,
      %add3A_180 = arith.addf %get3A_175, %get3A_179 : vector<16xf32>
      %mul3A_181 = arith.constant 16 : i32
      %mul3A_182 = arith.muli %scan3A_172, %mul3A_181 : i32
      %swap3A = arith.index_cast %mul3A_182 : i32 to index
      %swap3A_183 = tpu.vector_load %arg7[%swap3A] {strides = array<i32>} : memref<640xf32, #tpu.memory_space<vmem>>, vector<16xf32>,
      tpu.vector_store %arg7[%swap3A], %add3A_180 {strides = array<i32>} : memref<640xf32, #tpu.memory_space<vmem>>, vector<16xf32>,
    }
    %scan3A_112 = arith.constant 40 : i32
    %mul3A_113 = arith.constant 640 : i32
    %mul3A_114 = arith.muli %arg1, %mul3A_113 : i32
    %run_scoped3A_115 = arith.constant 10 : i32
    "tpu.region"() ({
      %run_scoped3A_172 = tpu.sem_alloc : memref<!tpu.dma_semaphore, #tpu.memory_space<semaphore_mem>>
      %dma_start3A = tpu.memref_slice %arg8[%run_scoped3A_115, %mul3A_114] : memref<16x10256xf32, #tpu.memory_space<vmem_shared>> -> memref<1x640xf32, #tpu.memory_space<vmem_shared>>
      %dma_start3A_173 = tpu.memref_squeeze %dma_start3A : memref<1x640xf32, #tpu.memory_space<vmem_shared>> -> memref<640xf32, #tpu.memory_space<vmem_shared>>
      %dma_start3A_174 = tpu.memref_slice %arg8[%run_scoped3A_115, %mul3A_114] : memref<16x10256xf32, #tpu.memory_space<vmem_shared>> -> memref<1x640xf32, #tpu.memory_space<vmem_shared>>
      %dma_start3A_175 = tpu.memref_squeeze %dma_start3A_174 : memref<1x640xf32, #tpu.memory_space<vmem_shared>> -> memref<640xf32, #tpu.memory_space<vmem_shared>>
      tpu.enqueue_dma source(%dma_start3A_175 : memref<640xf32, #tpu.memory_space<vmem_shared>>) target(%arg6 : memref<640xf32, #tpu.memory_space<vmem>>) target_semaphore(%run_scoped3A_172 : memref<!tpu.dma_semaphore, #tpu.memory_space<semaphore_mem>>)
      %dma_wait3A = tpu.memref_slice %arg8[%run_scoped3A_115, %mul3A_114] : memref<16x10256xf32, #tpu.memory_space<vmem_shared>> -> memref<1x640xf32, #tpu.memory_space<vmem_shared>>
      %dma_wait3A_176 = tpu.memref_squeeze %dma_wait3A : memref<1x640xf32, #tpu.memory_space<vmem_shared>> -> memref<640xf32, #tpu.memory_space<vmem_shared>>
      %dma_wait3A_177 = tpu.memref_slice %arg8[%run_scoped3A_115, %mul3A_114] : memref<16x10256xf32, #tpu.memory_space<vmem_shared>> -> memref<1x640xf32, #tpu.memory_space<vmem_shared>>
      %dma_wait3A_178 = tpu.memref_squeeze %dma_wait3A_177 : memref<1x640xf32, #tpu.memory_space<vmem_shared>> -> memref<640xf32, #tpu.memory_space<vmem_shared>>
      tpu.wait_dma2 semaphore(%run_scoped3A_172 : memref<!tpu.dma_semaphore, #tpu.memory_space<semaphore_mem>>) src(%dma_wait3A_178 : memref<640xf32, #tpu.memory_space<vmem_shared>>) dst(%arg6 : memref<640xf32, #tpu.memory_space<vmem>>)
      tpu.yield
    }) : () -> ()
    %scan3A_116 = arith.constant 0 : i32
    %scan3A_117 = arith.constant 0 : i32
    %scan3A_118 = arith.constant 40 : i32
    %scan3A_119 = arith.addi %scan3A_117, %scan3A_118 : i32
    %scan3A_120 = arith.constant 1 : i32
    scf.for %scan3A_172 = %scan3A_117 to %scan3A_119 step %scan3A_120  : i32 {
      %mul3A_173 = arith.constant 16 : i32
      %mul3A_174 = arith.muli %scan3A_172, %mul3A_173 : i32
      %get3A = arith.index_cast %mul3A_174 : i32 to index
      %get3A_175 = tpu.vector_load %arg7[%get3A] {strides = array<i32>} : memref<640xf32, #tpu.memory_space<vmem>>, vector<16xf32>,
      %mul3A_176 = arith.constant 16 : i32
      %mul3A_177 = arith.muli %scan3A_172, %mul3A_176 : i32
      %get3A_178 = arith.index_cast %mul3A_177 : i32 to index
      %get3A_179 = tpu.vector_load %arg6[%get3A_178] {strides = array<i32>} : memref<640xf32, #tpu.memory_space<vmem>>, vector<16xf32>,
      %add3A_180 = arith.addf %get3A_175, %get3A_179 : vector<16xf32>
      %mul3A_181 = arith.constant 16 : i32
      %mul3A_182 = arith.muli %scan3A_172, %mul3A_181 : i32
      %swap3A = arith.index_cast %mul3A_182 : i32 to index
      %swap3A_183 = tpu.vector_load %arg7[%swap3A] {strides = array<i32>} : memref<640xf32, #tpu.memory_space<vmem>>, vector<16xf32>,
      tpu.vector_store %arg7[%swap3A], %add3A_180 {strides = array<i32>} : memref<640xf32, #tpu.memory_space<vmem>>, vector<16xf32>,
    }
    %scan3A_121 = arith.constant 40 : i32
    %mul3A_122 = arith.constant 640 : i32
    %mul3A_123 = arith.muli %arg1, %mul3A_122 : i32
    %run_scoped3A_124 = arith.constant 11 : i32
    "tpu.region"() ({
      %run_scoped3A_172 = tpu.sem_alloc : memref<!tpu.dma_semaphore, #tpu.memory_space<semaphore_mem>>
      %dma_start3A = tpu.memref_slice %arg8[%run_scoped3A_124, %mul3A_123] : memref<16x10256xf32, #tpu.memory_space<vmem_shared>> -> memref<1x640xf32, #tpu.memory_space<vmem_shared>>
      %dma_start3A_173 = tpu.memref_squeeze %dma_start3A : memref<1x640xf32, #tpu.memory_space<vmem_shared>> -> memref<640xf32, #tpu.memory_space<vmem_shared>>
      %dma_start3A_174 = tpu.memref_slice %arg8[%run_scoped3A_124, %mul3A_123] : memref<16x10256xf32, #tpu.memory_space<vmem_shared>> -> memref<1x640xf32, #tpu.memory_space<vmem_shared>>
      %dma_start3A_175 = tpu.memref_squeeze %dma_start3A_174 : memref<1x640xf32, #tpu.memory_space<vmem_shared>> -> memref<640xf32, #tpu.memory_space<vmem_shared>>
      tpu.enqueue_dma source(%dma_start3A_175 : memref<640xf32, #tpu.memory_space<vmem_shared>>) target(%arg6 : memref<640xf32, #tpu.memory_space<vmem>>) target_semaphore(%run_scoped3A_172 : memref<!tpu.dma_semaphore, #tpu.memory_space<semaphore_mem>>)
      %dma_wait3A = tpu.memref_slice %arg8[%run_scoped3A_124, %mul3A_123] : memref<16x10256xf32, #tpu.memory_space<vmem_shared>> -> memref<1x640xf32, #tpu.memory_space<vmem_shared>>
      %dma_wait3A_176 = tpu.memref_squeeze %dma_wait3A : memref<1x640xf32, #tpu.memory_space<vmem_shared>> -> memref<640xf32, #tpu.memory_space<vmem_shared>>
      %dma_wait3A_177 = tpu.memref_slice %arg8[%run_scoped3A_124, %mul3A_123] : memref<16x10256xf32, #tpu.memory_space<vmem_shared>> -> memref<1x640xf32, #tpu.memory_space<vmem_shared>>
      %dma_wait3A_178 = tpu.memref_squeeze %dma_wait3A_177 : memref<1x640xf32, #tpu.memory_space<vmem_shared>> -> memref<640xf32, #tpu.memory_space<vmem_shared>>
      tpu.wait_dma2 semaphore(%run_scoped3A_172 : memref<!tpu.dma_semaphore, #tpu.memory_space<semaphore_mem>>) src(%dma_wait3A_178 : memref<640xf32, #tpu.memory_space<vmem_shared>>) dst(%arg6 : memref<640xf32, #tpu.memory_space<vmem>>)
      tpu.yield
    }) : () -> ()
    %scan3A_125 = arith.constant 0 : i32
    %scan3A_126 = arith.constant 0 : i32
    %scan3A_127 = arith.constant 40 : i32
    %scan3A_128 = arith.addi %scan3A_126, %scan3A_127 : i32
    %scan3A_129 = arith.constant 1 : i32
    scf.for %scan3A_172 = %scan3A_126 to %scan3A_128 step %scan3A_129  : i32 {
      %mul3A_173 = arith.constant 16 : i32
      %mul3A_174 = arith.muli %scan3A_172, %mul3A_173 : i32
      %get3A = arith.index_cast %mul3A_174 : i32 to index
      %get3A_175 = tpu.vector_load %arg7[%get3A] {strides = array<i32>} : memref<640xf32, #tpu.memory_space<vmem>>, vector<16xf32>,
      %mul3A_176 = arith.constant 16 : i32
      %mul3A_177 = arith.muli %scan3A_172, %mul3A_176 : i32
      %get3A_178 = arith.index_cast %mul3A_177 : i32 to index
      %get3A_179 = tpu.vector_load %arg6[%get3A_178] {strides = array<i32>} : memref<640xf32, #tpu.memory_space<vmem>>, vector<16xf32>,
      %add3A_180 = arith.addf %get3A_175, %get3A_179 : vector<16xf32>
      %mul3A_181 = arith.constant 16 : i32
      %mul3A_182 = arith.muli %scan3A_172, %mul3A_181 : i32
      %swap3A = arith.index_cast %mul3A_182 : i32 to index
      %swap3A_183 = tpu.vector_load %arg7[%swap3A] {strides = array<i32>} : memref<640xf32, #tpu.memory_space<vmem>>, vector<16xf32>,
      tpu.vector_store %arg7[%swap3A], %add3A_180 {strides = array<i32>} : memref<640xf32, #tpu.memory_space<vmem>>, vector<16xf32>,
    }
    %scan3A_130 = arith.constant 40 : i32
    %mul3A_131 = arith.constant 640 : i32
    %mul3A_132 = arith.muli %arg1, %mul3A_131 : i32
    %run_scoped3A_133 = arith.constant 12 : i32
    "tpu.region"() ({
      %run_scoped3A_172 = tpu.sem_alloc : memref<!tpu.dma_semaphore, #tpu.memory_space<semaphore_mem>>
      %dma_start3A = tpu.memref_slice %arg8[%run_scoped3A_133, %mul3A_132] : memref<16x10256xf32, #tpu.memory_space<vmem_shared>> -> memref<1x640xf32, #tpu.memory_space<vmem_shared>>
      %dma_start3A_173 = tpu.memref_squeeze %dma_start3A : memref<1x640xf32, #tpu.memory_space<vmem_shared>> -> memref<640xf32, #tpu.memory_space<vmem_shared>>
      %dma_start3A_174 = tpu.memref_slice %arg8[%run_scoped3A_133, %mul3A_132] : memref<16x10256xf32, #tpu.memory_space<vmem_shared>> -> memref<1x640xf32, #tpu.memory_space<vmem_shared>>
      %dma_start3A_175 = tpu.memref_squeeze %dma_start3A_174 : memref<1x640xf32, #tpu.memory_space<vmem_shared>> -> memref<640xf32, #tpu.memory_space<vmem_shared>>
      tpu.enqueue_dma source(%dma_start3A_175 : memref<640xf32, #tpu.memory_space<vmem_shared>>) target(%arg6 : memref<640xf32, #tpu.memory_space<vmem>>) target_semaphore(%run_scoped3A_172 : memref<!tpu.dma_semaphore, #tpu.memory_space<semaphore_mem>>)
      %dma_wait3A = tpu.memref_slice %arg8[%run_scoped3A_133, %mul3A_132] : memref<16x10256xf32, #tpu.memory_space<vmem_shared>> -> memref<1x640xf32, #tpu.memory_space<vmem_shared>>
      %dma_wait3A_176 = tpu.memref_squeeze %dma_wait3A : memref<1x640xf32, #tpu.memory_space<vmem_shared>> -> memref<640xf32, #tpu.memory_space<vmem_shared>>
      %dma_wait3A_177 = tpu.memref_slice %arg8[%run_scoped3A_133, %mul3A_132] : memref<16x10256xf32, #tpu.memory_space<vmem_shared>> -> memref<1x640xf32, #tpu.memory_space<vmem_shared>>
      %dma_wait3A_178 = tpu.memref_squeeze %dma_wait3A_177 : memref<1x640xf32, #tpu.memory_space<vmem_shared>> -> memref<640xf32, #tpu.memory_space<vmem_shared>>
      tpu.wait_dma2 semaphore(%run_scoped3A_172 : memref<!tpu.dma_semaphore, #tpu.memory_space<semaphore_mem>>) src(%dma_wait3A_178 : memref<640xf32, #tpu.memory_space<vmem_shared>>) dst(%arg6 : memref<640xf32, #tpu.memory_space<vmem>>)
      tpu.yield
    }) : () -> ()
    %scan3A_134 = arith.constant 0 : i32
    %scan3A_135 = arith.constant 0 : i32
    %scan3A_136 = arith.constant 40 : i32
    %scan3A_137 = arith.addi %scan3A_135, %scan3A_136 : i32
    %scan3A_138 = arith.constant 1 : i32
    scf.for %scan3A_172 = %scan3A_135 to %scan3A_137 step %scan3A_138  : i32 {
      %mul3A_173 = arith.constant 16 : i32
      %mul3A_174 = arith.muli %scan3A_172, %mul3A_173 : i32
      %get3A = arith.index_cast %mul3A_174 : i32 to index
      %get3A_175 = tpu.vector_load %arg7[%get3A] {strides = array<i32>} : memref<640xf32, #tpu.memory_space<vmem>>, vector<16xf32>,
      %mul3A_176 = arith.constant 16 : i32
      %mul3A_177 = arith.muli %scan3A_172, %mul3A_176 : i32
      %get3A_178 = arith.index_cast %mul3A_177 : i32 to index
      %get3A_179 = tpu.vector_load %arg6[%get3A_178] {strides = array<i32>} : memref<640xf32, #tpu.memory_space<vmem>>, vector<16xf32>,
      %add3A_180 = arith.addf %get3A_175, %get3A_179 : vector<16xf32>
      %mul3A_181 = arith.constant 16 : i32
      %mul3A_182 = arith.muli %scan3A_172, %mul3A_181 : i32
      %swap3A = arith.index_cast %mul3A_182 : i32 to index
      %swap3A_183 = tpu.vector_load %arg7[%swap3A] {strides = array<i32>} : memref<640xf32, #tpu.memory_space<vmem>>, vector<16xf32>,
      tpu.vector_store %arg7[%swap3A], %add3A_180 {strides = array<i32>} : memref<640xf32, #tpu.memory_space<vmem>>, vector<16xf32>,
    }
    %scan3A_139 = arith.constant 40 : i32
    %mul3A_140 = arith.constant 640 : i32
    %mul3A_141 = arith.muli %arg1, %mul3A_140 : i32
    %run_scoped3A_142 = arith.constant 13 : i32
    "tpu.region"() ({
      %run_scoped3A_172 = tpu.sem_alloc : memref<!tpu.dma_semaphore, #tpu.memory_space<semaphore_mem>>
      %dma_start3A = tpu.memref_slice %arg8[%run_scoped3A_142, %mul3A_141] : memref<16x10256xf32, #tpu.memory_space<vmem_shared>> -> memref<1x640xf32, #tpu.memory_space<vmem_shared>>
      %dma_start3A_173 = tpu.memref_squeeze %dma_start3A : memref<1x640xf32, #tpu.memory_space<vmem_shared>> -> memref<640xf32, #tpu.memory_space<vmem_shared>>
      %dma_start3A_174 = tpu.memref_slice %arg8[%run_scoped3A_142, %mul3A_141] : memref<16x10256xf32, #tpu.memory_space<vmem_shared>> -> memref<1x640xf32, #tpu.memory_space<vmem_shared>>
      %dma_start3A_175 = tpu.memref_squeeze %dma_start3A_174 : memref<1x640xf32, #tpu.memory_space<vmem_shared>> -> memref<640xf32, #tpu.memory_space<vmem_shared>>
      tpu.enqueue_dma source(%dma_start3A_175 : memref<640xf32, #tpu.memory_space<vmem_shared>>) target(%arg6 : memref<640xf32, #tpu.memory_space<vmem>>) target_semaphore(%run_scoped3A_172 : memref<!tpu.dma_semaphore, #tpu.memory_space<semaphore_mem>>)
      %dma_wait3A = tpu.memref_slice %arg8[%run_scoped3A_142, %mul3A_141] : memref<16x10256xf32, #tpu.memory_space<vmem_shared>> -> memref<1x640xf32, #tpu.memory_space<vmem_shared>>
      %dma_wait3A_176 = tpu.memref_squeeze %dma_wait3A : memref<1x640xf32, #tpu.memory_space<vmem_shared>> -> memref<640xf32, #tpu.memory_space<vmem_shared>>
      %dma_wait3A_177 = tpu.memref_slice %arg8[%run_scoped3A_142, %mul3A_141] : memref<16x10256xf32, #tpu.memory_space<vmem_shared>> -> memref<1x640xf32, #tpu.memory_space<vmem_shared>>
      %dma_wait3A_178 = tpu.memref_squeeze %dma_wait3A_177 : memref<1x640xf32, #tpu.memory_space<vmem_shared>> -> memref<640xf32, #tpu.memory_space<vmem_shared>>
      tpu.wait_dma2 semaphore(%run_scoped3A_172 : memref<!tpu.dma_semaphore, #tpu.memory_space<semaphore_mem>>) src(%dma_wait3A_178 : memref<640xf32, #tpu.memory_space<vmem_shared>>) dst(%arg6 : memref<640xf32, #tpu.memory_space<vmem>>)
      tpu.yield
    }) : () -> ()
    %scan3A_143 = arith.constant 0 : i32
    %scan3A_144 = arith.constant 0 : i32
    %scan3A_145 = arith.constant 40 : i32
    %scan3A_146 = arith.addi %scan3A_144, %scan3A_145 : i32
    %scan3A_147 = arith.constant 1 : i32
    scf.for %scan3A_172 = %scan3A_144 to %scan3A_146 step %scan3A_147  : i32 {
      %mul3A_173 = arith.constant 16 : i32
      %mul3A_174 = arith.muli %scan3A_172, %mul3A_173 : i32
      %get3A = arith.index_cast %mul3A_174 : i32 to index
      %get3A_175 = tpu.vector_load %arg7[%get3A] {strides = array<i32>} : memref<640xf32, #tpu.memory_space<vmem>>, vector<16xf32>,
      %mul3A_176 = arith.constant 16 : i32
      %mul3A_177 = arith.muli %scan3A_172, %mul3A_176 : i32
      %get3A_178 = arith.index_cast %mul3A_177 : i32 to index
      %get3A_179 = tpu.vector_load %arg6[%get3A_178] {strides = array<i32>} : memref<640xf32, #tpu.memory_space<vmem>>, vector<16xf32>,
      %add3A_180 = arith.addf %get3A_175, %get3A_179 : vector<16xf32>
      %mul3A_181 = arith.constant 16 : i32
      %mul3A_182 = arith.muli %scan3A_172, %mul3A_181 : i32
      %swap3A = arith.index_cast %mul3A_182 : i32 to index
      %swap3A_183 = tpu.vector_load %arg7[%swap3A] {strides = array<i32>} : memref<640xf32, #tpu.memory_space<vmem>>, vector<16xf32>,
      tpu.vector_store %arg7[%swap3A], %add3A_180 {strides = array<i32>} : memref<640xf32, #tpu.memory_space<vmem>>, vector<16xf32>,
    }
    %scan3A_148 = arith.constant 40 : i32
    %mul3A_149 = arith.constant 640 : i32
    %mul3A_150 = arith.muli %arg1, %mul3A_149 : i32
    %run_scoped3A_151 = arith.constant 14 : i32
    "tpu.region"() ({
      %run_scoped3A_172 = tpu.sem_alloc : memref<!tpu.dma_semaphore, #tpu.memory_space<semaphore_mem>>
      %dma_start3A = tpu.memref_slice %arg8[%run_scoped3A_151, %mul3A_150] : memref<16x10256xf32, #tpu.memory_space<vmem_shared>> -> memref<1x640xf32, #tpu.memory_space<vmem_shared>>
      %dma_start3A_173 = tpu.memref_squeeze %dma_start3A : memref<1x640xf32, #tpu.memory_space<vmem_shared>> -> memref<640xf32, #tpu.memory_space<vmem_shared>>
      %dma_start3A_174 = tpu.memref_slice %arg8[%run_scoped3A_151, %mul3A_150] : memref<16x10256xf32, #tpu.memory_space<vmem_shared>> -> memref<1x640xf32, #tpu.memory_space<vmem_shared>>
      %dma_start3A_175 = tpu.memref_squeeze %dma_start3A_174 : memref<1x640xf32, #tpu.memory_space<vmem_shared>> -> memref<640xf32, #tpu.memory_space<vmem_shared>>
      tpu.enqueue_dma source(%dma_start3A_175 : memref<640xf32, #tpu.memory_space<vmem_shared>>) target(%arg6 : memref<640xf32, #tpu.memory_space<vmem>>) target_semaphore(%run_scoped3A_172 : memref<!tpu.dma_semaphore, #tpu.memory_space<semaphore_mem>>)
      %dma_wait3A = tpu.memref_slice %arg8[%run_scoped3A_151, %mul3A_150] : memref<16x10256xf32, #tpu.memory_space<vmem_shared>> -> memref<1x640xf32, #tpu.memory_space<vmem_shared>>
      %dma_wait3A_176 = tpu.memref_squeeze %dma_wait3A : memref<1x640xf32, #tpu.memory_space<vmem_shared>> -> memref<640xf32, #tpu.memory_space<vmem_shared>>
      %dma_wait3A_177 = tpu.memref_slice %arg8[%run_scoped3A_151, %mul3A_150] : memref<16x10256xf32, #tpu.memory_space<vmem_shared>> -> memref<1x640xf32, #tpu.memory_space<vmem_shared>>
      %dma_wait3A_178 = tpu.memref_squeeze %dma_wait3A_177 : memref<1x640xf32, #tpu.memory_space<vmem_shared>> -> memref<640xf32, #tpu.memory_space<vmem_shared>>
      tpu.wait_dma2 semaphore(%run_scoped3A_172 : memref<!tpu.dma_semaphore, #tpu.memory_space<semaphore_mem>>) src(%dma_wait3A_178 : memref<640xf32, #tpu.memory_space<vmem_shared>>) dst(%arg6 : memref<640xf32, #tpu.memory_space<vmem>>)
      tpu.yield
    }) : () -> ()
    %scan3A_152 = arith.constant 0 : i32
    %scan3A_153 = arith.constant 0 : i32
    %scan3A_154 = arith.constant 40 : i32
    %scan3A_155 = arith.addi %scan3A_153, %scan3A_154 : i32
    %scan3A_156 = arith.constant 1 : i32
    scf.for %scan3A_172 = %scan3A_153 to %scan3A_155 step %scan3A_156  : i32 {
      %mul3A_173 = arith.constant 16 : i32
      %mul3A_174 = arith.muli %scan3A_172, %mul3A_173 : i32
      %get3A = arith.index_cast %mul3A_174 : i32 to index
      %get3A_175 = tpu.vector_load %arg7[%get3A] {strides = array<i32>} : memref<640xf32, #tpu.memory_space<vmem>>, vector<16xf32>,
      %mul3A_176 = arith.constant 16 : i32
      %mul3A_177 = arith.muli %scan3A_172, %mul3A_176 : i32
      %get3A_178 = arith.index_cast %mul3A_177 : i32 to index
      %get3A_179 = tpu.vector_load %arg6[%get3A_178] {strides = array<i32>} : memref<640xf32, #tpu.memory_space<vmem>>, vector<16xf32>,
      %add3A_180 = arith.addf %get3A_175, %get3A_179 : vector<16xf32>
      %mul3A_181 = arith.constant 16 : i32
      %mul3A_182 = arith.muli %scan3A_172, %mul3A_181 : i32
      %swap3A = arith.index_cast %mul3A_182 : i32 to index
      %swap3A_183 = tpu.vector_load %arg7[%swap3A] {strides = array<i32>} : memref<640xf32, #tpu.memory_space<vmem>>, vector<16xf32>,
      tpu.vector_store %arg7[%swap3A], %add3A_180 {strides = array<i32>} : memref<640xf32, #tpu.memory_space<vmem>>, vector<16xf32>,
    }
    %scan3A_157 = arith.constant 40 : i32
    %mul3A_158 = arith.constant 640 : i32
    %mul3A_159 = arith.muli %arg1, %mul3A_158 : i32
    %run_scoped3A_160 = arith.constant 15 : i32
    "tpu.region"() ({
      %run_scoped3A_172 = tpu.sem_alloc : memref<!tpu.dma_semaphore, #tpu.memory_space<semaphore_mem>>
      %dma_start3A = tpu.memref_slice %arg8[%run_scoped3A_160, %mul3A_159] : memref<16x10256xf32, #tpu.memory_space<vmem_shared>> -> memref<1x640xf32, #tpu.memory_space<vmem_shared>>
      %dma_start3A_173 = tpu.memref_squeeze %dma_start3A : memref<1x640xf32, #tpu.memory_space<vmem_shared>> -> memref<640xf32, #tpu.memory_space<vmem_shared>>
      %dma_start3A_174 = tpu.memref_slice %arg8[%run_scoped3A_160, %mul3A_159] : memref<16x10256xf32, #tpu.memory_space<vmem_shared>> -> memref<1x640xf32, #tpu.memory_space<vmem_shared>>
      %dma_start3A_175 = tpu.memref_squeeze %dma_start3A_174 : memref<1x640xf32, #tpu.memory_space<vmem_shared>> -> memref<640xf32, #tpu.memory_space<vmem_shared>>
      tpu.enqueue_dma source(%dma_start3A_175 : memref<640xf32, #tpu.memory_space<vmem_shared>>) target(%arg6 : memref<640xf32, #tpu.memory_space<vmem>>) target_semaphore(%run_scoped3A_172 : memref<!tpu.dma_semaphore, #tpu.memory_space<semaphore_mem>>)
      %dma_wait3A = tpu.memref_slice %arg8[%run_scoped3A_160, %mul3A_159] : memref<16x10256xf32, #tpu.memory_space<vmem_shared>> -> memref<1x640xf32, #tpu.memory_space<vmem_shared>>
      %dma_wait3A_176 = tpu.memref_squeeze %dma_wait3A : memref<1x640xf32, #tpu.memory_space<vmem_shared>> -> memref<640xf32, #tpu.memory_space<vmem_shared>>
      %dma_wait3A_177 = tpu.memref_slice %arg8[%run_scoped3A_160, %mul3A_159] : memref<16x10256xf32, #tpu.memory_space<vmem_shared>> -> memref<1x640xf32, #tpu.memory_space<vmem_shared>>
      %dma_wait3A_178 = tpu.memref_squeeze %dma_wait3A_177 : memref<1x640xf32, #tpu.memory_space<vmem_shared>> -> memref<640xf32, #tpu.memory_space<vmem_shared>>
      tpu.wait_dma2 semaphore(%run_scoped3A_172 : memref<!tpu.dma_semaphore, #tpu.memory_space<semaphore_mem>>) src(%dma_wait3A_178 : memref<640xf32, #tpu.memory_space<vmem_shared>>) dst(%arg6 : memref<640xf32, #tpu.memory_space<vmem>>)
      tpu.yield
    }) : () -> ()
    %scan3A_161 = arith.constant 0 : i32
    %scan3A_162 = arith.constant 0 : i32
    %scan3A_163 = arith.constant 40 : i32
    %scan3A_164 = arith.addi %scan3A_162, %scan3A_163 : i32
    %scan3A_165 = arith.constant 1 : i32
    scf.for %scan3A_172 = %scan3A_162 to %scan3A_164 step %scan3A_165  : i32 {
      %mul3A_173 = arith.constant 16 : i32
      %mul3A_174 = arith.muli %scan3A_172, %mul3A_173 : i32
      %get3A = arith.index_cast %mul3A_174 : i32 to index
      %get3A_175 = tpu.vector_load %arg7[%get3A] {strides = array<i32>} : memref<640xf32, #tpu.memory_space<vmem>>, vector<16xf32>,
      %mul3A_176 = arith.constant 16 : i32
      %mul3A_177 = arith.muli %scan3A_172, %mul3A_176 : i32
      %get3A_178 = arith.index_cast %mul3A_177 : i32 to index
      %get3A_179 = tpu.vector_load %arg6[%get3A_178] {strides = array<i32>} : memref<640xf32, #tpu.memory_space<vmem>>, vector<16xf32>,
      %add3A_180 = arith.addf %get3A_175, %get3A_179 : vector<16xf32>
      %mul3A_181 = arith.constant 16 : i32
      %mul3A_182 = arith.muli %scan3A_172, %mul3A_181 : i32
      %swap3A = arith.index_cast %mul3A_182 : i32 to index
      %swap3A_183 = tpu.vector_load %arg7[%swap3A] {strides = array<i32>} : memref<640xf32, #tpu.memory_space<vmem>>, vector<16xf32>,
      tpu.vector_store %arg7[%swap3A], %add3A_180 {strides = array<i32>} : memref<640xf32, #tpu.memory_space<vmem>>, vector<16xf32>,
    }
    %scan3A_166 = arith.constant 40 : i32
    %mul3A_167 = arith.constant 10240 : i32
    %mul3A_168 = arith.muli %arg0, %mul3A_167 : i32
    %mul3A_169 = arith.constant 640 : i32
    %mul3A_170 = arith.muli %arg1, %mul3A_169 : i32
    %add3A_171 = arith.addi %mul3A_168, %mul3A_170 : i32
    "tpu.region"() ({
      %run_scoped3A_172 = tpu.sem_alloc : memref<!tpu.dma_semaphore, #tpu.memory_space<semaphore_mem>>
      %dma_start3A = tpu.memref_slice %arg3[%add3A_171] : memref<20480xf32, #tpu.memory_space<hbm>> -> memref<640xf32, #tpu.memory_space<hbm>>
      %dma_start3A_173 = tpu.memref_slice %arg3[%add3A_171] : memref<20480xf32, #tpu.memory_space<hbm>> -> memref<640xf32, #tpu.memory_space<hbm>>
      tpu.enqueue_dma source(%arg7 : memref<640xf32, #tpu.memory_space<vmem>>) target(%dma_start3A_173 : memref<640xf32, #tpu.memory_space<hbm>>) target_semaphore(%run_scoped3A_172 : memref<!tpu.dma_semaphore, #tpu.memory_space<semaphore_mem>>)
      %dma_wait3A = tpu.memref_slice %arg3[%add3A_171] : memref<20480xf32, #tpu.memory_space<hbm>> -> memref<640xf32, #tpu.memory_space<hbm>>
      %dma_wait3A_174 = tpu.memref_slice %arg3[%add3A_171] : memref<20480xf32, #tpu.memory_space<hbm>> -> memref<640xf32, #tpu.memory_space<hbm>>
      tpu.wait_dma2 semaphore(%run_scoped3A_172 : memref<!tpu.dma_semaphore, #tpu.memory_space<semaphore_mem>>) src(%arg7 : memref<640xf32, #tpu.memory_space<vmem>>) dst(%dma_wait3A_174 : memref<640xf32, #tpu.memory_space<hbm>>)
      tpu.yield
    }) : () -> ()
    return
  }
}

module attributes {stable_mosaic.version = 14 : i64} {
  func.func @_prep_body(%arg0: i32, %arg1: memref<1024x1xf32, #tpu.memory_space<vmem>>, %arg2: memref<1024x1xf32, #tpu.memory_space<vmem>>, %arg3: memref<1024x128xf32, #tpu.memory_space<vmem>>, %arg4: memref<1024x256xf32, #tpu.memory_space<vmem>>, %arg5: memref<1024x1xf32, #tpu.memory_space<vmem>>, %arg6: memref<1024x1xf32, #tpu.memory_space<vmem>>) attributes {dimension_semantics = [#tpu.dimension_semantics<arbitrary>], iteration_bounds = array<i64: 10>, scalar_prefetch = 0 : i64, scratch_operands = 0 : i64, tpu.core_type = #tpu.core_type<tc>, window_params = [{transform_indices = @transform_0, window_bounds = array<i64: 1024, 1>}, {transform_indices = @transform_1, window_bounds = array<i64: 1024, 1>}, {transform_indices = @transform_2, window_bounds = array<i64: 1024, 128>}, {transform_indices = @transform_3, window_bounds = array<i64: 1024, 256>}, {transform_indices = @transform_4, window_bounds = array<i64: 1024, 1>}, {transform_indices = @transform_5, window_bounds = array<i64: 1024, 1>}]} {
    %get3A = arith.constant 0 : index
    %get3A_0 = arith.constant 0 : index
    %get3A_1 = vector.load %arg1[%get3A, %get3A_0] : memref<1024x1xf32, #tpu.memory_space<vmem>>, vector<1024x1xf32>
    %get3A_2 = arith.constant 0 : index
    %get3A_3 = arith.constant 0 : index
    %get3A_4 = vector.load %arg2[%get3A_2, %get3A_3] : memref<1024x1xf32, #tpu.memory_space<vmem>>, vector<1024x1xf32>
    %add3A = arith.addf %get3A_1, %get3A_4 : vector<1024x1xf32>
    %add3A_5 = arith.constant 1.000000e+00 : f32
    %add3A_6 = vector.broadcast %add3A_5 : f32 to vector<1024x1xf32>
    %add3A_7 = arith.addf %add3A, %add3A_6 : vector<1024x1xf32>
    %rsqrt3A = math.rsqrt %add3A_7 : vector<1024x1xf32>
    %get3A_8 = arith.constant 0 : index
    %get3A_9 = arith.constant 0 : index
    %get3A_10 = vector.load %arg3[%get3A_8, %get3A_9] : memref<1024x128xf32, #tpu.memory_space<vmem>>, vector<1024x128xf32>
    %swap3A = arith.constant 0 : index
    %swap3A_11 = arith.constant 0 : index
    %swap3A_12 = vector.load %arg4[%swap3A, %swap3A_11] : memref<1024x256xf32, #tpu.memory_space<vmem>>, vector<1024x128xf32>
    tpu.vector_store %arg4[%swap3A, %swap3A_11], %get3A_10 {strides = array<i32>} : memref<1024x256xf32, #tpu.memory_space<vmem>>, vector<1024x128xf32>,
    %mul3A = vector.broadcast %rsqrt3A : vector<1024x1xf32> to vector<1024x128xf32>
    %mul3A_13 = arith.mulf %get3A_10, %mul3A : vector<1024x128xf32>
    %swap3A_14 = arith.constant 0 : index
    %swap3A_15 = arith.constant 128 : index
    %swap3A_16 = vector.load %arg4[%swap3A_14, %swap3A_15] : memref<1024x256xf32, #tpu.memory_space<vmem>>, vector<1024x128xf32>
    tpu.vector_store %arg4[%swap3A_14, %swap3A_15], %mul3A_13 {strides = array<i32>} : memref<1024x256xf32, #tpu.memory_space<vmem>>, vector<1024x128xf32>,
    %swap3A_17 = arith.constant 0 : index
    %swap3A_18 = arith.constant 0 : index
    %swap3A_19 = vector.load %arg5[%swap3A_17, %swap3A_18] : memref<1024x1xf32, #tpu.memory_space<vmem>>, vector<1024x1xf32>
    tpu.vector_store %arg5[%swap3A_17, %swap3A_18], %rsqrt3A {strides = array<i32>} : memref<1024x1xf32, #tpu.memory_space<vmem>>, vector<1024x1xf32>,
    %max3A = arith.constant 1.000000e+00 : f32
    %max3A_20 = vector.broadcast %max3A : f32 to vector<1024x1xf32>
    %max3A_21 = arith.maximumf %add3A, %max3A_20 : vector<1024x1xf32>
    %div3A = arith.constant 1.000000e+00 : f32
    %div3A_22 = vector.broadcast %div3A : f32 to vector<1024x1xf32>
    %div3A_23 = arith.divf %div3A_22, %max3A_21 : vector<1024x1xf32>
    %swap3A_24 = arith.constant 0 : index
    %swap3A_25 = arith.constant 0 : index
    %swap3A_26 = vector.load %arg6[%swap3A_24, %swap3A_25] : memref<1024x1xf32, #tpu.memory_space<vmem>>, vector<1024x1xf32>
    tpu.vector_store %arg6[%swap3A_24, %swap3A_25], %div3A_23 {strides = array<i32>} : memref<1024x1xf32, #tpu.memory_space<vmem>>, vector<1024x1xf32>,
    return
  }
  func.func @transform_0(%arg0: i32) -> (i32, i32) {
    %c0_i32 = arith.constant 0 : i32
    %c0_i32_0 = arith.constant 0 : i32
    return %arg0, %c0_i32 : i32, i32
  }
  func.func @transform_1(%arg0: i32) -> (i32, i32) {
    %c0_i32 = arith.constant 0 : i32
    %c0_i32_0 = arith.constant 0 : i32
    return %arg0, %c0_i32 : i32, i32
  }
  func.func @transform_2(%arg0: i32) -> (i32, i32) {
    %c0_i32 = arith.constant 0 : i32
    %c0_i32_0 = arith.constant 0 : i32
    return %arg0, %c0_i32 : i32, i32
  }
  func.func @transform_3(%arg0: i32) -> (i32, i32) {
    %c0_i32 = arith.constant 0 : i32
    %c0_i32_0 = arith.constant 0 : i32
    return %arg0, %c0_i32 : i32, i32
  }
  func.func @transform_4(%arg0: i32) -> (i32, i32) {
    %c0_i32 = arith.constant 0 : i32
    %c0_i32_0 = arith.constant 0 : i32
    return %arg0, %c0_i32 : i32, i32
  }
  func.func @transform_5(%arg0: i32) -> (i32, i32) {
    %c0_i32 = arith.constant 0 : i32
    %c0_i32_0 = arith.constant 0 : i32
    return %arg0, %c0_i32 : i32, i32
  }
}

module attributes {stable_mosaic.version = 14 : i64} {
  func.func @_dense_body(%arg0: i32, %arg1: memref<1x128xf32, #tpu.memory_space<vmem>>, %arg2: memref<1000x128xf32, #tpu.memory_space<vmem>>, %arg3: memref<1000x256xf32, #tpu.memory_space<vmem>>, %arg4: memref<1000x128xf32, #tpu.memory_space<vmem>>, %arg5: memref<1000x1xf32, #tpu.memory_space<vmem>>, %arg6: memref<1000x1xf32, #tpu.memory_space<vmem>>, %arg7: memref<128x128xf32, #tpu.memory_space<vmem>>, %arg8: memref<1x128xf32, #tpu.memory_space<vmem>>, %arg9: memref<128x128xf32, #tpu.memory_space<vmem>>, %arg10: memref<128x128xf32, #tpu.memory_space<vmem>>, %arg11: memref<1x128xf32, #tpu.memory_space<vmem>>, %arg12: memref<128x128xf32, #tpu.memory_space<vmem>>, %arg13: memref<128x128xf32, #tpu.memory_space<vmem>>, %arg14: memref<1x128xf32, #tpu.memory_space<vmem>>, %arg15: memref<128x128xf32, #tpu.memory_space<vmem>>, %arg16: memref<128x128xf32, #tpu.memory_space<vmem>>, %arg17: memref<1x128xf32, #tpu.memory_space<vmem>>, %arg18: memref<128x128xf32, #tpu.memory_space<vmem>>, %arg19: memref<1x128xf32, #tpu.memory_space<vmem>>, %arg20: memref<128x128xf32, #tpu.memory_space<vmem>>, %arg21: memref<1x128xf32, #tpu.memory_space<vmem>>, %arg22: memref<128x128xf32, #tpu.memory_space<vmem>>, %arg23: memref<1x128xf32, #tpu.memory_space<vmem>>, %arg24: memref<1000x128xf32, #tpu.memory_space<vmem>>) attributes {dimension_semantics = [#tpu.dimension_semantics<arbitrary>], iteration_bounds = array<i64: 10>, scalar_prefetch = 0 : i64, scratch_operands = 0 : i64, tpu.core_type = #tpu.core_type<tc>, window_params = [{pipeline_mode = #tpu.pipeline_mode<synchronous>, transform_indices = @transform_0, window_bounds = array<i64: 1, 128>}, {transform_indices = @transform_1, window_bounds = array<i64: 1000, 128>}, {transform_indices = @transform_2, window_bounds = array<i64: 1000, 256>}, {transform_indices = @transform_3, window_bounds = array<i64: 1000, 128>}, {transform_indices = @transform_4, window_bounds = array<i64: 1000, 1>}, {transform_indices = @transform_5, window_bounds = array<i64: 1000, 1>}, {pipeline_mode = #tpu.pipeline_mode<synchronous>, transform_indices = @transform_6, window_bounds = array<i64: 128, 128>}, {pipeline_mode = #tpu.pipeline_mode<synchronous>, transform_indices = @transform_7, window_bounds = array<i64: 1, 128>}, {pipeline_mode = #tpu.pipeline_mode<synchronous>, transform_indices = @transform_8, window_bounds = array<i64: 128, 128>}, {pipeline_mode = #tpu.pipeline_mode<synchronous>, transform_indices = @transform_9, window_bounds = array<i64: 128, 128>}, {pipeline_mode = #tpu.pipeline_mode<synchronous>, transform_indices = @transform_10, window_bounds = array<i64: 1, 128>}, {pipeline_mode = #tpu.pipeline_mode<synchronous>, transform_indices = @transform_11, window_bounds = array<i64: 128, 128>}, {pipeline_mode = #tpu.pipeline_mode<synchronous>, transform_indices = @transform_12, window_bounds = array<i64: 128, 128>}, {pipeline_mode = #tpu.pipeline_mode<synchronous>, transform_indices = @transform_13, window_bounds = array<i64: 1, 128>}, {pipeline_mode = #tpu.pipeline_mode<synchronous>, transform_indices = @transform_14, window_bounds = array<i64: 128, 128>}, {pipeline_mode = #tpu.pipeline_mode<synchronous>, transform_indices = @transform_15, window_bounds = array<i64: 128, 128>}, {pipeline_mode = #tpu.pipeline_mode<synchronous>, transform_indices = @transform_16, window_bounds = array<i64: 1, 128>}, {pipeline_mode = #tpu.pipeline_mode<synchronous>, transform_indices = @transform_17, window_bounds = array<i64: 128, 128>}, {pipeline_mode = #tpu.pipeline_mode<synchronous>, transform_indices = @transform_18, window_bounds = array<i64: 1, 128>}, {pipeline_mode = #tpu.pipeline_mode<synchronous>, transform_indices = @transform_19, window_bounds = array<i64: 128, 128>}, {pipeline_mode = #tpu.pipeline_mode<synchronous>, transform_indices = @transform_20, window_bounds = array<i64: 1, 128>}, {pipeline_mode = #tpu.pipeline_mode<synchronous>, transform_indices = @transform_21, window_bounds = array<i64: 128, 128>}, {pipeline_mode = #tpu.pipeline_mode<synchronous>, transform_indices = @transform_22, window_bounds = array<i64: 1, 128>}, {transform_indices = @transform_23, window_bounds = array<i64: 1000, 128>}]} {
    %get3A = arith.constant 0 : index
    %get3A_0 = arith.constant 0 : index
    %get3A_1 = vector.load %arg2[%get3A, %get3A_0] : memref<1000x128xf32, #tpu.memory_space<vmem>>, vector<1000x128xf32>
    %get3A_2 = arith.constant 0 : index
    %get3A_3 = arith.constant 0 : index
    %get3A_4 = vector.load %arg3[%get3A_2, %get3A_3] : memref<1000x256xf32, #tpu.memory_space<vmem>>, vector<1000x128xf32>
    %get3A_5 = arith.constant 0 : index
    %get3A_6 = arith.constant 128 : index
    %get3A_7 = vector.load %arg3[%get3A_5, %get3A_6] : memref<1000x256xf32, #tpu.memory_space<vmem>>, vector<1000x128xf32>
    %get3A_8 = arith.constant 0 : index
    %get3A_9 = arith.constant 0 : index
    %get3A_10 = vector.load %arg5[%get3A_8, %get3A_9] : memref<1000x1xf32, #tpu.memory_space<vmem>>, vector<1000x1xf32>
    %get3A_11 = arith.constant 0 : index
    %get3A_12 = arith.constant 0 : index
    %get3A_13 = vector.load %arg6[%get3A_11, %get3A_12] : memref<1000x1xf32, #tpu.memory_space<vmem>>, vector<1000x1xf32>
    %mul3A = vector.broadcast %get3A_13 : vector<1000x1xf32> to vector<1000x128xf32>
    %mul3A_14 = arith.mulf %get3A_4, %mul3A : vector<1000x128xf32>
    %get3A_15 = arith.constant 0 : index
    %get3A_16 = arith.constant 0 : index
    %get3A_17 = vector.load %arg4[%get3A_15, %get3A_16] : memref<1000x128xf32, #tpu.memory_space<vmem>>, vector<1000x128xf32>
    %gt3A = arith.constant -1.000000e+30 : f32
    %gt3A_18 = vector.broadcast %gt3A : f32 to vector<1000x128xf32>
    %gt3A_19 = arith.cmpf ogt, %get3A_17, %gt3A_18 : vector<1000x128xf32>
    %jit3A = arith.constant 0.000000e+00 : f32
    %broadcast_in_dim3A = vector.broadcast %jit3A : f32 to vector<1000x128xf32>
    %select_n3A = arith.select %gt3A_19, %get3A_17, %broadcast_in_dim3A : vector<1000x128xi1>, vector<1000x128xf32>
    %mul3A_20 = vector.broadcast %get3A_10 : vector<1000x1xf32> to vector<1000x128xf32>
    %mul3A_21 = arith.mulf %get3A_7, %mul3A_20 : vector<1000x128xf32>
    %mul3A_22 = arith.mulf %get3A_10, %get3A_10 : vector<1000x1xf32>
    %mul3A_23 = vector.broadcast %mul3A_22 : vector<1000x1xf32> to vector<1000x128xf32>
    %mul3A_24 = arith.mulf %get3A_1, %mul3A_23 : vector<1000x128xf32>
    %add3A = arith.addf %mul3A_21, %mul3A_24 : vector<1000x128xf32>
    %get3A_25 = arith.constant 0 : index
    %get3A_26 = arith.constant 0 : index
    %get3A_27 = vector.load %arg7[%get3A_25, %get3A_26] : memref<128x128xf32, #tpu.memory_space<vmem>>, vector<128x128xf32>
    %dot_general3A = arith.constant dense<0.000000e+00> : vector<1000x128xf32>
    %dot_general3A_28 = tpu.matmul %get3A_1, %get3A_27, %dot_general3A {dimension_numbers = #tpu.dot_dimension_numbers<[1], [0], [0], [1], [0, 0, 1, 1], [], []>, transpose_lhs_hint = false} : vector<1000x128xf32>, vector<128x128xf32>, vector<1000x128xf32> -> vector<1000x128xf32>
    %get3A_29 = arith.constant 0 : index
    %get3A_30 = arith.constant 0 : index
    %get3A_31 = vector.load %arg8[%get3A_29, %get3A_30] : memref<1x128xf32, #tpu.memory_space<vmem>>, vector<1x128xf32>
    %add3A_32 = vector.broadcast %get3A_31 : vector<1x128xf32> to vector<1000x128xf32>
    %add3A_33 = arith.addf %dot_general3A_28, %add3A_32 : vector<1000x128xf32>
    %get3A_34 = arith.constant 0 : index
    %get3A_35 = arith.constant 0 : index
    %get3A_36 = vector.load %arg9[%get3A_34, %get3A_35] : memref<128x128xf32, #tpu.memory_space<vmem>>, vector<128x128xf32>
    %dot_general3A_37 = arith.constant dense<0.000000e+00> : vector<1000x128xf32>
    %dot_general3A_38 = tpu.matmul %get3A_1, %get3A_36, %dot_general3A_37 {dimension_numbers = #tpu.dot_dimension_numbers<[1], [0], [0], [1], [0, 0, 1, 1], [], []>, transpose_lhs_hint = false} : vector<1000x128xf32>, vector<128x128xf32>, vector<1000x128xf32> -> vector<1000x128xf32>
    %get3A_39 = arith.constant 0 : index
    %get3A_40 = arith.constant 0 : index
    %get3A_41 = vector.load %arg10[%get3A_39, %get3A_40] : memref<128x128xf32, #tpu.memory_space<vmem>>, vector<128x128xf32>
    %dot_general3A_42 = arith.constant dense<0.000000e+00> : vector<1000x128xf32>
    %dot_general3A_43 = tpu.matmul %mul3A_14, %get3A_41, %dot_general3A_42 {dimension_numbers = #tpu.dot_dimension_numbers<[1], [0], [0], [1], [0, 0, 1, 1], [], []>, transpose_lhs_hint = false} : vector<1000x128xf32>, vector<128x128xf32>, vector<1000x128xf32> -> vector<1000x128xf32>
    %add3A_44 = arith.addf %dot_general3A_38, %dot_general3A_43 : vector<1000x128xf32>
    %get3A_45 = arith.constant 0 : index
    %get3A_46 = arith.constant 0 : index
    %get3A_47 = vector.load %arg11[%get3A_45, %get3A_46] : memref<1x128xf32, #tpu.memory_space<vmem>>, vector<1x128xf32>
    %add3A_48 = vector.broadcast %get3A_47 : vector<1x128xf32> to vector<1000x128xf32>
    %add3A_49 = arith.addf %add3A_44, %add3A_48 : vector<1000x128xf32>
    %get3A_50 = arith.constant 0 : index
    %get3A_51 = arith.constant 0 : index
    %get3A_52 = vector.load %arg12[%get3A_50, %get3A_51] : memref<128x128xf32, #tpu.memory_space<vmem>>, vector<128x128xf32>
    %dot_general3A_53 = arith.constant dense<0.000000e+00> : vector<1000x128xf32>
    %dot_general3A_54 = tpu.matmul %get3A_1, %get3A_52, %dot_general3A_53 {dimension_numbers = #tpu.dot_dimension_numbers<[1], [0], [0], [1], [0, 0, 1, 1], [], []>, transpose_lhs_hint = false} : vector<1000x128xf32>, vector<128x128xf32>, vector<1000x128xf32> -> vector<1000x128xf32>
    %get3A_55 = arith.constant 0 : index
    %get3A_56 = arith.constant 0 : index
    %get3A_57 = vector.load %arg13[%get3A_55, %get3A_56] : memref<128x128xf32, #tpu.memory_space<vmem>>, vector<128x128xf32>
    %dot_general3A_58 = arith.constant dense<0.000000e+00> : vector<1000x128xf32>
    %dot_general3A_59 = tpu.matmul %get3A_4, %get3A_57, %dot_general3A_58 {dimension_numbers = #tpu.dot_dimension_numbers<[1], [0], [0], [1], [0, 0, 1, 1], [], []>, transpose_lhs_hint = false} : vector<1000x128xf32>, vector<128x128xf32>, vector<1000x128xf32> -> vector<1000x128xf32>
    %add3A_60 = arith.addf %dot_general3A_54, %dot_general3A_59 : vector<1000x128xf32>
    %get3A_61 = arith.constant 0 : index
    %get3A_62 = arith.constant 0 : index
    %get3A_63 = vector.load %arg14[%get3A_61, %get3A_62] : memref<1x128xf32, #tpu.memory_space<vmem>>, vector<1x128xf32>
    %add3A_64 = vector.broadcast %get3A_63 : vector<1x128xf32> to vector<1000x128xf32>
    %add3A_65 = arith.addf %add3A_60, %add3A_64 : vector<1000x128xf32>
    %get3A_66 = arith.constant 0 : index
    %get3A_67 = arith.constant 0 : index
    %get3A_68 = vector.load %arg15[%get3A_66, %get3A_67] : memref<128x128xf32, #tpu.memory_space<vmem>>, vector<128x128xf32>
    %dot_general3A_69 = arith.constant dense<0.000000e+00> : vector<1000x128xf32>
    %dot_general3A_70 = tpu.matmul %get3A_1, %get3A_68, %dot_general3A_69 {dimension_numbers = #tpu.dot_dimension_numbers<[1], [0], [0], [1], [0, 0, 1, 1], [], []>, transpose_lhs_hint = false} : vector<1000x128xf32>, vector<128x128xf32>, vector<1000x128xf32> -> vector<1000x128xf32>
    %get3A_71 = arith.constant 0 : index
    %get3A_72 = arith.constant 0 : index
    %get3A_73 = vector.load %arg16[%get3A_71, %get3A_72] : memref<128x128xf32, #tpu.memory_space<vmem>>, vector<128x128xf32>
    %dot_general3A_74 = arith.constant dense<0.000000e+00> : vector<1000x128xf32>
    %dot_general3A_75 = tpu.matmul %select_n3A, %get3A_73, %dot_general3A_74 {dimension_numbers = #tpu.dot_dimension_numbers<[1], [0], [0], [1], [0, 0, 1, 1], [], []>, transpose_lhs_hint = false} : vector<1000x128xf32>, vector<128x128xf32>, vector<1000x128xf32> -> vector<1000x128xf32>
    %add3A_76 = arith.addf %dot_general3A_70, %dot_general3A_75 : vector<1000x128xf32>
    %get3A_77 = arith.constant 0 : index
    %get3A_78 = arith.constant 0 : index
    %get3A_79 = vector.load %arg17[%get3A_77, %get3A_78] : memref<1x128xf32, #tpu.memory_space<vmem>>, vector<1x128xf32>
    %add3A_80 = vector.broadcast %get3A_79 : vector<1x128xf32> to vector<1000x128xf32>
    %add3A_81 = arith.addf %add3A_76, %add3A_80 : vector<1000x128xf32>
    %get3A_82 = arith.constant 0 : index
    %get3A_83 = arith.constant 0 : index
    %get3A_84 = vector.load %arg18[%get3A_82, %get3A_83] : memref<128x128xf32, #tpu.memory_space<vmem>>, vector<128x128xf32>
    %dot_general3A_85 = arith.constant dense<0.000000e+00> : vector<1000x128xf32>
    %dot_general3A_86 = tpu.matmul %add3A, %get3A_84, %dot_general3A_85 {dimension_numbers = #tpu.dot_dimension_numbers<[1], [0], [0], [1], [0, 0, 1, 1], [], []>, transpose_lhs_hint = false} : vector<1000x128xf32>, vector<128x128xf32>, vector<1000x128xf32> -> vector<1000x128xf32>
    %get3A_87 = arith.constant 0 : index
    %get3A_88 = arith.constant 0 : index
    %get3A_89 = vector.load %arg19[%get3A_87, %get3A_88] : memref<1x128xf32, #tpu.memory_space<vmem>>, vector<1x128xf32>
    %add3A_90 = vector.broadcast %get3A_89 : vector<1x128xf32> to vector<1000x128xf32>
    %add3A_91 = arith.addf %dot_general3A_86, %add3A_90 : vector<1000x128xf32>
    %add3A_92 = arith.addf %get3A_1, %get3A_4 : vector<1000x128xf32>
    %get3A_93 = arith.constant 0 : index
    %get3A_94 = arith.constant 0 : index
    %get3A_95 = vector.load %arg20[%get3A_93, %get3A_94] : memref<128x128xf32, #tpu.memory_space<vmem>>, vector<128x128xf32>
    %dot_general3A_96 = arith.constant dense<0.000000e+00> : vector<1000x128xf32>
    %dot_general3A_97 = tpu.matmul %add3A_92, %get3A_95, %dot_general3A_96 {dimension_numbers = #tpu.dot_dimension_numbers<[1], [0], [0], [1], [0, 0, 1, 1], [], []>, transpose_lhs_hint = false} : vector<1000x128xf32>, vector<128x128xf32>, vector<1000x128xf32> -> vector<1000x128xf32>
    %get3A_98 = arith.constant 0 : index
    %get3A_99 = arith.constant 0 : index
    %get3A_100 = vector.load %arg21[%get3A_98, %get3A_99] : memref<1x128xf32, #tpu.memory_space<vmem>>, vector<1x128xf32>
    %add3A_101 = vector.broadcast %get3A_100 : vector<1x128xf32> to vector<1000x128xf32>
    %add3A_102 = arith.addf %dot_general3A_97, %add3A_101 : vector<1000x128xf32>
    %max3A = arith.constant 0.000000e+00 : f32
    %max3A_103 = vector.broadcast %max3A : f32 to vector<1000x128xf32>
    %max3A_104 = arith.maximumf %add3A_102, %max3A_103 : vector<1000x128xf32>
    %get3A_105 = arith.constant 0 : index
    %get3A_106 = arith.constant 0 : index
    %get3A_107 = vector.load %arg22[%get3A_105, %get3A_106] : memref<128x128xf32, #tpu.memory_space<vmem>>, vector<128x128xf32>
    %dot_general3A_108 = arith.constant dense<0.000000e+00> : vector<1000x128xf32>
    %dot_general3A_109 = tpu.matmul %max3A_104, %get3A_107, %dot_general3A_108 {dimension_numbers = #tpu.dot_dimension_numbers<[1], [0], [0], [1], [0, 0, 1, 1], [], []>, transpose_lhs_hint = false} : vector<1000x128xf32>, vector<128x128xf32>, vector<1000x128xf32> -> vector<1000x128xf32>
    %get3A_110 = arith.constant 0 : index
    %get3A_111 = arith.constant 0 : index
    %get3A_112 = vector.load %arg23[%get3A_110, %get3A_111] : memref<1x128xf32, #tpu.memory_space<vmem>>, vector<1x128xf32>
    %add3A_113 = vector.broadcast %get3A_112 : vector<1x128xf32> to vector<1000x128xf32>
    %add3A_114 = arith.addf %dot_general3A_109, %add3A_113 : vector<1000x128xf32>
    %get3A_115 = arith.constant 0 : index
    %get3A_116 = arith.constant 0 : index
    %get3A_117 = vector.load %arg1[%get3A_115, %get3A_116] : memref<1x128xf32, #tpu.memory_space<vmem>>, vector<1x128xf32>
    %slice3A = vector.extract_strided_slice %get3A_117 {offsets = [0, 0], sizes = [1, 1], strides = [1, 1]} : vector<1x128xf32> to vector<1x1xf32>
    %squeeze3A = vector.extract %slice3A[0, 0] : f32 from vector<1x1xf32>
    %gt3A_118 = arith.constant 0.000000e+00 : f32
    %gt3A_119 = vector.broadcast %gt3A_118 : f32 to vector<1000x128xf32>
    %gt3A_120 = arith.cmpf ogt, %add3A_33, %gt3A_119 : vector<1000x128xf32>
    %min3A = arith.constant 0.000000e+00 : f32
    %min3A_121 = vector.broadcast %min3A : f32 to vector<1000x128xf32>
    %min3A_122 = arith.minimumf %add3A_33, %min3A_121 : vector<1000x128xf32>
    %exp3A = math.exp %min3A_122 : vector<1000x128xf32>
    %sub3A = arith.constant 1.000000e+00 : f32
    %sub3A_123 = vector.broadcast %sub3A : f32 to vector<1000x128xf32>
    %sub3A_124 = arith.subf %exp3A, %sub3A_123 : vector<1000x128xf32>
    %select_n3A_125 = arith.select %gt3A_120, %add3A_33, %sub3A_124 : vector<1000x128xi1>, vector<1000x128xf32>
    %mul3A_126 = vector.broadcast %squeeze3A : f32 to vector<1000x128xf32>
    %mul3A_127 = arith.mulf %mul3A_126, %select_n3A_125 : vector<1000x128xf32>
    %slice3A_128 = vector.extract_strided_slice %get3A_117 {offsets = [0, 1], sizes = [1, 1], strides = [1, 1]} : vector<1x128xf32> to vector<1x1xf32>
    %squeeze3A_129 = vector.extract %slice3A_128[0, 0] : f32 from vector<1x1xf32>
    %gt3A_130 = arith.constant 0.000000e+00 : f32
    %gt3A_131 = vector.broadcast %gt3A_130 : f32 to vector<1000x128xf32>
    %gt3A_132 = arith.cmpf ogt, %add3A_49, %gt3A_131 : vector<1000x128xf32>
    %min3A_133 = arith.constant 0.000000e+00 : f32
    %min3A_134 = vector.broadcast %min3A_133 : f32 to vector<1000x128xf32>
    %min3A_135 = arith.minimumf %add3A_49, %min3A_134 : vector<1000x128xf32>
    %exp3A_136 = math.exp %min3A_135 : vector<1000x128xf32>
    %sub3A_137 = arith.constant 1.000000e+00 : f32
    %sub3A_138 = vector.broadcast %sub3A_137 : f32 to vector<1000x128xf32>
    %sub3A_139 = arith.subf %exp3A_136, %sub3A_138 : vector<1000x128xf32>
    %select_n3A_140 = arith.select %gt3A_132, %add3A_49, %sub3A_139 : vector<1000x128xi1>, vector<1000x128xf32>
    %mul3A_141 = vector.broadcast %squeeze3A_129 : f32 to vector<1000x128xf32>
    %mul3A_142 = arith.mulf %mul3A_141, %select_n3A_140 : vector<1000x128xf32>
    %add3A_143 = arith.addf %mul3A_127, %mul3A_142 : vector<1000x128xf32>
    %slice3A_144 = vector.extract_strided_slice %get3A_117 {offsets = [0, 2], sizes = [1, 1], strides = [1, 1]} : vector<1x128xf32> to vector<1x1xf32>
    %squeeze3A_145 = vector.extract %slice3A_144[0, 0] : f32 from vector<1x1xf32>
    %gt3A_146 = arith.constant 0.000000e+00 : f32
    %gt3A_147 = vector.broadcast %gt3A_146 : f32 to vector<1000x128xf32>
    %gt3A_148 = arith.cmpf ogt, %add3A_65, %gt3A_147 : vector<1000x128xf32>
    %min3A_149 = arith.constant 0.000000e+00 : f32
    %min3A_150 = vector.broadcast %min3A_149 : f32 to vector<1000x128xf32>
    %min3A_151 = arith.minimumf %add3A_65, %min3A_150 : vector<1000x128xf32>
    %exp3A_152 = math.exp %min3A_151 : vector<1000x128xf32>
    %sub3A_153 = arith.constant 1.000000e+00 : f32
    %sub3A_154 = vector.broadcast %sub3A_153 : f32 to vector<1000x128xf32>
    %sub3A_155 = arith.subf %exp3A_152, %sub3A_154 : vector<1000x128xf32>
    %select_n3A_156 = arith.select %gt3A_148, %add3A_65, %sub3A_155 : vector<1000x128xi1>, vector<1000x128xf32>
    %mul3A_157 = vector.broadcast %squeeze3A_145 : f32 to vector<1000x128xf32>
    %mul3A_158 = arith.mulf %mul3A_157, %select_n3A_156 : vector<1000x128xf32>
    %add3A_159 = arith.addf %add3A_143, %mul3A_158 : vector<1000x128xf32>
    %slice3A_160 = vector.extract_strided_slice %get3A_117 {offsets = [0, 3], sizes = [1, 1], strides = [1, 1]} : vector<1x128xf32> to vector<1x1xf32>
    %squeeze3A_161 = vector.extract %slice3A_160[0, 0] : f32 from vector<1x1xf32>
    %gt3A_162 = arith.constant 0.000000e+00 : f32
    %gt3A_163 = vector.broadcast %gt3A_162 : f32 to vector<1000x128xf32>
    %gt3A_164 = arith.cmpf ogt, %add3A_81, %gt3A_163 : vector<1000x128xf32>
    %min3A_165 = arith.constant 0.000000e+00 : f32
    %min3A_166 = vector.broadcast %min3A_165 : f32 to vector<1000x128xf32>
    %min3A_167 = arith.minimumf %add3A_81, %min3A_166 : vector<1000x128xf32>
    %exp3A_168 = math.exp %min3A_167 : vector<1000x128xf32>
    %sub3A_169 = arith.constant 1.000000e+00 : f32
    %sub3A_170 = vector.broadcast %sub3A_169 : f32 to vector<1000x128xf32>
    %sub3A_171 = arith.subf %exp3A_168, %sub3A_170 : vector<1000x128xf32>
    %select_n3A_172 = arith.select %gt3A_164, %add3A_81, %sub3A_171 : vector<1000x128xi1>, vector<1000x128xf32>
    %mul3A_173 = vector.broadcast %squeeze3A_161 : f32 to vector<1000x128xf32>
    %mul3A_174 = arith.mulf %mul3A_173, %select_n3A_172 : vector<1000x128xf32>
    %add3A_175 = arith.addf %add3A_159, %mul3A_174 : vector<1000x128xf32>
    %slice3A_176 = vector.extract_strided_slice %get3A_117 {offsets = [0, 4], sizes = [1, 1], strides = [1, 1]} : vector<1x128xf32> to vector<1x1xf32>
    %squeeze3A_177 = vector.extract %slice3A_176[0, 0] : f32 from vector<1x1xf32>
    %gt3A_178 = arith.constant 0.000000e+00 : f32
    %gt3A_179 = vector.broadcast %gt3A_178 : f32 to vector<1000x128xf32>
    %gt3A_180 = arith.cmpf ogt, %add3A_91, %gt3A_179 : vector<1000x128xf32>
    %min3A_181 = arith.constant 0.000000e+00 : f32
    %min3A_182 = vector.broadcast %min3A_181 : f32 to vector<1000x128xf32>
    %min3A_183 = arith.minimumf %add3A_91, %min3A_182 : vector<1000x128xf32>
    %exp3A_184 = math.exp %min3A_183 : vector<1000x128xf32>
    %sub3A_185 = arith.constant 1.000000e+00 : f32
    %sub3A_186 = vector.broadcast %sub3A_185 : f32 to vector<1000x128xf32>
    %sub3A_187 = arith.subf %exp3A_184, %sub3A_186 : vector<1000x128xf32>
    %select_n3A_188 = arith.select %gt3A_180, %add3A_91, %sub3A_187 : vector<1000x128xi1>, vector<1000x128xf32>
    %mul3A_189 = vector.broadcast %squeeze3A_177 : f32 to vector<1000x128xf32>
    %mul3A_190 = arith.mulf %mul3A_189, %select_n3A_188 : vector<1000x128xf32>
    %add3A_191 = arith.addf %add3A_175, %mul3A_190 : vector<1000x128xf32>
    %slice3A_192 = vector.extract_strided_slice %get3A_117 {offsets = [0, 5], sizes = [1, 1], strides = [1, 1]} : vector<1x128xf32> to vector<1x1xf32>
    %squeeze3A_193 = vector.extract %slice3A_192[0, 0] : f32 from vector<1x1xf32>
    %gt3A_194 = arith.constant 0.000000e+00 : f32
    %gt3A_195 = vector.broadcast %gt3A_194 : f32 to vector<1000x128xf32>
    %gt3A_196 = arith.cmpf ogt, %add3A_114, %gt3A_195 : vector<1000x128xf32>
    %min3A_197 = arith.constant 0.000000e+00 : f32
    %min3A_198 = vector.broadcast %min3A_197 : f32 to vector<1000x128xf32>
    %min3A_199 = arith.minimumf %add3A_114, %min3A_198 : vector<1000x128xf32>
    %exp3A_200 = math.exp %min3A_199 : vector<1000x128xf32>
    %sub3A_201 = arith.constant 1.000000e+00 : f32
    %sub3A_202 = vector.broadcast %sub3A_201 : f32 to vector<1000x128xf32>
    %sub3A_203 = arith.subf %exp3A_200, %sub3A_202 : vector<1000x128xf32>
    %select_n3A_204 = arith.select %gt3A_196, %add3A_114, %sub3A_203 : vector<1000x128xi1>, vector<1000x128xf32>
    %mul3A_205 = vector.broadcast %squeeze3A_193 : f32 to vector<1000x128xf32>
    %mul3A_206 = arith.mulf %mul3A_205, %select_n3A_204 : vector<1000x128xf32>
    %add3A_207 = arith.addf %add3A_191, %mul3A_206 : vector<1000x128xf32>
    %swap3A = arith.constant 0 : index
    %swap3A_208 = arith.constant 0 : index
    %swap3A_209 = vector.load %arg24[%swap3A, %swap3A_208] : memref<1000x128xf32, #tpu.memory_space<vmem>>, vector<1000x128xf32>
    tpu.vector_store %arg24[%swap3A, %swap3A_208], %add3A_207 {strides = array<i32>} : memref<1000x128xf32, #tpu.memory_space<vmem>>, vector<1000x128xf32>,
    return
  }
  func.func @transform_0(%arg0: i32) -> (i32, i32) {
    %c0_i32 = arith.constant 0 : i32
    %c0_i32_0 = arith.constant 0 : i32
    %c0_i32_1 = arith.constant 0 : i32
    return %c0_i32, %c0_i32_0 : i32, i32
  }
  func.func @transform_1(%arg0: i32) -> (i32, i32) {
    %c0_i32 = arith.constant 0 : i32
    %c0_i32_0 = arith.constant 0 : i32
    return %arg0, %c0_i32 : i32, i32
  }
  func.func @transform_2(%arg0: i32) -> (i32, i32) {
    %c0_i32 = arith.constant 0 : i32
    %c0_i32_0 = arith.constant 0 : i32
    return %arg0, %c0_i32 : i32, i32
  }
  func.func @transform_3(%arg0: i32) -> (i32, i32) {
    %c0_i32 = arith.constant 0 : i32
    %c0_i32_0 = arith.constant 0 : i32
    return %arg0, %c0_i32 : i32, i32
  }
  func.func @transform_4(%arg0: i32) -> (i32, i32) {
    %c0_i32 = arith.constant 0 : i32
    %c0_i32_0 = arith.constant 0 : i32
    return %arg0, %c0_i32 : i32, i32
  }
  func.func @transform_5(%arg0: i32) -> (i32, i32) {
    %c0_i32 = arith.constant 0 : i32
    %c0_i32_0 = arith.constant 0 : i32
    return %arg0, %c0_i32 : i32, i32
  }
  func.func @transform_6(%arg0: i32) -> (i32, i32) {
    %c0_i32 = arith.constant 0 : i32
    %c0_i32_0 = arith.constant 0 : i32
    %c0_i32_1 = arith.constant 0 : i32
    return %c0_i32, %c0_i32_0 : i32, i32
  }
  func.func @transform_7(%arg0: i32) -> (i32, i32) {
    %c0_i32 = arith.constant 0 : i32
    %c0_i32_0 = arith.constant 0 : i32
    %c0_i32_1 = arith.constant 0 : i32
    return %c0_i32, %c0_i32_0 : i32, i32
  }
  func.func @transform_8(%arg0: i32) -> (i32, i32) {
    %c0_i32 = arith.constant 0 : i32
    %c0_i32_0 = arith.constant 0 : i32
    %c0_i32_1 = arith.constant 0 : i32
    return %c0_i32, %c0_i32_0 : i32, i32
  }
  func.func @transform_9(%arg0: i32) -> (i32, i32) {
    %c0_i32 = arith.constant 0 : i32
    %c0_i32_0 = arith.constant 0 : i32
    %c0_i32_1 = arith.constant 0 : i32
    return %c0_i32, %c0_i32_0 : i32, i32
  }
  func.func @transform_10(%arg0: i32) -> (i32, i32) {
    %c0_i32 = arith.constant 0 : i32
    %c0_i32_0 = arith.constant 0 : i32
    %c0_i32_1 = arith.constant 0 : i32
    return %c0_i32, %c0_i32_0 : i32, i32
  }
  func.func @transform_11(%arg0: i32) -> (i32, i32) {
    %c0_i32 = arith.constant 0 : i32
    %c0_i32_0 = arith.constant 0 : i32
    %c0_i32_1 = arith.constant 0 : i32
    return %c0_i32, %c0_i32_0 : i32, i32
  }
  func.func @transform_12(%arg0: i32) -> (i32, i32) {
    %c0_i32 = arith.constant 0 : i32
    %c0_i32_0 = arith.constant 0 : i32
    %c0_i32_1 = arith.constant 0 : i32
    return %c0_i32, %c0_i32_0 : i32, i32
  }
  func.func @transform_13(%arg0: i32) -> (i32, i32) {
    %c0_i32 = arith.constant 0 : i32
    %c0_i32_0 = arith.constant 0 : i32
    %c0_i32_1 = arith.constant 0 : i32
    return %c0_i32, %c0_i32_0 : i32, i32
  }
  func.func @transform_14(%arg0: i32) -> (i32, i32) {
    %c0_i32 = arith.constant 0 : i32
    %c0_i32_0 = arith.constant 0 : i32
    %c0_i32_1 = arith.constant 0 : i32
    return %c0_i32, %c0_i32_0 : i32, i32
  }
  func.func @transform_15(%arg0: i32) -> (i32, i32) {
    %c0_i32 = arith.constant 0 : i32
    %c0_i32_0 = arith.constant 0 : i32
    %c0_i32_1 = arith.constant 0 : i32
    return %c0_i32, %c0_i32_0 : i32, i32
  }
  func.func @transform_16(%arg0: i32) -> (i32, i32) {
    %c0_i32 = arith.constant 0 : i32
    %c0_i32_0 = arith.constant 0 : i32
    %c0_i32_1 = arith.constant 0 : i32
    return %c0_i32, %c0_i32_0 : i32, i32
  }
  func.func @transform_17(%arg0: i32) -> (i32, i32) {
    %c0_i32 = arith.constant 0 : i32
    %c0_i32_0 = arith.constant 0 : i32
    %c0_i32_1 = arith.constant 0 : i32
    return %c0_i32, %c0_i32_0 : i32, i32
  }
  func.func @transform_18(%arg0: i32) -> (i32, i32) {
    %c0_i32 = arith.constant 0 : i32
    %c0_i32_0 = arith.constant 0 : i32
    %c0_i32_1 = arith.constant 0 : i32
    return %c0_i32, %c0_i32_0 : i32, i32
  }
  func.func @transform_19(%arg0: i32) -> (i32, i32) {
    %c0_i32 = arith.constant 0 : i32
    %c0_i32_0 = arith.constant 0 : i32
    %c0_i32_1 = arith.constant 0 : i32
    return %c0_i32, %c0_i32_0 : i32, i32
  }
  func.func @transform_20(%arg0: i32) -> (i32, i32) {
    %c0_i32 = arith.constant 0 : i32
    %c0_i32_0 = arith.constant 0 : i32
    %c0_i32_1 = arith.constant 0 : i32
    return %c0_i32, %c0_i32_0 : i32, i32
  }
  func.func @transform_21(%arg0: i32) -> (i32, i32) {
    %c0_i32 = arith.constant 0 : i32
    %c0_i32_0 = arith.constant 0 : i32
    %c0_i32_1 = arith.constant 0 : i32
    return %c0_i32, %c0_i32_0 : i32, i32
  }
  func.func @transform_22(%arg0: i32) -> (i32, i32) {
    %c0_i32 = arith.constant 0 : i32
    %c0_i32_0 = arith.constant 0 : i32
    %c0_i32_1 = arith.constant 0 : i32
    return %c0_i32, %c0_i32_0 : i32, i32
  }
  func.func @transform_23(%arg0: i32) -> (i32, i32) {
    %c0_i32 = arith.constant 0 : i32
    %c0_i32_0 = arith.constant 0 : i32
    return %arg0, %c0_i32 : i32, i32
  }
}

</mosaic_0001>

<sc_bundles>
// kernel: kernel.6.cloned.1.call-start
scs
__scs_entry_jumppad:
0x0: {  	(pc) =	sbr.rel $0x88, $3  }
0x1: {  	(tag) =	ssettag $0x0;
	lr =	simm.s32 $0x1  }
0x2: {  	[smem:$0x3F90] =	sst lr;
	_ =	strace $0xD0000000  }
0x3: {  	_ = 	snop  }
0x4: {  	_ = 	snop  }
0x5: {  	_ = 	snop  }
0x6: {  	_ = 	snop  }
0x7: {  	_ = 	snop  }
__scs_overlays_trampoline_lowered:
0x8: {  	[smem:$0x3F9F] =	sst s0  }
0x9: {  	[smem:$0x3FA0] =	sst s1  }
0xa: {  	[smem:$0x3FA1] =	sst s2  }
0xb: {  	[smem:$0x3FA2] =	sst s3  }
0xc: {  	[smem:$0x3FA3] =	sst s4  }
0xd: {  	[smem:$0x3FA4] =	sst s5  }
0xe: {  	[smem:$0x3FA5] =	sst s6  }
0xf: {  	[smem:$0x3FA6] =	sst s7  }
0x10: {  	[smem:$0x3FA7] =	sst s8  }
0x11: {  	[smem:$0x3FA8] =	sst s9;
	s0 =	simm.s32 @!p0 $0x0  }
0x12: {  	s1 =	sld [smem:$0x3F8E];
	s0 =	simm.s32 @p0 $0x1  }
0x13: {  	[smem:$0x3FA9] =	sst s0;
	s0 =	simm.s32 @!p1 $0x0  }
0x14: {  	s2 =	sld [smem:$0x3F8D];
	s0 =	simm.s32 @p1 $0x1  }
0x15: {  	[smem:$0x3FAA] =	sst s0;
	s0 =	simm.s32 @!p2 $0x0  }
0x16: {  	s3 =	sld [smem:$0x3FDB];
	s0 =	simm.s32 @p2 $0x1  }
0x17: {  	s4 =	simm.s32 $0x1BF5;
	[smem:$0x3FAC] =	sst s0  }
0x18: {  	s0 =	sld [smem:$0x3F8F];
	_ =	swait.ge [sflag:s4], $0x0  }
0x19: {  	s7 =	sld [smem:$0x3F90]  }
0x1a: {  	s8 =	sadd.s32 $0xFFFFE003, lr  }
0x1b: {  	s9 =	sadd.s32 $0xFFFFFEF7, lr;
	s5 =	simm.s32 $0xFFFFFFFF;
	p2 =	slt.u32 s8, $0xFFFFF086  }
0x1c: {  	p1 =	slt.u32 s9, $0xF7A;
	s5 =	simm.s32 @!p2 $0x0  }
0x1d: {  	s5 =	simm.s32 @p1 $0x1;
	p0 =	seq.s32 s7, s2  }
0x1e: {  	s7 =	smul.u32 @!p0 $0xF7A, s2;
	p2 =	seq.s32 @!p0 s5, $0x0  }
0x1f: {  	s9 =	smul.u32 $0xF7A, s1;
	s8 =	simm.s32 @!p0 $0x1BF5;
	p2 =	por !p2, p0  }
0x20: {  	[sflag:s8] =	ssyncset.s32 @!p0 $0xFFFFF086;
	s6 =	sadd.s32 @!p0 s3, s7;
	s7 =	simm.s32 @!p0 $0x108  }
0x21: {  	s3 =	sadd.s32 s3, s9;
	s6 =	sadd.s32 @!p0 $0x88, s6;
	s7 =	simm.s32 @p2 $0x1082  }
0x22: {  	[simem:s7], [sflag:s8] =	dma.local @!p0 [hbm:s6], $0xF7A  }
0x23: {  	s9 =	sor.u32 $0xD0000000, s2;
	s6 =	simm.s32 $0x108;
	_ =	swait.ge @!p0 [sflag:s8], $0x0  }
0x24: {  	s3 =	sadd.s32 $0x88, s3;
	s6 =	simm.s32 @!p1 $0x1082;
	[sflag:s4] =	ssyncset.s32 $0xFFFFF086  }
0x25: {  	[simem:s6], [sflag:s4] =	dma.local [hbm:s3], $0xF7A  }
0x26: {  	[smem:$0x3F90] =	sst s1;
	(tag) =	ssettag s2;
	_ =	strace s9  }
0x27: {  	s1 =	sld [smem:$0x3FA0]  }
0x28: {  	s2 =	sld [smem:$0x3FA1]  }
0x29: {  	s4 =	sld [smem:$0x3FA3]  }
0x2a: {  	p0 =	seq.s32 s5, $0x0;
	s5 =	sld [smem:$0x3FA4]  }
0x2b: {  	s6 =	sld [smem:$0x3FA5]  }
0x2c: {  	s7 =	sld [smem:$0x3FA6]  }
0x2d: {  	s3 =	simm.s32 $0x108;
	s8 =	sld [smem:$0x3FA7]  }
0x2e: {  	s3 =	simm.s32 @!p0 $0x1082;
	s9 =	sld [smem:$0x3FA8]  }
0x2f: {  	lr =	sadd.s32 s0, s3;
	s0 =	sld [smem:$0x3F9F]  }
0x30: {  	s3 =	sld [smem:$0x3FA2]  }
0x31: {  	[smem:$0x3FAB] =	sst s10  }
0x32: {  	s10 =	sld [smem:$0x3FA9];
	_ =	sdelay $0x3  }
0x33: {  	p0 =	seq.s32 s10, $0x1;
	s10 =	sld [smem:$0x3FAB];
	_ =	sdelay $0x3  }
0x34: {  	[smem:$0x3FAB] =	sst s10  }
0x35: {  	s10 =	sld [smem:$0x3FAA];
	_ =	sdelay $0x3  }
0x36: {  	p1 =	seq.s32 s10, $0x1;
	s10 =	sld [smem:$0x3FAB];
	_ =	sdelay $0x3  }
0x37: {  	[smem:$0x3FAB] =	sst s10  }
0x38: {  	s10 =	sld [smem:$0x3FAC]  }
0x39: {  	_ = 	snop;
	(pc) =	sbr.ind lr, $3  }
0x3a: {  	_ = 	snop  }
0x3b: {  	_ = 	snop  }
0x3c: {  	p2 =	seq.s32 s10, $0x1;
	s10 =	sld [smem:$0x3FAB]  }
0x3d: {  	_ =	shalt  }
0x3e: {  	_ =	shalt  }
0x3f: {  	_ =	shalt  }
0x40: {  	_ =	shalt  }
0x41: {  	_ =	shalt  }
0x42: {  	_ =	shalt  }
0x43: {  	_ =	shalt  }
0x44: {  	_ =	shalt  }
0x45: {  	_ =	shalt  }
0x46: {  	_ =	shalt  }
0x47: {  	_ =	shalt  }
0x48: {  	_ =	shalt  }
0x49: {  	_ =	shalt  }
0x4a: {  	_ =	shalt  }
0x4b: {  	_ =	shalt  }
0x4c: {  	_ =	shalt  }
0x4d: {  	_ =	shalt  }
0x4e: {  	_ =	shalt  }
0x4f: {  	_ =	shalt  }
0x50: {  	_ =	shalt  }
0x51: {  	_ =	shalt  }
0x52: {  	_ =	shalt  }
0x53: {  	_ =	shalt  }
0x54: {  	_ =	shalt  }
0x55: {  	_ =	shalt  }
0x56: {  	_ =	shalt  }
0x57: {  	_ =	shalt  }
0x58: {  	_ =	shalt  }
0x59: {  	_ =	shalt  }
0x5a: {  	_ =	shalt  }
0x5b: {  	_ =	shalt  }
0x5c: {  	_ =	shalt  }
0x5d: {  	_ =	shalt  }
0x5e: {  	_ =	shalt  }
0x5f: {  	_ =	shalt  }
0x60: {  	_ =	shalt  }
0x61: {  	_ =	shalt  }
0x62: {  	_ =	shalt  }
0x63: {  	_ =	shalt  }
0x64: {  	_ =	shalt  }
0x65: {  	_ =	shalt  }
0x66: {  	_ =	shalt  }
0x67: {  	_ =	shalt  }
0x68: {  	_ =	shalt  }
0x69: {  	_ =	shalt  }
0x6a: {  	_ =	shalt  }
0x6b: {  	_ =	shalt  }
0x6c: {  	_ =	shalt  }
0x6d: {  	_ =	shalt  }
0x6e: {  	_ =	shalt  }
0x6f: {  	_ =	shalt  }
0x70: {  	_ =	shalt  }
0x71: {  	_ =	shalt  }
0x72: {  	_ =	shalt  }
0x73: {  	_ =	shalt  }
0x74: {  	_ =	shalt  }
0x75: {  	_ =	shalt  }
0x76: {  	_ =	shalt  }
0x77: {  	_ =	shalt  }
0x78: {  	_ =	shalt  }
0x79: {  	_ =	shalt  }
0x7a: {  	_ =	shalt  }
0x7b: {  	_ =	shalt  }
0x7c: {  	_ =	shalt  }
0x7d: {  	_ =	shalt  }
0x7e: {  	_ =	shalt  }
0x7f: {  	_ =	shalt  }
0x80: {  	_ =	shalt  }
0x81: {  	_ =	shalt  }
0x82: {  	_ =	shalt  }
0x83: {  	_ =	shalt  }
0x84: {  	_ =	shalt  }
0x85: {  	_ =	shalt  }
0x86: {  	_ =	shalt  }
0x87: {  	_ =	shalt  }
.Lfunc_end0:
.L_simem_size_0:
called_computation_lowered:
.L_overlay_start_0:
0x88: {  	s2 =	sld [smem:$0x3FD9]  }
0x89: {  	s3 =	sld [smem:$0x3FFE];
	_ =	sdelay $0x1  }
0x8a: {  	s1 =	srdreg.scid  }
0x8b: {  	s0 =	sand.u32 $0x1, s1  }
0x8c: {  	s16 =	sshll.u32 s0, $0xA;
	s2 =	sadd.s32 s3, s2  }
0x8d: {  	s2 =	sadd.s32 s2, s16  }
0x8e: {  	[smem:$0x3FB7] =	sst s2  }
0x8f: {  	_ = 	snop  }
0x90: {  	(tm) =	ssettm $0x1  }
0x91: {  	s17 =	sld [smem:$0x3FFB];
	_ =	sdelay $0x3  }
0x92: {  	_ =	strace s17  }
0x93: {  	s2 =	sld [smem:$0x3FFC];
	_ =	sdelay $0x3  }
0x94: {  	_ =	strace s2  }
0x95: {  	s2 =	sld [smem:$0x3FFD];
	_ =	sdelay $0x3  }
0x96: {  	_ =	strace s2  }
0x97: {  	_ =	strace $0x8FFFFFFF  }
0x98: {  	s18 =	sld [smem:$0x3FDB];
	_ =	sdelay $0x1  }
0x99: {  	s19 =	simm.s32 $_scs_section_size  }
0x9a: {  	s4 =	simm.s32 $_size__tile_overlayer_lowered;
	s5 =	simm.s32 $_tile_overlayer_lowered  }
0x9b: {  	s22 =	simm.s32 $0x1BFF;
	s21 =	sshll.u32 s5, $0x1;
	s2 =	sadd.s32 s19, s18  }
0x9c: {  	s6 =	simm.s32 $0x0;
	s20 =	sshll.u32 s4, $0x1;
	s4 =	sadd.s32 s21, s2  }
0x9d: {  	[timem:s6], [sflag:s22] =	dma.local [hbm:s4], s20  }
0x9e: {  	_ =	swait.ge [sflag:s22], s20  }
0x9f: {  	s3 =	ssub.s32 $0x0, s20;
	[sflag:s22] =	ssyncset.done $0x0  }
0xa0: {  	[sflag:s22] =	ssyncadd.s32 s3;
	_ =	sdelay $0x1  }
0xa1: {  	s23 =	simm.s32 $0x1B8B  }
0xa2: {  	_ =	swait.ge [sflag:s23], $0x1  }
0xa3: {  	[sflag:s23] =	ssyncset.done $0x0  }
0xa4: {  	s25 =	simm.s32 $0x1B8E;
	s24 =	sld [smem:$0x3FFE];
	[sflag:s23] =	ssyncadd.s32 $0xFFFFFFFF  }
0xa5: {  	s26 =	simm.s32 $execute0_lowered;
	[smem:$0x3FD2] =	sst s25  }
0xa6: {  	s4 =	sshll.u32 s26, $0x1;
	_ =	strace $0x80000046;
	[dreg:$0x1] =	wrdreg $0xFFFFFFFF  }
0xa7: {  	s28 =	simm.s32 $_size_execute0_lowered;
	s2 =	sadd.s32 s2, s4;
	[dreg:$0x0] =	wrdreg $0x0  }
0xa8: {  	s4 =	sshll.u32 s28, $0x1;
	[dreg:$0x2] =	wrdreg s2  }
0xa9: {  	[dreg:$0x3] =	wrdreg s4  }
0xaa: {  	[dreg:$0x4] =	wrdreg $0xC0  }
0xab: {  	_ =	task [dreg:s6], $0x5FFFF  }
0xac: {  	[dreg:$0x1] =	wrdreg $0xFFFFFFFF  }
0xad: {  	[dreg:$0x0] =	wrdreg $0x60  }
0xae: {  	[dreg:$0x2] =	wrdreg s24  }
0xaf: {  	[dreg:$0x3] =	wrdreg $0x55000  }
0xb0: {  	[dreg:$0x4] =	wrdreg $0x9  }
0xb1: {  	_ =	task.clear_ibuf [dreg:s6], $0x5FFFF;
	_ =	strace $0x90000046  }
0xb2: {  	s29 =	simm.s32 $0x9;
	_ =	strace $0x80000048  }
0xb3: {  	_ =	swait.ge [sflag:s29], $0x1  }
0xb4: {  	[sflag:s29] =	ssyncadd.s32 $0xFFFFFFFF  }
0xb5: {  	_ =	strace $0x90000048  }
0xb6: {  	_ =	sfence  }
0xb7: {  	s30 =	sld [smem:$0x0];
	_ =	sdelay $0x2  }
0xb8: {  	s31 =	sshll.u32 s1, $0xD;
	s1 =	sshrl.u32 s1, $0x2  }
0xb9: {  	s3 =	sand.u32 $0x4000, s31;
	s1 =	sadd.s32 s1, s30  }
0xba: {  	s0 =	sor.u32 s3, s0;
	s1 =	sshll.u32 s1, $0x11  }
0xbb: {  	s0 =	sor.u32 s1, s0  }
0xbc: {  	s0 =	sadd.s32 $0x8F2B, s0  }
0xbd: {  	[sflag:s0] =	ssyncadd.remote.s32 $0x1  }
0xbe: {  	_ =	sfence.sel $0xFFFF  }
0xbf: {  	[dreg:$0x0] =	wrdreg $0xFFFFFFFF;
	(pc) =	sbr.abs _section_cstart, $3  }
0xc0: {  	[dreg:$0x1] =	wrdreg $0xFFFFFFFF  }
0xc1: {  	_ =	task.clear_ibuf [dreg:s6], $0x2FFFF;
	_ =	strace $0x9FFFFFFF  }
0xc2: {  	(tm) =	ssettm $0x7FFFFFFF  }
0xc3: {  	_ =	shalt  }
tec
execute0_lowered:
.L_overlay_start_1:
0x0: {  	(tag) =	ssettag $0x1  }
0x1: {  	s0 =	srdreg.scid;
	s3 =	rddreg [dreg:$0x0]  }
0x2: {  	s2 =	stileid.u32;
	s5 =	rddreg [dreg:$0x1]  }
0x3: {  	s6 =	simm.s32 $0x0;
	s28 =	simm.s32 $0x5000;
	s29 =	simm.s32 $0x5280  }
0x4: {  	s30 =	simm.s32 $0x0;
	s0 =	sand.u32 $0x1, s0;
	s1 =	sshll.u32 s2, $0x1  }
0x5: {  	s4 =	smul.u32 $0x280, s2;
	[smem:$0x7FF] =	sst s6;
	s24 =	sshrl.u32 s2, $0x3  }
0x6: {  	s26 =	smul.u32 $0x5000, s2;
	s31 =	sshll.u32 s2, $0x7;
	s1 =	sor.u32 s0, s1  }
0x7: {  	s23 =	smul.u32 $0x2800, s0;
	_ =	strace $0x80000047;
	s0 =	ssub.s32 $0x2, s0  }
0x8: {  	s6 =	smul.u32 $0x51000, s24;
	s7 =	sand.u32 $0x380, s31;
	s24 =	simm.s32 $0x80  }
0x9: {  	s1 =	smul.u32 $0x4E2, s1;
	s25 =	sshrl.u32 s0, $0x1;
	s8 =	sshrl.u32 s26, $0x2  }
0xa: {  	s26 =	simm.s32 $0x2780;
	s4 =	sadd.s32 s4, s23;
	s0 =	ssub.s32 s0, s25  }
0xb: {  	s6 =	sshrl.u32 s6, $0x2;
	s23 =	simm.s32 $0x1;
	s25 =	simm.s32 $0x400  }
0xc: {  	s1 =	sadd.s32 s1, s3;
	s4 =	sshrl.u32 s4, $0x3;
	s6 =	sadd.s32 s6, s5  }
0xd: {  	s5 =	sadd.s32 s8, s5;
	s22 =	smax.u32 s0, $0x1;
	s21 =	sadd.s32 s4, s3  }
0xe: {  	s3 =	sadd.s32 $0x3400, s1;
	s4 =	sadd.s32 s7, s6;
	s6 =	sadd.s32 $0x80, s5  }
0xf: {  	s7 =	sadd.s32 $0x100, s5;
	s8 =	sadd.s32 $0x180, s5;
	s9 =	sadd.s32 $0x200, s5  }
0x10: {  	s10 =	sadd.s32 $0x280, s5;
	s11 =	sadd.s32 $0x300, s5;
	s12 =	sadd.s32 $0x380, s5  }
0x11: {  	s13 =	sadd.s32 $0x14400, s5;
	s14 =	sadd.s32 $0x14480, s5;
	s15 =	sadd.s32 $0x14500, s5  }
0x12: {  	v0 =	vimm.f32 $0.0e+00;
	vm0 =	vcmask $0x300;
	s16 =	sadd.s32 $0x14580, s5;
	s17 =	sadd.s32 $0x14600, s5;
	s18 =	sadd.s32 $0x14680, s5  }
0x13: {  	v1 =	vsel vm0, $0x3F800000, v0;
	s19 =	sadd.s32 $0x14700, s5;
	s20 =	sadd.s32 $0x14780, s5;
	s21 =	sadd.s32 $0xD200, s21  }
.LBB2_1:
0x14: {  	s0 =	simm.s32 $0x40;
	s1 =	simm.s32 $0x0  }
.LBB2_2:
0x15: {  	p0 =	sne.s32 s0, $0xA000;
	[tilespmem:s1+$0x2780] =	vst v0;
	s1 =	smov.u32 s0;
	s0 =	sadd.s32 $0x40, s0  }
.Ltmp0:
0x16: {  	(pc) =	sbr.rel @p0 .LBB2_2-.Ltmp0, $2  }
0x17: {  	_ =	sdelay $0x2  }
0x18: {  	s1 =	sshra.s32 s1, $0x2  }
0x19: {  	[tilespmem:s1+$0x2780] =	vst v0;
	s0 =	simm.s32 $0x0  }
0x1a: {  	[tilespmem:s0], [sflag:$0x1] =	stream.linear.gather [hbm4b:s3+s0], $0x2710, $0x38;
	[tilespmem:$0x7D10] =	vst v63  }
0x1b: {  	_ =	swait.ge [sflag:s23], $0x2710  }
0x1c: {  	[sflag:s23] =	ssyncset.done $0x0  }
0x1d: {  	s1 =	simm.s32 $0x0;
	[sflag:s23] =	ssyncadd.s32 $0xFFFFD8F0  }
0x1e: {  	v2 =	vld [tilespmem:s1+$0x0];
	_ =	sdelay $0x4  }
0x1f: {  	v2 =	vadd.s32 $0x2780, v2  }
0x20: {  	(v2sf) =	vpush v2, $0x0;
	_ =	sdelay $0x7  }
0x21: {  	(v2sf) =	vpush v2, $0x1;
	_ =	sdelay $0x6  }
0x22: {  	s2 =	spop (v2sf)  }
0x23: {  	(v2sf) =	vpush v2, $0x2;
	v3 =	vld [tilespmem:s2+$0x0];
	_ =	sdelay $0x4  }
0x24: {  	v3 =	vadd.f32 v1, v3;
	_ =	sdelay $0x1  }
0x25: {  	s1 =	spop (v2sf);
	[tilespmem:s2+$0x0] =	vst v3  }
0x26: {  	(v2sf) =	vpush v2, $0x3;
	v3 =	vld [tilespmem:s1+$0x0];
	_ =	sdelay $0x4  }
0x27: {  	v3 =	vadd.f32 v1, v3;
	_ =	sdelay $0x1  }
0x28: {  	s2 =	spop (v2sf);
	[tilespmem:s1+$0x0] =	vst v3  }
0x29: {  	(v2sf) =	vpush v2, $0x4;
	v3 =	vld [tilespmem:s2+$0x0];
	_ =	sdelay $0x4  }
0x2a: {  	v3 =	vadd.f32 v1, v3;
	_ =	sdelay $0x1  }
0x2b: {  	s1 =	spop (v2sf);
	[tilespmem:s2+$0x0] =	vst v3  }
0x2c: {  	(v2sf) =	vpush v2, $0x5;
	v3 =	vld [tilespmem:s1+$0x0];
	_ =	sdelay $0x4  }
0x2d: {  	v3 =	vadd.f32 v1, v3;
	_ =	sdelay $0x1  }
0x2e: {  	s2 =	spop (v2sf);
	[tilespmem:s1+$0x0] =	vst v3  }
0x2f: {  	(v2sf) =	vpush v2, $0x6;
	v3 =	vld [tilespmem:s2+$0x0];
	_ =	sdelay $0x4  }
0x30: {  	v3 =	vadd.f32 v1, v3;
	_ =	sdelay $0x1  }
0x31: {  	s1 =	spop (v2sf);
	[tilespmem:s2+$0x0] =	vst v3  }
0x32: {  	(v2sf) =	vpush v2, $0x7;
	v3 =	vld [tilespmem:s1+$0x0];
	_ =	sdelay $0x4  }
0x33: {  	v3 =	vadd.f32 v1, v3;
	_ =	sdelay $0x1  }
0x34: {  	s2 =	spop (v2sf);
	[tilespmem:s1+$0x0] =	vst v3  }
0x35: {  	(v2sf) =	vpush v2, $0x8;
	v3 =	vld [tilespmem:s2+$0x0];
	_ =	sdelay $0x4  }
0x36: {  	v3 =	vadd.f32 v1, v3;
	_ =	sdelay $0x1  }
0x37: {  	s1 =	spop (v2sf);
	[tilespmem:s2+$0x0] =	vst v3  }
0x38: {  	(v2sf) =	vpush v2, $0x9;
	v3 =	vld [tilespmem:s1+$0x0];
	_ =	sdelay $0x4  }
0x39: {  	v3 =	vadd.f32 v1, v3;
	_ =	sdelay $0x1  }
0x3a: {  	s2 =	spop (v2sf);
	[tilespmem:s1+$0x0] =	vst v3  }
0x3b: {  	(v2sf) =	vpush v2, $0xA;
	v3 =	vld [tilespmem:s2+$0x0];
	_ =	sdelay $0x4  }
0x3c: {  	v3 =	vadd.f32 v1, v3;
	_ =	sdelay $0x1  }
0x3d: {  	s1 =	spop (v2sf);
	[tilespmem:s2+$0x0] =	vst v3  }
0x3e: {  	(v2sf) =	vpush v2, $0xB;
	v3 =	vld [tilespmem:s1+$0x0];
	_ =	sdelay $0x4  }
0x3f: {  	v3 =	vadd.f32 v1, v3;
	_ =	sdelay $0x1  }
0x40: {  	s2 =	spop (v2sf);
	[tilespmem:s1+$0x0] =	vst v3  }
0x41: {  	(v2sf) =	vpush v2, $0xC;
	v3 =	vld [tilespmem:s2+$0x0];
	_ =	sdelay $0x4  }
0x42: {  	v3 =	vadd.f32 v1, v3;
	_ =	sdelay $0x1  }
0x43: {  	s1 =	spop (v2sf);
	[tilespmem:s2+$0x0] =	vst v3  }
0x44: {  	(v2sf) =	vpush v2, $0xD;
	v3 =	vld [tilespmem:s1+$0x0];
	_ =	sdelay $0x4  }
0x45: {  	v3 =	vadd.f32 v1, v3;
	_ =	sdelay $0x1  }
0x46: {  	s2 =	spop (v2sf);
	[tilespmem:s1+$0x0] =	vst v3  }
0x47: {  	(v2sf) =	vpush v2, $0xE;
	v3 =	vld [tilespmem:s2+$0x0];
	_ =	sdelay $0x4  }
0x48: {  	v3 =	vadd.f32 v1, v3;
	_ =	sdelay $0x1  }
0x49: {  	s1 =	spop (v2sf);
	[tilespmem:s2+$0x0] =	vst v3  }
0x4a: {  	(v2sf) =	vpush v2, $0xF;
	v3 =	vld [tilespmem:s1+$0x0];
	_ =	sdelay $0x4  }
0x4b: {  	v2 =	vadd.f32 v1, v3;
	_ =	sdelay $0x1  }
0x4c: {  	s2 =	spop (v2sf);
	[tilespmem:s1+$0x0] =	vst v2  }
0x4d: {  	v2 =	vld [tilespmem:s2+$0x0];
	_ =	sdelay $0x4  }
0x4e: {  	v2 =	vadd.f32 v1, v2;
	_ =	sdelay $0x1  }
0x4f: {  	s0 =	spop (v2sf);
	[tilespmem:s2+$0x0] =	vst v2  }
0x50: {  	v2 =	vld [tilespmem:s0+$0x0];
	_ =	sdelay $0x4  }
0x51: {  	s31 =	simm.s32 $0x40;
	s1 =	simm.s32 $0x80;
	v2 =	vadd.f32 v1, v2  }
.LBB2_4:
0x52: {  	p0 =	sne.s32 s1, $0x9C00  }
0x53: {  	s2 =	sshra.s32 s31, $0x2;
	s31 =	smov.u32 s1;
	s1 =	sadd.s32 $0x40, s1;
	[tilespmem:s0+$0x0] =	vst v2  }
0x54: {  	v2 =	vld [tilespmem:s2+$0x0];
	_ =	sdelay $0x4  }
0x55: {  	v2 =	vadd.s32 $0x2780, v2  }
0x56: {  	(v2sf) =	vpush v2, $0x0;
	_ =	sdelay $0x7  }
0x57: {  	(v2sf) =	vpush v2, $0x1;
	_ =	sdelay $0x6  }
0x58: {  	s0 =	spop (v2sf)  }
0x59: {  	v3 =	vld [tilespmem:s0+$0x0];
	(v2sf) =	vpush v2, $0x2;
	_ =	sdelay $0x4  }
0x5a: {  	v3 =	vadd.f32 v1, v3;
	_ =	sdelay $0x1  }
0x5b: {  	[tilespmem:s0+$0x0] =	vst v3;
	s0 =	spop (v2sf)  }
0x5c: {  	v3 =	vld [tilespmem:s0+$0x0];
	(v2sf) =	vpush v2, $0x3;
	_ =	sdelay $0x4  }
0x5d: {  	v3 =	vadd.f32 v1, v3;
	_ =	sdelay $0x1  }
0x5e: {  	[tilespmem:s0+$0x0] =	vst v3;
	s0 =	spop (v2sf)  }
0x5f: {  	v3 =	vld [tilespmem:s0+$0x0];
	(v2sf) =	vpush v2, $0x4;
	_ =	sdelay $0x4  }
0x60: {  	v3 =	vadd.f32 v1, v3;
	_ =	sdelay $0x1  }
0x61: {  	[tilespmem:s0+$0x0] =	vst v3;
	s0 =	spop (v2sf)  }
0x62: {  	v3 =	vld [tilespmem:s0+$0x0];
	(v2sf) =	vpush v2, $0x5;
	_ =	sdelay $0x4  }
0x63: {  	v3 =	vadd.f32 v1, v3;
	_ =	sdelay $0x1  }
0x64: {  	[tilespmem:s0+$0x0] =	vst v3;
	s0 =	spop (v2sf)  }
0x65: {  	v3 =	vld [tilespmem:s0+$0x0];
	(v2sf) =	vpush v2, $0x6;
	_ =	sdelay $0x4  }
0x66: {  	v3 =	vadd.f32 v1, v3;
	_ =	sdelay $0x1  }
0x67: {  	[tilespmem:s0+$0x0] =	vst v3;
	s0 =	spop (v2sf)  }
0x68: {  	v3 =	vld [tilespmem:s0+$0x0];
	(v2sf) =	vpush v2, $0x7;
	_ =	sdelay $0x4  }
0x69: {  	v3 =	vadd.f32 v1, v3;
	_ =	sdelay $0x1  }
0x6a: {  	[tilespmem:s0+$0x0] =	vst v3;
	s0 =	spop (v2sf)  }
0x6b: {  	v3 =	vld [tilespmem:s0+$0x0];
	(v2sf) =	vpush v2, $0x8;
	_ =	sdelay $0x4  }
0x6c: {  	v3 =	vadd.f32 v1, v3;
	_ =	sdelay $0x1  }
0x6d: {  	[tilespmem:s0+$0x0] =	vst v3;
	s0 =	spop (v2sf)  }
0x6e: {  	v3 =	vld [tilespmem:s0+$0x0];
	(v2sf) =	vpush v2, $0x9;
	_ =	sdelay $0x4  }
0x6f: {  	v3 =	vadd.f32 v1, v3;
	_ =	sdelay $0x1  }
0x70: {  	[tilespmem:s0+$0x0] =	vst v3;
	s0 =	spop (v2sf)  }
0x71: {  	v3 =	vld [tilespmem:s0+$0x0];
	(v2sf) =	vpush v2, $0xA;
	_ =	sdelay $0x4  }
0x72: {  	v3 =	vadd.f32 v1, v3;
	_ =	sdelay $0x1  }
0x73: {  	[tilespmem:s0+$0x0] =	vst v3;
	s0 =	spop (v2sf)  }
0x74: {  	v3 =	vld [tilespmem:s0+$0x0];
	(v2sf) =	vpush v2, $0xB;
	_ =	sdelay $0x4  }
0x75: {  	v3 =	vadd.f32 v1, v3;
	_ =	sdelay $0x1  }
0x76: {  	[tilespmem:s0+$0x0] =	vst v3;
	s0 =	spop (v2sf)  }
0x77: {  	v3 =	vld [tilespmem:s0+$0x0];
	(v2sf) =	vpush v2, $0xC;
	_ =	sdelay $0x4  }
0x78: {  	v3 =	vadd.f32 v1, v3;
	_ =	sdelay $0x1  }
0x79: {  	[tilespmem:s0+$0x0] =	vst v3;
	s0 =	spop (v2sf)  }
0x7a: {  	v3 =	vld [tilespmem:s0+$0x0];
	(v2sf) =	vpush v2, $0xD;
	_ =	sdelay $0x4  }
0x7b: {  	v3 =	vadd.f32 v1, v3;
	_ =	sdelay $0x1  }
0x7c: {  	[tilespmem:s0+$0x0] =	vst v3;
	s0 =	spop (v2sf)  }
0x7d: {  	v3 =	vld [tilespmem:s0+$0x0];
	(v2sf) =	vpush v2, $0xE;
	_ =	sdelay $0x4  }
0x7e: {  	v3 =	vadd.f32 v1, v3;
	_ =	sdelay $0x1  }
0x7f: {  	[tilespmem:s0+$0x0] =	vst v3;
	s0 =	spop (v2sf)  }
0x80: {  	v3 =	vld [tilespmem:s0+$0x0];
	(v2sf) =	vpush v2, $0xF;
	_ =	sdelay $0x4  }
0x81: {  	v2 =	vadd.f32 v1, v3;
	_ =	sdelay $0x1  }
0x82: {  	[tilespmem:s0+$0x0] =	vst v2;
	s0 =	spop (v2sf)  }
0x83: {  	v2 =	vld [tilespmem:s0+$0x0];
	_ =	sdelay $0x4  }
0x84: {  	v2 =	vadd.f32 v1, v2;
	_ =	sdelay $0x1  }
0x85: {  	[tilespmem:s0+$0x0] =	vst v2;
	s0 =	spop (v2sf)  }
0x86: {  	v2 =	vld [tilespmem:s0+$0x0]  }
.Ltmp1:
0x87: {  	(pc) =	sbr.rel @p0 .LBB2_4-.Ltmp1, $2  }
0x88: {  	_ =	sdelay $0x2  }
0x89: {  	v2 =	vadd.f32 v1, v2  }
0x8a: {  	_ = 	snop  }
0x8b: {  	s1 =	sshra.s32 s31, $0x2;
	[tilespmem:s0+$0x0] =	vst v2  }
0x8c: {  	v2 =	vld [tilespmem:s1+$0x0];
	_ =	sdelay $0x4  }
0x8d: {  	v2 =	vadd.s32 $0x2780, v2  }
0x8e: {  	(v2sf) =	vpush v2, $0x0;
	_ =	sdelay $0x7  }
0x8f: {  	(v2sf) =	vpush v2, $0x1;
	_ =	sdelay $0x6  }
0x90: {  	s31 =	spop (v2sf)  }
0x91: {  	(v2sf) =	vpush v2, $0x2;
	v3 =	vld [tilespmem:s31+$0x0];
	_ =	sdelay $0x4  }
0x92: {  	v3 =	vadd.f32 v1, v3;
	_ =	sdelay $0x1  }
0x93: {  	s1 =	spop (v2sf);
	[tilespmem:s31+$0x0] =	vst v3  }
0x94: {  	(v2sf) =	vpush v2, $0x3;
	v3 =	vld [tilespmem:s1+$0x0];
	_ =	sdelay $0x4  }
0x95: {  	v3 =	vadd.f32 v1, v3;
	_ =	sdelay $0x1  }
0x96: {  	s2 =	spop (v2sf);
	[tilespmem:s1+$0x0] =	vst v3  }
0x97: {  	(v2sf) =	vpush v2, $0x4;
	v3 =	vld [tilespmem:s2+$0x0];
	_ =	sdelay $0x4  }
0x98: {  	v3 =	vadd.f32 v1, v3;
	_ =	sdelay $0x1  }
0x99: {  	s31 =	spop (v2sf);
	[tilespmem:s2+$0x0] =	vst v3  }
0x9a: {  	(v2sf) =	vpush v2, $0x5;
	v3 =	vld [tilespmem:s31+$0x0];
	_ =	sdelay $0x4  }
0x9b: {  	v3 =	vadd.f32 v1, v3;
	_ =	sdelay $0x1  }
0x9c: {  	s1 =	spop (v2sf);
	[tilespmem:s31+$0x0] =	vst v3  }
0x9d: {  	(v2sf) =	vpush v2, $0x6;
	v3 =	vld [tilespmem:s1+$0x0];
	_ =	sdelay $0x4  }
0x9e: {  	v3 =	vadd.f32 v1, v3;
	_ =	sdelay $0x1  }
0x9f: {  	s2 =	spop (v2sf);
	[tilespmem:s1+$0x0] =	vst v3  }
0xa0: {  	(v2sf) =	vpush v2, $0x7;
	v3 =	vld [tilespmem:s2+$0x0];
	_ =	sdelay $0x4  }
0xa1: {  	v3 =	vadd.f32 v1, v3;
	_ =	sdelay $0x1  }
0xa2: {  	s31 =	spop (v2sf);
	[tilespmem:s2+$0x0] =	vst v3  }
0xa3: {  	(v2sf) =	vpush v2, $0x8;
	v3 =	vld [tilespmem:s31+$0x0];
	_ =	sdelay $0x4  }
0xa4: {  	v3 =	vadd.f32 v1, v3;
	_ =	sdelay $0x1  }
0xa5: {  	s1 =	spop (v2sf);
	[tilespmem:s31+$0x0] =	vst v3  }
0xa6: {  	(v2sf) =	vpush v2, $0x9;
	v3 =	vld [tilespmem:s1+$0x0];
	_ =	sdelay $0x4  }
0xa7: {  	v3 =	vadd.f32 v1, v3;
	_ =	sdelay $0x1  }
0xa8: {  	s2 =	spop (v2sf);
	[tilespmem:s1+$0x0] =	vst v3  }
0xa9: {  	(v2sf) =	vpush v2, $0xA;
	v3 =	vld [tilespmem:s2+$0x0];
	_ =	sdelay $0x4  }
0xaa: {  	v3 =	vadd.f32 v1, v3;
	_ =	sdelay $0x1  }
0xab: {  	s31 =	spop (v2sf);
	[tilespmem:s2+$0x0] =	vst v3  }
0xac: {  	(v2sf) =	vpush v2, $0xB;
	v3 =	vld [tilespmem:s31+$0x0];
	_ =	sdelay $0x4  }
0xad: {  	v3 =	vadd.f32 v1, v3;
	_ =	sdelay $0x1  }
0xae: {  	s1 =	spop (v2sf);
	[tilespmem:s31+$0x0] =	vst v3  }
0xaf: {  	(v2sf) =	vpush v2, $0xC;
	v3 =	vld [tilespmem:s1+$0x0];
	_ =	sdelay $0x4  }
0xb0: {  	v3 =	vadd.f32 v1, v3;
	_ =	sdelay $0x1  }
0xb1: {  	s2 =	spop (v2sf);
	[tilespmem:s1+$0x0] =	vst v3  }
0xb2: {  	(v2sf) =	vpush v2, $0xD;
	v3 =	vld [tilespmem:s2+$0x0];
	_ =	sdelay $0x4  }
0xb3: {  	v3 =	vadd.f32 v1, v3;
	_ =	sdelay $0x1  }
0xb4: {  	s31 =	spop (v2sf);
	[tilespmem:s2+$0x0] =	vst v3  }
0xb5: {  	(v2sf) =	vpush v2, $0xE;
	v3 =	vld [tilespmem:s31+$0x0];
	_ =	sdelay $0x4  }
0xb6: {  	v3 =	vadd.f32 v1, v3;
	_ =	sdelay $0x1  }
0xb7: {  	s1 =	spop (v2sf);
	[tilespmem:s31+$0x0] =	vst v3  }
0xb8: {  	(v2sf) =	vpush v2, $0xF;
	v3 =	vld [tilespmem:s1+$0x0];
	_ =	sdelay $0x4  }
0xb9: {  	v2 =	vadd.f32 v1, v3;
	_ =	sdelay $0x1  }
0xba: {  	s2 =	spop (v2sf);
	[tilespmem:s1+$0x0] =	vst v2  }
0xbb: {  	v2 =	vld [tilespmem:s2+$0x0];
	_ =	sdelay $0x4  }
0xbc: {  	v2 =	vadd.f32 v1, v2;
	_ =	sdelay $0x1  }
0xbd: {  	s31 =	spop (v2sf);
	[tilespmem:s2+$0x0] =	vst v2  }
0xbe: {  	v2 =	vld [tilespmem:s31+$0x0];
	_ =	sdelay $0x4  }
0xbf: {  	v2 =	vadd.f32 v1, v2;
	_ =	sdelay $0x1  }
0xc0: {  	[tilespmem:s31+$0x0] =	vst v2  }
0xc1: {  	[spmem:s4] =	stream.strided.scatter [tilespmem:s26], [sflag:$0x1], $0x2880, s25, s24, $0x38;
	[tilespmem:$0x7D10] =	vst v63  }
0xc2: {  	_ =	swait.ge [sflag:s23], $0x2880  }
0xc3: {  	[sflag:s23] =	ssyncset.done $0x0  }
0xc4: {  	[sflag:s23] =	ssyncadd.s32 $0xFFFFD780  }
0xc5: {  	[bflag:$0x0] =	sbarrier.arrive $0xFFFF  }
0xc6: {  	[tilespmem:$0x5280] =	vst v0  }
0xc7: {  	[tilespmem:$0x5290] =	vst v0  }
0xc8: {  	[tilespmem:$0x52A0] =	vst v0  }
0xc9: {  	[tilespmem:$0x52B0] =	vst v0  }
0xca: {  	[tilespmem:$0x52C0] =	vst v0  }
0xcb: {  	[tilespmem:$0x52D0] =	vst v0  }
0xcc: {  	[tilespmem:$0x52E0] =	vst v0  }
0xcd: {  	[tilespmem:$0x52F0] =	vst v0  }
0xce: {  	[tilespmem:$0x5300] =	vst v0  }
0xcf: {  	[tilespmem:$0x5310] =	vst v0  }
0xd0: {  	[tilespmem:$0x5320] =	vst v0  }
0xd1: {  	[tilespmem:$0x5330] =	vst v0  }
0xd2: {  	[tilespmem:$0x5340] =	vst v0  }
0xd3: {  	[tilespmem:$0x5350] =	vst v0  }
0xd4: {  	[tilespmem:$0x5360] =	vst v0  }
0xd5: {  	[tilespmem:$0x5370] =	vst v0  }
0xd6: {  	[tilespmem:$0x5380] =	vst v0  }
0xd7: {  	[tilespmem:$0x5390] =	vst v0  }
0xd8: {  	[tilespmem:$0x53A0] =	vst v0  }
0xd9: {  	[tilespmem:$0x53B0] =	vst v0  }
0xda: {  	[tilespmem:$0x53C0] =	vst v0  }
0xdb: {  	[tilespmem:$0x53D0] =	vst v0  }
0xdc: {  	[tilespmem:$0x53E0] =	vst v0  }
0xdd: {  	[tilespmem:$0x53F0] =	vst v0  }
0xde: {  	[tilespmem:$0x5400] =	vst v0  }
0xdf: {  	[tilespmem:$0x5410] =	vst v0  }
0xe0: {  	[tilespmem:$0x5420] =	vst v0  }
0xe1: {  	[tilespmem:$0x5430] =	vst v0  }
0xe2: {  	[tilespmem:$0x5440] =	vst v0  }
0xe3: {  	[tilespmem:$0x5450] =	vst v0  }
0xe4: {  	[tilespmem:$0x5460] =	vst v0  }
0xe5: {  	[tilespmem:$0x5470] =	vst v0  }
0xe6: {  	[tilespmem:$0x5480] =	vst v0  }
0xe7: {  	[tilespmem:$0x5490] =	vst v0  }
0xe8: {  	[tilespmem:$0x54A0] =	vst v0  }
0xe9: {  	[tilespmem:$0x54B0] =	vst v0  }
0xea: {  	[tilespmem:$0x54C0] =	vst v0  }
0xeb: {  	[tilespmem:$0x54D0] =	vst v0  }
0xec: {  	[tilespmem:$0x54E0] =	vst v0  }
0xed: {  	[tilespmem:$0x54F0] =	vst v0  }
0xee: {  	[tilespmem:s28], [sflag:$0x1] =	stream.strided.gather [spmem:s5], $0x280, s25, s24, $0x38;
	[tilespmem:$0x7D10] =	vst v63  }
0xef: {  	_ =	swait.ge [sflag:s23], $0x280  }
0xf0: {  	[sflag:s23] =	ssyncset.done $0x0  }
0xf1: {  	s1 =	simm.s32 $0x0;
	[sflag:s23] =	ssyncadd.s32 $0xFFFFFD80  }
0xf2: {  	s0 =	simm.s32 $0x40;
	v2 =	vld [tilespmem:s1+$0x5000]  }
.LBB2_6:
0xf3: {  	p0 =	sne.s32 s0, $0x9C0;
	v3 =	vld [tilespmem:s1+$0x5280];
	_ =	sdelay $0x2  }
.Ltmp2:
0xf4: {  	(pc) =	sbr.rel @p0 .LBB2_6-.Ltmp2, $4  }
0xf5: {  	_ = 	snop  }
0xf6: {  	v3 =	vadd.f32 v2, v3  }
0xf7: {  	s2 =	sshra.s32 s0, $0x2  }
0xf8: {  	s0 =	sadd.s32 $0x40, s0;
	v2 =	vld [tilespmem:s2+$0x5000];
	[tilespmem:s1+$0x5280] =	vst v3;
	s1 =	smov.u32 s2  }
0xf9: {  	v3 =	vld [tilespmem:s1+$0x5280];
	_ =	sdelay $0x4  }
0xfa: {  	v2 =	vadd.f32 v2, v3;
	_ =	sdelay $0x1  }
0xfb: {  	[tilespmem:s1+$0x5280] =	vst v2  }
0xfc: {  	[tilespmem:s28], [sflag:$0x1] =	stream.strided.gather [spmem:s6], $0x280, s25, s24, $0x38;
	[tilespmem:$0x7D10] =	vst v63  }
0xfd: {  	_ =	swait.ge [sflag:s23], $0x280  }
0xfe: {  	[sflag:s23] =	ssyncset.done $0x0  }
0xff: {  	s1 =	simm.s32 $0x0;
	[sflag:s23] =	ssyncadd.s32 $0xFFFFFD80  }
0x100: {  	s0 =	simm.s32 $0x40;
	v2 =	vld [tilespmem:s1+$0x5000]  }
.LBB2_8:
0x101: {  	p0 =	sne.s32 s0, $0x9C0;
	v3 =	vld [tilespmem:s1+$0x5280];
	_ =	sdelay $0x2  }
.Ltmp3:
0x102: {  	(pc) =	sbr.rel @p0 .LBB2_8-.Ltmp3, $4  }
0x103: {  	_ = 	snop  }
0x104: {  	v3 =	vadd.f32 v2, v3  }
0x105: {  	s2 =	sshra.s32 s0, $0x2  }
0x106: {  	s0 =	sadd.s32 $0x40, s0;
	v2 =	vld [tilespmem:s2+$0x5000];
	[tilespmem:s1+$0x5280] =	vst v3;
	s1 =	smov.u32 s2  }
0x107: {  	v3 =	vld [tilespmem:s1+$0x5280];
	_ =	sdelay $0x4  }
0x108: {  	v2 =	vadd.f32 v2, v3;
	_ =	sdelay $0x1  }
0x109: {  	[tilespmem:s1+$0x5280] =	vst v2  }
0x10a: {  	[tilespmem:s28], [sflag:$0x1] =	stream.strided.gather [spmem:s7], $0x280, s25, s24, $0x38;
	[tilespmem:$0x7D10] =	vst v63  }
0x10b: {  	_ =	swait.ge [sflag:s23], $0x280  }
0x10c: {  	[sflag:s23] =	ssyncset.done $0x0  }
0x10d: {  	s1 =	simm.s32 $0x0;
	[sflag:s23] =	ssyncadd.s32 $0xFFFFFD80  }
0x10e: {  	s0 =	simm.s32 $0x40;
	v2 =	vld [tilespmem:s1+$0x5000]  }
.LBB2_10:
0x10f: {  	p0 =	sne.s32 s0, $0x9C0;
	v3 =	vld [tilespmem:s1+$0x5280];
	_ =	sdelay $0x2  }
.Ltmp4:
0x110: {  	(pc) =	sbr.rel @p0 .LBB2_10-.Ltmp4, $4  }
0x111: {  	_ = 	snop  }
0x112: {  	v3 =	vadd.f32 v2, v3  }
0x113: {  	s2 =	sshra.s32 s0, $0x2  }
0x114: {  	s0 =	sadd.s32 $0x40, s0;
	v2 =	vld [tilespmem:s2+$0x5000];
	[tilespmem:s1+$0x5280] =	vst v3;
	s1 =	smov.u32 s2  }
0x115: {  	v3 =	vld [tilespmem:s1+$0x5280];
	_ =	sdelay $0x4  }
0x116: {  	v2 =	vadd.f32 v2, v3;
	_ =	sdelay $0x1  }
0x117: {  	[tilespmem:s1+$0x5280] =	vst v2  }
0x118: {  	[tilespmem:s28], [sflag:$0x1] =	stream.strided.gather [spmem:s8], $0x280, s25, s24, $0x38;
	[tilespmem:$0x7D10] =	vst v63  }
0x119: {  	_ =	swait.ge [sflag:s23], $0x280  }
0x11a: {  	[sflag:s23] =	ssyncset.done $0x0  }
0x11b: {  	s1 =	simm.s32 $0x0;
	[sflag:s23] =	ssyncadd.s32 $0xFFFFFD80  }
0x11c: {  	s0 =	simm.s32 $0x40;
	v2 =	vld [tilespmem:s1+$0x5000]  }
.LBB2_12:
0x11d: {  	p0 =	sne.s32 s0, $0x9C0;
	v3 =	vld [tilespmem:s1+$0x5280];
	_ =	sdelay $0x2  }
.Ltmp5:
0x11e: {  	(pc) =	sbr.rel @p0 .LBB2_12-.Ltmp5, $4  }
0x11f: {  	_ = 	snop  }
0x120: {  	v3 =	vadd.f32 v2, v3  }
0x121: {  	s2 =	sshra.s32 s0, $0x2  }
0x122: {  	s0 =	sadd.s32 $0x40, s0;
	v2 =	vld [tilespmem:s2+$0x5000];
	[tilespmem:s1+$0x5280] =	vst v3;
	s1 =	smov.u32 s2  }
0x123: {  	v3 =	vld [tilespmem:s1+$0x5280];
	_ =	sdelay $0x4  }
0x124: {  	v2 =	vadd.f32 v2, v3;
	_ =	sdelay $0x1  }
0x125: {  	[tilespmem:s1+$0x5280] =	vst v2  }
0x126: {  	[tilespmem:s28], [sflag:$0x1] =	stream.strided.gather [spmem:s9], $0x280, s25, s24, $0x38;
	[tilespmem:$0x7D10] =	vst v63  }
0x127: {  	_ =	swait.ge [sflag:s23], $0x280  }
0x128: {  	[sflag:s23] =	ssyncset.done $0x0  }
0x129: {  	s1 =	simm.s32 $0x0;
	[sflag:s23] =	ssyncadd.s32 $0xFFFFFD80  }
0x12a: {  	s0 =	simm.s32 $0x40;
	v2 =	vld [tilespmem:s1+$0x5000]  }
.LBB2_14:
0x12b: {  	p0 =	sne.s32 s0, $0x9C0;
	v3 =	vld [tilespmem:s1+$0x5280];
	_ =	sdelay $0x2  }
.Ltmp6:
0x12c: {  	(pc) =	sbr.rel @p0 .LBB2_14-.Ltmp6, $4  }
0x12d: {  	_ = 	snop  }
0x12e: {  	v3 =	vadd.f32 v2, v3  }
0x12f: {  	s2 =	sshra.s32 s0, $0x2  }
0x130: {  	s0 =	sadd.s32 $0x40, s0;
	v2 =	vld [tilespmem:s2+$0x5000];
	[tilespmem:s1+$0x5280] =	vst v3;
	s1 =	smov.u32 s2  }
0x131: {  	v3 =	vld [tilespmem:s1+$0x5280];
	_ =	sdelay $0x4  }
0x132: {  	v2 =	vadd.f32 v2, v3;
	_ =	sdelay $0x1  }
0x133: {  	[tilespmem:s1+$0x5280] =	vst v2  }
0x134: {  	[tilespmem:s28], [sflag:$0x1] =	stream.strided.gather [spmem:s10], $0x280, s25, s24, $0x38;
	[tilespmem:$0x7D10] =	vst v63  }
0x135: {  	_ =	swait.ge [sflag:s23], $0x280  }
0x136: {  	[sflag:s23] =	ssyncset.done $0x0  }
0x137: {  	s1 =	simm.s32 $0x0;
	[sflag:s23] =	ssyncadd.s32 $0xFFFFFD80  }
0x138: {  	s0 =	simm.s32 $0x40;
	v2 =	vld [tilespmem:s1+$0x5000]  }
.LBB2_16:
0x139: {  	p0 =	sne.s32 s0, $0x9C0;
	v3 =	vld [tilespmem:s1+$0x5280];
	_ =	sdelay $0x2  }
.Ltmp7:
0x13a: {  	(pc) =	sbr.rel @p0 .LBB2_16-.Ltmp7, $4  }
0x13b: {  	_ = 	snop  }
0x13c: {  	v3 =	vadd.f32 v2, v3  }
0x13d: {  	s2 =	sshra.s32 s0, $0x2  }
0x13e: {  	s0 =	sadd.s32 $0x40, s0;
	v2 =	vld [tilespmem:s2+$0x5000];
	[tilespmem:s1+$0x5280] =	vst v3;
	s1 =	smov.u32 s2  }
0x13f: {  	v3 =	vld [tilespmem:s1+$0x5280];
	_ =	sdelay $0x4  }
0x140: {  	v2 =	vadd.f32 v2, v3;
	_ =	sdelay $0x1  }
0x141: {  	[tilespmem:s1+$0x5280] =	vst v2  }
0x142: {  	[tilespmem:s28], [sflag:$0x1] =	stream.strided.gather [spmem:s11], $0x280, s25, s24, $0x38;
	[tilespmem:$0x7D10] =	vst v63  }
0x143: {  	_ =	swait.ge [sflag:s23], $0x280  }
0x144: {  	[sflag:s23] =	ssyncset.done $0x0  }
0x145: {  	s1 =	simm.s32 $0x0;
	[sflag:s23] =	ssyncadd.s32 $0xFFFFFD80  }
0x146: {  	s0 =	simm.s32 $0x40;
	v2 =	vld [tilespmem:s1+$0x5000]  }
.LBB2_18:
0x147: {  	p0 =	sne.s32 s0, $0x9C0;
	v3 =	vld [tilespmem:s1+$0x5280];
	_ =	sdelay $0x2  }
.Ltmp8:
0x148: {  	(pc) =	sbr.rel @p0 .LBB2_18-.Ltmp8, $4  }
0x149: {  	_ = 	snop  }
0x14a: {  	v3 =	vadd.f32 v2, v3  }
0x14b: {  	s2 =	sshra.s32 s0, $0x2  }
0x14c: {  	s0 =	sadd.s32 $0x40, s0;
	v2 =	vld [tilespmem:s2+$0x5000];
	[tilespmem:s1+$0x5280] =	vst v3;
	s1 =	smov.u32 s2  }
0x14d: {  	v3 =	vld [tilespmem:s1+$0x5280];
	_ =	sdelay $0x4  }
0x14e: {  	v2 =	vadd.f32 v2, v3;
	_ =	sdelay $0x1  }
0x14f: {  	[tilespmem:s1+$0x5280] =	vst v2  }
0x150: {  	[tilespmem:s28], [sflag:$0x1] =	stream.strided.gather [spmem:s12], $0x280, s25, s24, $0x38;
	[tilespmem:$0x7D10] =	vst v63  }
0x151: {  	_ =	swait.ge [sflag:s23], $0x280  }
0x152: {  	[sflag:s23] =	ssyncset.done $0x0  }
0x153: {  	s1 =	simm.s32 $0x0;
	[sflag:s23] =	ssyncadd.s32 $0xFFFFFD80  }
0x154: {  	s0 =	simm.s32 $0x40;
	v2 =	vld [tilespmem:s1+$0x5000]  }
.LBB2_20:
0x155: {  	p0 =	sne.s32 s0, $0x9C0;
	v3 =	vld [tilespmem:s1+$0x5280];
	_ =	sdelay $0x2  }
.Ltmp9:
0x156: {  	(pc) =	sbr.rel @p0 .LBB2_20-.Ltmp9, $4  }
0x157: {  	_ = 	snop  }
0x158: {  	v3 =	vadd.f32 v2, v3  }
0x159: {  	s2 =	sshra.s32 s0, $0x2  }
0x15a: {  	s0 =	sadd.s32 $0x40, s0;
	v2 =	vld [tilespmem:s2+$0x5000];
	[tilespmem:s1+$0x5280] =	vst v3;
	s1 =	smov.u32 s2  }
0x15b: {  	v3 =	vld [tilespmem:s1+$0x5280];
	_ =	sdelay $0x4  }
0x15c: {  	v2 =	vadd.f32 v2, v3;
	_ =	sdelay $0x1  }
0x15d: {  	[tilespmem:s1+$0x5280] =	vst v2  }
0x15e: {  	[tilespmem:s28], [sflag:$0x1] =	stream.strided.gather [spmem:s13], $0x280, s25, s24, $0x38;
	[tilespmem:$0x7D10] =	vst v63  }
0x15f: {  	_ =	swait.ge [sflag:s23], $0x280  }
0x160: {  	[sflag:s23] =	ssyncset.done $0x0  }
0x161: {  	s1 =	simm.s32 $0x0;
	[sflag:s23] =	ssyncadd.s32 $0xFFFFFD80  }
0x162: {  	s0 =	simm.s32 $0x40;
	v2 =	vld [tilespmem:s1+$0x5000]  }
.LBB2_22:
0x163: {  	p0 =	sne.s32 s0, $0x9C0;
	v3 =	vld [tilespmem:s1+$0x5280];
	_ =	sdelay $0x2  }
.Ltmp10:
0x164: {  	(pc) =	sbr.rel @p0 .LBB2_22-.Ltmp10, $4  }
0x165: {  	_ = 	snop  }
0x166: {  	v3 =	vadd.f32 v2, v3  }
0x167: {  	s2 =	sshra.s32 s0, $0x2  }
0x168: {  	s0 =	sadd.s32 $0x40, s0;
	v2 =	vld [tilespmem:s2+$0x5000];
	[tilespmem:s1+$0x5280] =	vst v3;
	s1 =	smov.u32 s2  }
0x169: {  	v3 =	vld [tilespmem:s1+$0x5280];
	_ =	sdelay $0x4  }
0x16a: {  	v2 =	vadd.f32 v2, v3;
	_ =	sdelay $0x1  }
0x16b: {  	[tilespmem:s1+$0x5280] =	vst v2  }
0x16c: {  	[tilespmem:s28], [sflag:$0x1] =	stream.strided.gather [spmem:s14], $0x280, s25, s24, $0x38;
	[tilespmem:$0x7D10] =	vst v63  }
0x16d: {  	_ =	swait.ge [sflag:s23], $0x280  }
0x16e: {  	[sflag:s23] =	ssyncset.done $0x0  }
0x16f: {  	s1 =	simm.s32 $0x0;
	[sflag:s23] =	ssyncadd.s32 $0xFFFFFD80  }
0x170: {  	s0 =	simm.s32 $0x40;
	v2 =	vld [tilespmem:s1+$0x5000]  }
.LBB2_24:
0x171: {  	p0 =	sne.s32 s0, $0x9C0;
	v3 =	vld [tilespmem:s1+$0x5280];
	_ =	sdelay $0x2  }
.Ltmp11:
0x172: {  	(pc) =	sbr.rel @p0 .LBB2_24-.Ltmp11, $4  }
0x173: {  	_ = 	snop  }
0x174: {  	v3 =	vadd.f32 v2, v3  }
0x175: {  	s2 =	sshra.s32 s0, $0x2  }
0x176: {  	s0 =	sadd.s32 $0x40, s0;
	v2 =	vld [tilespmem:s2+$0x5000];
	[tilespmem:s1+$0x5280] =	vst v3;
	s1 =	smov.u32 s2  }
0x177: {  	v3 =	vld [tilespmem:s1+$0x5280];
	_ =	sdelay $0x4  }
0x178: {  	v2 =	vadd.f32 v2, v3;
	_ =	sdelay $0x1  }
0x179: {  	[tilespmem:s1+$0x5280] =	vst v2  }
0x17a: {  	[tilespmem:s28], [sflag:$0x1] =	stream.strided.gather [spmem:s15], $0x280, s25, s24, $0x38;
	[tilespmem:$0x7D10] =	vst v63  }
0x17b: {  	_ =	swait.ge [sflag:s23], $0x280  }
0x17c: {  	[sflag:s23] =	ssyncset.done $0x0  }
0x17d: {  	s1 =	simm.s32 $0x0;
	[sflag:s23] =	ssyncadd.s32 $0xFFFFFD80  }
0x17e: {  	s0 =	simm.s32 $0x40;
	v2 =	vld [tilespmem:s1+$0x5000]  }
.LBB2_26:
0x17f: {  	p0 =	sne.s32 s0, $0x9C0;
	v3 =	vld [tilespmem:s1+$0x5280];
	_ =	sdelay $0x2  }
.Ltmp12:
0x180: {  	(pc) =	sbr.rel @p0 .LBB2_26-.Ltmp12, $4  }
0x181: {  	_ = 	snop  }
0x182: {  	v3 =	vadd.f32 v2, v3  }
0x183: {  	s2 =	sshra.s32 s0, $0x2  }
0x184: {  	s0 =	sadd.s32 $0x40, s0;
	v2 =	vld [tilespmem:s2+$0x5000];
	[tilespmem:s1+$0x5280] =	vst v3;
	s1 =	smov.u32 s2  }
0x185: {  	v3 =	vld [tilespmem:s1+$0x5280];
	_ =	sdelay $0x4  }
0x186: {  	v2 =	vadd.f32 v2, v3;
	_ =	sdelay $0x1  }
0x187: {  	[tilespmem:s1+$0x5280] =	vst v2  }
0x188: {  	[tilespmem:s28], [sflag:$0x1] =	stream.strided.gather [spmem:s16], $0x280, s25, s24, $0x38;
	[tilespmem:$0x7D10] =	vst v63  }
0x189: {  	_ =	swait.ge [sflag:s23], $0x280  }
0x18a: {  	[sflag:s23] =	ssyncset.done $0x0  }
0x18b: {  	s1 =	simm.s32 $0x0;
	[sflag:s23] =	ssyncadd.s32 $0xFFFFFD80  }
0x18c: {  	s0 =	simm.s32 $0x40;
	v2 =	vld [tilespmem:s1+$0x5000]  }
.LBB2_28:
0x18d: {  	p0 =	sne.s32 s0, $0x9C0;
	v3 =	vld [tilespmem:s1+$0x5280];
	_ =	sdelay $0x2  }
.Ltmp13:
0x18e: {  	(pc) =	sbr.rel @p0 .LBB2_28-.Ltmp13, $4  }
0x18f: {  	_ = 	snop  }
0x190: {  	v3 =	vadd.f32 v2, v3  }
0x191: {  	s2 =	sshra.s32 s0, $0x2  }
0x192: {  	s0 =	sadd.s32 $0x40, s0;
	v2 =	vld [tilespmem:s2+$0x5000];
	[tilespmem:s1+$0x5280] =	vst v3;
	s1 =	smov.u32 s2  }
0x193: {  	v3 =	vld [tilespmem:s1+$0x5280];
	_ =	sdelay $0x4  }
0x194: {  	v2 =	vadd.f32 v2, v3;
	_ =	sdelay $0x1  }
0x195: {  	[tilespmem:s1+$0x5280] =	vst v2  }
0x196: {  	[tilespmem:s28], [sflag:$0x1] =	stream.strided.gather [spmem:s17], $0x280, s25, s24, $0x38;
	[tilespmem:$0x7D10] =	vst v63  }
0x197: {  	_ =	swait.ge [sflag:s23], $0x280  }
0x198: {  	[sflag:s23] =	ssyncset.done $0x0  }
0x199: {  	s1 =	simm.s32 $0x0;
	[sflag:s23] =	ssyncadd.s32 $0xFFFFFD80  }
0x19a: {  	s0 =	simm.s32 $0x40;
	v2 =	vld [tilespmem:s1+$0x5000]  }
.LBB2_30:
0x19b: {  	p0 =	sne.s32 s0, $0x9C0;
	v3 =	vld [tilespmem:s1+$0x5280];
	_ =	sdelay $0x2  }
.Ltmp14:
0x19c: {  	(pc) =	sbr.rel @p0 .LBB2_30-.Ltmp14, $4  }
0x19d: {  	_ = 	snop  }
0x19e: {  	v3 =	vadd.f32 v2, v3  }
0x19f: {  	s2 =	sshra.s32 s0, $0x2  }
0x1a0: {  	s0 =	sadd.s32 $0x40, s0;
	v2 =	vld [tilespmem:s2+$0x5000];
	[tilespmem:s1+$0x5280] =	vst v3;
	s1 =	smov.u32 s2  }
0x1a1: {  	v3 =	vld [tilespmem:s1+$0x5280];
	_ =	sdelay $0x4  }
0x1a2: {  	v2 =	vadd.f32 v2, v3;
	_ =	sdelay $0x1  }
0x1a3: {  	[tilespmem:s1+$0x5280] =	vst v2  }
0x1a4: {  	[tilespmem:s28], [sflag:$0x1] =	stream.strided.gather [spmem:s18], $0x280, s25, s24, $0x38;
	[tilespmem:$0x7D10] =	vst v63  }
0x1a5: {  	_ =	swait.ge [sflag:s23], $0x280  }
0x1a6: {  	[sflag:s23] =	ssyncset.done $0x0  }
0x1a7: {  	s1 =	simm.s32 $0x0;
	[sflag:s23] =	ssyncadd.s32 $0xFFFFFD80  }
0x1a8: {  	s0 =	simm.s32 $0x40;
	v2 =	vld [tilespmem:s1+$0x5000]  }
.LBB2_32:
0x1a9: {  	p0 =	sne.s32 s0, $0x9C0;
	v3 =	vld [tilespmem:s1+$0x5280];
	_ =	sdelay $0x2  }
.Ltmp15:
0x1aa: {  	(pc) =	sbr.rel @p0 .LBB2_32-.Ltmp15, $4  }
0x1ab: {  	_ = 	snop  }
0x1ac: {  	v3 =	vadd.f32 v2, v3  }
0x1ad: {  	s2 =	sshra.s32 s0, $0x2  }
0x1ae: {  	s0 =	sadd.s32 $0x40, s0;
	v2 =	vld [tilespmem:s2+$0x5000];
	[tilespmem:s1+$0x5280] =	vst v3;
	s1 =	smov.u32 s2  }
0x1af: {  	v3 =	vld [tilespmem:s1+$0x5280];
	_ =	sdelay $0x4  }
0x1b0: {  	v2 =	vadd.f32 v2, v3;
	_ =	sdelay $0x1  }
0x1b1: {  	[tilespmem:s1+$0x5280] =	vst v2  }
0x1b2: {  	[tilespmem:s28], [sflag:$0x1] =	stream.strided.gather [spmem:s19], $0x280, s25, s24, $0x38;
	[tilespmem:$0x7D10] =	vst v63  }
0x1b3: {  	_ =	swait.ge [sflag:s23], $0x280  }
0x1b4: {  	[sflag:s23] =	ssyncset.done $0x0  }
0x1b5: {  	s1 =	simm.s32 $0x0;
	[sflag:s23] =	ssyncadd.s32 $0xFFFFFD80  }
0x1b6: {  	s0 =	simm.s32 $0x40;
	v2 =	vld [tilespmem:s1+$0x5000]  }
.LBB2_34:
0x1b7: {  	p0 =	sne.s32 s0, $0x9C0;
	v3 =	vld [tilespmem:s1+$0x5280];
	_ =	sdelay $0x2  }
.Ltmp16:
0x1b8: {  	(pc) =	sbr.rel @p0 .LBB2_34-.Ltmp16, $4  }
0x1b9: {  	_ = 	snop  }
0x1ba: {  	v3 =	vadd.f32 v2, v3  }
0x1bb: {  	s2 =	sshra.s32 s0, $0x2  }
0x1bc: {  	s0 =	sadd.s32 $0x40, s0;
	v2 =	vld [tilespmem:s2+$0x5000];
	[tilespmem:s1+$0x5280] =	vst v3;
	s1 =	smov.u32 s2  }
0x1bd: {  	v3 =	vld [tilespmem:s1+$0x5280];
	_ =	sdelay $0x4  }
0x1be: {  	v2 =	vadd.f32 v2, v3;
	_ =	sdelay $0x1  }
0x1bf: {  	[tilespmem:s1+$0x5280] =	vst v2  }
0x1c0: {  	[tilespmem:s28], [sflag:$0x1] =	stream.strided.gather [spmem:s20], $0x280, s25, s24, $0x38;
	[tilespmem:$0x7D10] =	vst v63  }
0x1c1: {  	_ =	swait.ge [sflag:s23], $0x280  }
0x1c2: {  	[sflag:s23] =	ssyncset.done $0x0  }
0x1c3: {  	s1 =	simm.s32 $0x0;
	[sflag:s23] =	ssyncadd.s32 $0xFFFFFD80  }
0x1c4: {  	s0 =	simm.s32 $0x40;
	v2 =	vld [tilespmem:s1+$0x5000]  }
.LBB2_36:
0x1c5: {  	p0 =	sne.s32 s0, $0x9C0;
	v3 =	vld [tilespmem:s1+$0x5280];
	_ =	sdelay $0x2  }
.Ltmp17:
0x1c6: {  	(pc) =	sbr.rel @p0 .LBB2_36-.Ltmp17, $4  }
0x1c7: {  	_ = 	snop  }
0x1c8: {  	v3 =	vadd.f32 v2, v3  }
0x1c9: {  	s2 =	sshra.s32 s0, $0x2  }
0x1ca: {  	s0 =	sadd.s32 $0x40, s0;
	v2 =	vld [tilespmem:s2+$0x5000];
	[tilespmem:s1+$0x5280] =	vst v3;
	s1 =	smov.u32 s2  }
0x1cb: {  	v3 =	vld [tilespmem:s1+$0x5280];
	_ =	sdelay $0x4  }
0x1cc: {  	s30 =	sadd.s32 $0x1, s30;
	v2 =	vadd.f32 v2, v3  }
0x1cd: {  	p0 =	sne.s32 s30, s22  }
.Ltmp18:
0x1ce: {  	s0 =	simm.s32 $0x0;
	[tilespmem:s1+$0x5280] =	vst v2;
	(pc) =	sbr.rel @p0 .LBB2_1-.Ltmp18, $4  }
0x1cf: {  	[hbm4b:s21+s0] =	stream.linear.scatter [tilespmem:s29], [sflag:$0x1], $0x280, $0x38;
	[tilespmem:$0x7D10] =	vst v63  }
0x1d0: {  	_ =	swait.ge [sflag:s23], $0x280  }
0x1d1: {  	[sflag:s23] =	ssyncset.done $0x0  }
0x1d2: {  	[sflag:s23] =	ssyncadd.s32 $0xFFFFFD80  }
0x1d3: {  	_ =	sfence.sel $0x180000  }
0x1d4: {  	[bflag:$0x0] =	sbarrier.arrive $0xFFFF  }
0x1d5: {  	_ =	strace $0x90000047  }
0x1d6: {  	s0 =	stileid.u32;
	[bflag:$0x2] =	sbarrier.arrive $0xFFFF  }
0x1d7: {  	p0 =	sne.s32 s0, $0x0;
	s0 =	rddreg [dreg:$0x2]  }
0x1d8: {  	s0 =	sadd.s32 @!p0 $0x100000, s0  }
0x1d9: {  	[sflag:s0] =	ssyncadd.tile.s32 @!p0 $0x1;
	_ =	shalt  }
.Lfunc_end2:
_tile_overlayer_lowered:
.L_overlay_start_2:
0x1da: {  	(tag) =	ssettag $0x2  }
0x1db: {  	s0 =	rddreg [dreg:$0x0];
	s2 =	stileid.u32  }
0x1dc: {  	s1 =	rddreg [dreg:$0x1];
	p0 =	sne.s32 s2, $0x0  }
0x1dd: {  	s3 =	rddreg [dreg:$0x2];
	[bflag:$0x3] =	sbarrier.arrive $0xFFFF;
	s2 =	simm.s32 @!p0 $0x1C01  }
0x1de: {  	[timem:s3], [sflag:s2] =	dma.local @!p0 [hbm:s0], s1  }
0x1df: {  	s0 =	simm.s32 @!p0 $0x1  }
0x1e0: {  	_ =	swait.ge @!p0 [sflag:s0], s1  }
0x1e1: {  	s1 =	ssub.s32 @!p0 $0x0, s1;
	[sflag:s0] =	ssyncset.done @!p0 $0x0  }
0x1e2: {  	[sflag:s0] =	ssyncadd.s32 @!p0 s1  }
0x1e3: {  	[bflag:$0x3] =	sbarrier.arrive $0xFFFF  }
0x1e4: {  	_ =	shalt  }

// kernel: kernel.9.cloned.1.call-start
scs
__scs_entry_jumppad:
0x0: {  	(pc) =	sbr.rel $0x88, $3  }
0x1: {  	(tag) =	ssettag $0x0;
	lr =	simm.s32 $0x1  }
0x2: {  	[smem:$0x3F90] =	sst lr;
	_ =	strace $0xD0000000  }
0x3: {  	_ = 	snop  }
0x4: {  	_ = 	snop  }
0x5: {  	_ = 	snop  }
0x6: {  	_ = 	snop  }
0x7: {  	_ = 	snop  }
__scs_overlays_trampoline_lowered:
0x8: {  	[smem:$0x3F9F] =	sst s0  }
0x9: {  	[smem:$0x3FA0] =	sst s1  }
0xa: {  	[smem:$0x3FA1] =	sst s2  }
0xb: {  	[smem:$0x3FA2] =	sst s3  }
0xc: {  	[smem:$0x3FA3] =	sst s4  }
0xd: {  	[smem:$0x3FA4] =	sst s5  }
0xe: {  	[smem:$0x3FA5] =	sst s6  }
0xf: {  	[smem:$0x3FA6] =	sst s7  }
0x10: {  	[smem:$0x3FA7] =	sst s8  }
0x11: {  	[smem:$0x3FA8] =	sst s9;
	s0 =	simm.s32 @!p0 $0x0  }
0x12: {  	s1 =	sld [smem:$0x3F8E];
	s0 =	simm.s32 @p0 $0x1  }
0x13: {  	[smem:$0x3FA9] =	sst s0;
	s0 =	simm.s32 @!p1 $0x0  }
0x14: {  	s2 =	sld [smem:$0x3F8D];
	s0 =	simm.s32 @p1 $0x1  }
0x15: {  	[smem:$0x3FAA] =	sst s0;
	s0 =	simm.s32 @!p2 $0x0  }
0x16: {  	s3 =	sld [smem:$0x3FDB];
	s0 =	simm.s32 @p2 $0x1  }
0x17: {  	s4 =	simm.s32 $0x1BF5;
	[smem:$0x3FAC] =	sst s0  }
0x18: {  	s0 =	sld [smem:$0x3F8F];
	_ =	swait.ge [sflag:s4], $0x0  }
0x19: {  	s7 =	sld [smem:$0x3F90]  }
0x1a: {  	s8 =	sadd.s32 $0xFFFFE003, lr  }
0x1b: {  	s9 =	sadd.s32 $0xFFFFFEF7, lr;
	s5 =	simm.s32 $0xFFFFFFFF;
	p2 =	slt.u32 s8, $0xFFFFF086  }
0x1c: {  	p1 =	slt.u32 s9, $0xF7A;
	s5 =	simm.s32 @!p2 $0x0  }
0x1d: {  	s5 =	simm.s32 @p1 $0x1;
	p0 =	seq.s32 s7, s2  }
0x1e: {  	s7 =	smul.u32 @!p0 $0xF7A, s2;
	p2 =	seq.s32 @!p0 s5, $0x0  }
0x1f: {  	s9 =	smul.u32 $0xF7A, s1;
	s8 =	simm.s32 @!p0 $0x1BF5;
	p2 =	por !p2, p0  }
0x20: {  	[sflag:s8] =	ssyncset.s32 @!p0 $0xFFFFF086;
	s6 =	sadd.s32 @!p0 s3, s7;
	s7 =	simm.s32 @!p0 $0x108  }
0x21: {  	s3 =	sadd.s32 s3, s9;
	s6 =	sadd.s32 @!p0 $0x88, s6;
	s7 =	simm.s32 @p2 $0x1082  }
0x22: {  	[simem:s7], [sflag:s8] =	dma.local @!p0 [hbm:s6], $0xF7A  }
0x23: {  	s9 =	sor.u32 $0xD0000000, s2;
	s6 =	simm.s32 $0x108;
	_ =	swait.ge @!p0 [sflag:s8], $0x0  }
0x24: {  	s3 =	sadd.s32 $0x88, s3;
	s6 =	simm.s32 @!p1 $0x1082;
	[sflag:s4] =	ssyncset.s32 $0xFFFFF086  }
0x25: {  	[simem:s6], [sflag:s4] =	dma.local [hbm:s3], $0xF7A  }
0x26: {  	[smem:$0x3F90] =	sst s1;
	(tag) =	ssettag s2;
	_ =	strace s9  }
0x27: {  	s1 =	sld [smem:$0x3FA0]  }
0x28: {  	s2 =	sld [smem:$0x3FA1]  }
0x29: {  	s4 =	sld [smem:$0x3FA3]  }
0x2a: {  	p0 =	seq.s32 s5, $0x0;
	s5 =	sld [smem:$0x3FA4]  }
0x2b: {  	s6 =	sld [smem:$0x3FA5]  }
0x2c: {  	s7 =	sld [smem:$0x3FA6]  }
0x2d: {  	s3 =	simm.s32 $0x108;
	s8 =	sld [smem:$0x3FA7]  }
0x2e: {  	s3 =	simm.s32 @!p0 $0x1082;
	s9 =	sld [smem:$0x3FA8]  }
0x2f: {  	lr =	sadd.s32 s0, s3;
	s0 =	sld [smem:$0x3F9F]  }
0x30: {  	s3 =	sld [smem:$0x3FA2]  }
0x31: {  	[smem:$0x3FAB] =	sst s10  }
0x32: {  	s10 =	sld [smem:$0x3FA9];
	_ =	sdelay $0x3  }
0x33: {  	p0 =	seq.s32 s10, $0x1;
	s10 =	sld [smem:$0x3FAB];
	_ =	sdelay $0x3  }
0x34: {  	[smem:$0x3FAB] =	sst s10  }
0x35: {  	s10 =	sld [smem:$0x3FAA];
	_ =	sdelay $0x3  }
0x36: {  	p1 =	seq.s32 s10, $0x1;
	s10 =	sld [smem:$0x3FAB];
	_ =	sdelay $0x3  }
0x37: {  	[smem:$0x3FAB] =	sst s10  }
0x38: {  	s10 =	sld [smem:$0x3FAC]  }
0x39: {  	_ = 	snop;
	(pc) =	sbr.ind lr, $3  }
0x3a: {  	_ = 	snop  }
0x3b: {  	_ = 	snop  }
0x3c: {  	p2 =	seq.s32 s10, $0x1;
	s10 =	sld [smem:$0x3FAB]  }
0x3d: {  	_ =	shalt  }
0x3e: {  	_ =	shalt  }
0x3f: {  	_ =	shalt  }
0x40: {  	_ =	shalt  }
0x41: {  	_ =	shalt  }
0x42: {  	_ =	shalt  }
0x43: {  	_ =	shalt  }
0x44: {  	_ =	shalt  }
0x45: {  	_ =	shalt  }
0x46: {  	_ =	shalt  }
0x47: {  	_ =	shalt  }
0x48: {  	_ =	shalt  }
0x49: {  	_ =	shalt  }
0x4a: {  	_ =	shalt  }
0x4b: {  	_ =	shalt  }
0x4c: {  	_ =	shalt  }
0x4d: {  	_ =	shalt  }
0x4e: {  	_ =	shalt  }
0x4f: {  	_ =	shalt  }
0x50: {  	_ =	shalt  }
0x51: {  	_ =	shalt  }
0x52: {  	_ =	shalt  }
0x53: {  	_ =	shalt  }
0x54: {  	_ =	shalt  }
0x55: {  	_ =	shalt  }
0x56: {  	_ =	shalt  }
0x57: {  	_ =	shalt  }
0x58: {  	_ =	shalt  }
0x59: {  	_ =	shalt  }
0x5a: {  	_ =	shalt  }
0x5b: {  	_ =	shalt  }
0x5c: {  	_ =	shalt  }
0x5d: {  	_ =	shalt  }
0x5e: {  	_ =	shalt  }
0x5f: {  	_ =	shalt  }
0x60: {  	_ =	shalt  }
0x61: {  	_ =	shalt  }
0x62: {  	_ =	shalt  }
0x63: {  	_ =	shalt  }
0x64: {  	_ =	shalt  }
0x65: {  	_ =	shalt  }
0x66: {  	_ =	shalt  }
0x67: {  	_ =	shalt  }
0x68: {  	_ =	shalt  }
0x69: {  	_ =	shalt  }
0x6a: {  	_ =	shalt  }
0x6b: {  	_ =	shalt  }
0x6c: {  	_ =	shalt  }
0x6d: {  	_ =	shalt  }
0x6e: {  	_ =	shalt  }
0x6f: {  	_ =	shalt  }
0x70: {  	_ =	shalt  }
0x71: {  	_ =	shalt  }
0x72: {  	_ =	shalt  }
0x73: {  	_ =	shalt  }
0x74: {  	_ =	shalt  }
0x75: {  	_ =	shalt  }
0x76: {  	_ =	shalt  }
0x77: {  	_ =	shalt  }
0x78: {  	_ =	shalt  }
0x79: {  	_ =	shalt  }
0x7a: {  	_ =	shalt  }
0x7b: {  	_ =	shalt  }
0x7c: {  	_ =	shalt  }
0x7d: {  	_ =	shalt  }
0x7e: {  	_ =	shalt  }
0x7f: {  	_ =	shalt  }
0x80: {  	_ =	shalt  }
0x81: {  	_ =	shalt  }
0x82: {  	_ =	shalt  }
0x83: {  	_ =	shalt  }
0x84: {  	_ =	shalt  }
0x85: {  	_ =	shalt  }
0x86: {  	_ =	shalt  }
0x87: {  	_ =	shalt  }
.Lfunc_end0:
.L_simem_size_0:
called_computation.1_lowered:
.L_overlay_start_0:
0x88: {  	s2 =	sld [smem:$0x3FD9]  }
0x89: {  	s3 =	sld [smem:$0x3FFE];
	_ =	sdelay $0x1  }
0x8a: {  	s1 =	srdreg.scid  }
0x8b: {  	s0 =	sand.u32 $0x1, s1  }
0x8c: {  	s17 =	sshll.u32 s0, $0xA;
	s2 =	sadd.s32 s3, s2  }
0x8d: {  	s2 =	sadd.s32 s2, s17  }
0x8e: {  	[smem:$0x3FB7] =	sst s2  }
0x8f: {  	_ = 	snop  }
0x90: {  	s2 =	sld [smem:$0x3FD0];
	(tm) =	ssettm $0x1  }
0x91: {  	s18 =	sld [smem:$0x3FFB];
	_ =	sdelay $0x3  }
0x92: {  	_ =	strace s18  }
0x93: {  	s3 =	sld [smem:$0x3FFC];
	_ =	sdelay $0x3  }
0x94: {  	_ =	strace s3  }
0x95: {  	s3 =	sld [smem:$0x3FFD];
	_ =	sdelay $0x3  }
0x96: {  	_ =	strace s3  }
0x97: {  	_ =	strace $0x8FFFFFFF  }
0x98: {  	s19 =	sld [smem:$0x3FDB];
	_ =	sdelay $0x1  }
0x99: {  	s4 =	simm.s32 $_scs_section_size  }
0x9a: {  	s5 =	simm.s32 $_size__tile_overlayer_lowered;
	s6 =	simm.s32 $_tile_overlayer_lowered  }
0x9b: {  	s22 =	simm.s32 $0x1BFF;
	s21 =	sshll.u32 s6, $0x1;
	s3 =	sadd.s32 s4, s19  }
0x9c: {  	s7 =	simm.s32 $0x0;
	s20 =	sshll.u32 s5, $0x1;
	s5 =	sadd.s32 s21, s3  }
0x9d: {  	[timem:s7], [sflag:s22] =	dma.local [hbm:s5], s20  }
0x9e: {  	_ =	swait.ge [sflag:s22], s20  }
0x9f: {  	s4 =	ssub.s32 $0x0, s20;
	[sflag:s22] =	ssyncset.done $0x0  }
0xa0: {  	[sflag:s22] =	ssyncadd.s32 s4;
	_ =	sdelay $0x1  }
0xa1: {  	s23 =	simm.s32 $0x1B8B  }
0xa2: {  	_ =	swait.ge [sflag:s23], $0x1  }
0xa3: {  	[sflag:s23] =	ssyncset.done $0x0  }
0xa4: {  	s25 =	simm.s32 $0x1B8E;
	s24 =	sld [smem:$0x3FFE];
	[sflag:s23] =	ssyncadd.s32 $0xFFFFFFFF  }
0xa5: {  	s26 =	simm.s32 $execute0_lowered;
	[smem:$0x3FD2] =	sst s25  }
0xa6: {  	s5 =	sshll.u32 s26, $0x1;
	_ =	strace $0x80000049;
	[dreg:$0x1] =	wrdreg $0xFFFFFFFF  }
0xa7: {  	s28 =	simm.s32 $_size_execute0_lowered;
	s3 =	sadd.s32 s3, s5;
	[dreg:$0x0] =	wrdreg $0x0  }
0xa8: {  	s5 =	sshll.u32 s28, $0x1;
	[dreg:$0x2] =	wrdreg s3  }
0xa9: {  	[dreg:$0x3] =	wrdreg s5  }
0xaa: {  	[dreg:$0x4] =	wrdreg $0xC0  }
0xab: {  	_ =	task [dreg:s7], $0x5FFFF  }
0xac: {  	[dreg:$0x1] =	wrdreg $0xFFFFFFFF  }
0xad: {  	[dreg:$0x0] =	wrdreg $0x60  }
0xae: {  	[dreg:$0x2] =	wrdreg s2  }
0xaf: {  	[dreg:$0x3] =	wrdreg s24  }
0xb0: {  	[dreg:$0x4] =	wrdreg $0x9  }
0xb1: {  	_ =	task.clear_ibuf [dreg:s7], $0x5FFFF;
	_ =	strace $0x90000049  }
0xb2: {  	s29 =	simm.s32 $0x9;
	_ =	strace $0x8000004B  }
0xb3: {  	_ =	swait.ge [sflag:s29], $0x1  }
0xb4: {  	[sflag:s29] =	ssyncadd.s32 $0xFFFFFFFF  }
0xb5: {  	_ =	strace $0x9000004B  }
0xb6: {  	_ =	sfence  }
0xb7: {  	s30 =	sld [smem:$0x0];
	_ =	sdelay $0x2  }
0xb8: {  	s31 =	sshll.u32 s1, $0xD;
	s1 =	sshrl.u32 s1, $0x2  }
0xb9: {  	s3 =	sand.u32 $0x4000, s31;
	s1 =	sadd.s32 s1, s30  }
0xba: {  	s0 =	sor.u32 s3, s0;
	s1 =	sshll.u32 s1, $0x11  }
0xbb: {  	s0 =	sor.u32 s1, s0  }
0xbc: {  	s0 =	sadd.s32 $0x8F2B, s0  }
0xbd: {  	[sflag:s0] =	ssyncadd.remote.s32 $0x1  }
0xbe: {  	_ =	sfence.sel $0xFFFF  }
0xbf: {  	[dreg:$0x0] =	wrdreg $0xFFFFFFFF;
	(pc) =	sbr.abs _section_cstart, $3  }
0xc0: {  	[dreg:$0x1] =	wrdreg $0xFFFFFFFF  }
0xc1: {  	_ =	task.clear_ibuf [dreg:s7], $0x2FFFF;
	_ =	strace $0x9FFFFFFF  }
0xc2: {  	(tm) =	ssettm $0x7FFFFFFF  }
0xc3: {  	_ =	shalt  }
tec
execute0_lowered:
.L_overlay_start_1:
0x0: {  	(tag) =	ssettag $0x1  }
0x1: {  	s1 =	srdreg.scid;
	s0 =	stileid.u32  }
0x2: {  	s2 =	rddreg [dreg:$0x0];
	s6 =	sand.u32 $0x1, s1;
	s4 =	sshll.u32 s0, $0x1  }
0x3: {  	s5 =	rddreg [dreg:$0x1];
	s3 =	simm.s32 $0x0;
	s7 =	sor.u32 s6, s4  }
0x4: {  	s12 =	simm.s32 $0x1D80;
	s13 =	simm.s32 $0x15D80;
	s8 =	smul.u32 $0x2800, s7  }
0x5: {  	s14 =	simm.s32 $0x0;
	s1 =	rddreg [dreg:$0x2];
	s9 =	smul.u32 $0x140, s7  }
0x6: {  	[smem:$0x7FF] =	sst s3;
	s6 =	ssub.s32 $0x2, s6;
	s7 =	smul.u32 $0x1400, s7  }
.Ltmp0:
0x7: {  	_ =	strace $0x8000004A;
	s10 =	sshrl.u32 s6, $0x1;
	(pc) =	sbr.rel .LBB2_1-.Ltmp0, $4  }
0x8: {  	v2 =	vimm.f32 $0.0e+00;
	v3 =	vimm.f32 $-Inf;
	s4 =	sadd.s32 $0x35C00, s5;
	s10 =	ssub.s32 s6, s10;
	s8 =	sadd.s32 s8, s5  }
0x9: {  	v7 =	vlaneseq.u32;
	v4 =	vimm.s32 $0x0;
	s11 =	sadd.s32 $0x140, s9;
	s7 =	sadd.s32 s7, s5;
	v0 =	vmov s9;
	s9 =	simm.s32 $0x1  }
0xa: {  	vm0 =	vmmov $0xffff;
	v5 =	vand.u32 $0x7, v7;
	v6 =	vshrl.u32 v7, $0x3;
	s5 =	sadd.s32 $0x85C00, s8;
	s6 =	sadd.s32 $0x3400, s7;
	s7 =	smax.u32 s10, $0x1  }
0xb: {  	v7 =	vor.u32 $0x8, v7;
	v6 =	vmul.u32 $0x8, v6;
	v1 =	vmov s11;
	s8 =	simm.s32 $0x2;
	s10 =	simm.s32 $0xD80;
	s11 =	simm.s32 $0x1580  }
.LBB2_15:
0xc: {  	[hbm4b:s5+s3] =	stream.linear.scatter [tilespmem:s12], [sflag:$0x2], $0x14000, $0x38;
	[tilespmem:$0x1FD80] =	vst v63  }
0xd: {  	s14 =	sadd.s32 $0x1, s14;
	_ =	swait.ge [sflag:s8], $0x14000  }
0xe: {  	p0 =	sne.s32 s14, s7;
	[sflag:s8] =	ssyncset.done $0x0  }
.Ltmp1:
0xf: {  	[sflag:s8] =	ssyncadd.s32 $0xFFFEC000;
	(pc) =	sbr.rel @!p0 .LBB2_16-.Ltmp1, $4  }
0x10: {  	[hbm4b:s6+s3] =	stream.linear.scatter [tilespmem:s13], [sflag:$0x2], $0xA000, $0x38;
	[tilespmem:$0x1FD80] =	vst v63  }
0x11: {  	_ =	swait.ge [sflag:s8], $0xA000  }
0x12: {  	[sflag:s8] =	ssyncset.done $0x0  }
0x13: {  	[sflag:s8] =	ssyncadd.s32 $0xFFFF6000  }
.LBB2_1:
0x14: {  	s15 =	simm.s32 $0x40;
	s16 =	simm.s32 $0x0  }
.LBB2_2:
0x15: {  	p0 =	sne.s32 s15, $0x4FFC0;
	[tilespmem:s16+$0x1D80] =	vst v2;
	s16 =	smov.u32 s15;
	s15 =	sadd.s32 $0x40, s15  }
.Ltmp2:
0x16: {  	(pc) =	sbr.rel @p0 .LBB2_2-.Ltmp2, $2  }
0x17: {  	_ =	sdelay $0x2  }
0x18: {  	s16 =	sshra.s32 s16, $0x2  }
0x19: {  	[tilespmem:s16+$0x1D80] =	vst v2;
	s15 =	simm.s32 $0x0;
	s16 =	simm.s32 $0x40;
	s17 =	simm.s32 $0x0  }
.LBB2_4:
0x1a: {  	p0 =	sne.s32 s16, $0x27FC0;
	[tilespmem:s17+$0x15D80] =	vst v3;
	s17 =	smov.u32 s16;
	s16 =	sadd.s32 $0x40, s16  }
.Ltmp3:
0x1b: {  	(pc) =	sbr.rel @p0 .LBB2_4-.Ltmp3, $2  }
0x1c: {  	_ =	sdelay $0x2  }
0x1d: {  	s17 =	sshra.s32 s17, $0x2  }
.Ltmp4:
0x1e: {  	(pc) =	sbr.rel .LBB2_6-.Ltmp4, $2  }
0x1f: {  	_ =	sdelay $0x2  }
0x20: {  	[tilespmem:s17+$0x15D80] =	vst v3  }
.LBB2_14:
0x21: {  	s15 =	sadd.s32 $0x1, s15  }
0x22: {  	p0 =	sne.s32 s15, $0x190  }
.Ltmp5:
0x23: {  	_ = 	snop;
	(pc) =	sbr.rel @!p0 .LBB2_15-.Ltmp5, $1  }
0x24: {  	_ =	sdelay $0x3  }
.LBB2_6:
0x25: {  	s16 =	smul.u32 $0xC8, s15;
	_ =	sdelay $0x1  }
0x26: {  	s18 =	simm.s32 $0x0;
	s16 =	sadd.s32 s2, s16  }
0x27: {  	[tilespmem:s18], [sflag:$0x2] =	stream.linear.gather [hbm4b:s16+s18], $0x640, $0x38;
	[tilespmem:$0x1FD80] =	vst v63  }
0x28: {  	_ =	swait.ge [sflag:s8], $0x640  }
0x29: {  	[sflag:s8] =	ssyncset.done $0x0  }
0x2a: {  	s30 =	simm.s32 $0x0;
	[sflag:s8] =	ssyncadd.s32 $0xFFFFF9C0  }
0x2b: {  	v8 =	vld [tilespmem:s30+$0x320];
	_ =	sdelay $0x4  }
0x2c: {  	vm1 =	vge.s32 v8, v0;
	vm2 =	vlt.s32 v8, v1  }
0x2d: {  	vm1 =	vmand vm1, vm2  }
0x2e: {  	v9 =	vsel vm1, $0x1, v4  }
0x2f: {  	(xrf0) =	vadd.scan.msk.s32 $0xffff, v9;
	_ =	sdelay $0x5  }
0x30: {  	v10, _, _ =	vpop (xrf0)  }
0x31: {  	(v2sf) =	vpush v10, $0xF;
	_ =	sdelay $0xe  }
0x32: {  	s31 =	spop (v2sf)  }
0x33: {  	p1 =	slt.s32 s31, $0x1  }
0x34: {  	s17 =	simm.s32 @!p1 $0x0  }
0x35: {  	v10 =	vld @!p1 [tilespmem:s17+$0x0];
	_ =	sdelay $0x4  }
0x36: {  	v8 =	vsub.s32 @!p1 v8, v0;
	v10 =	vshll.u32 @!p1 v10, $0xA  }
0x37: {  	v8 =	vadd.s32 @!p1 v10, v8  }
0x38: {  	v9 =	vxor.u32 @!p1 $0x80000001, v9;
	v8 =	vnsel @!p1 vm1, $0x0, v8  }
0x39: {  	(xrf1) =	vsort.ascd.msk.u32 @!p1 $0xffff, v9, v8;
	_ =	sdelay $0xd  }
0x3a: {  	_, v8, _ =	vpop @!p1 (xrf1)  }
0x3b: {  	s16 =	sadd.s32 $0x0, s31;
	s17 =	simm.s32 $0x40;
	v9 =	vshra.s32 @!p1 v8, $0xA;
	v8 =	vand.u32 @!p1 $0x3FF, v8  }
.LBB2_7:
0x3c: {  	[tilespmem:s18+$0x680] =	vst @!p1 v9;
	s19 =	smov.u32 s17;
	s17 =	sadd.s32 $0x40, s17  }
0x3d: {  	s20 =	sshra.s32 s19, $0x2;
	p0 =	sne.s32 s17, $0xC80;
	[tilespmem:s18+$0xA00] =	vst @!p1 v8;
	s18 =	smov.u32 s16  }
0x3e: {  	v8 =	vld [tilespmem:s20+$0x320];
	_ =	sdelay $0x4  }
0x3f: {  	vm1 =	vge.s32 v8, v0;
	vm2 =	vlt.s32 v8, v1  }
0x40: {  	vm1 =	vmand vm1, vm2  }
0x41: {  	v9 =	vsel vm1, $0x1, v4  }
0x42: {  	(xrf0) =	vadd.scan.msk.s32 $0xffff, v9;
	_ =	sdelay $0x5  }
0x43: {  	v10, _, _ =	vpop (xrf0)  }
0x44: {  	(v2sf) =	vpush v10, $0xF;
	_ =	sdelay $0xe  }
0x45: {  	s20 =	spop (v2sf)  }
0x46: {  	p1 =	slt.s32 s20, $0x1;
	s16 =	sadd.s32 s16, s20  }
0x47: {  	s19 =	sshra.s32 @!p1 s19, $0x2;
	v8 =	vsub.s32 @!p1 v8, v0;
	v9 =	vxor.u32 @!p1 $0x80000001, v9  }
0x48: {  	v10 =	vld @!p1 [tilespmem:s19+$0x0];
	_ =	sdelay $0x4  }
0x49: {  	v10 =	vshll.u32 @!p1 v10, $0xA  }
0x4a: {  	v8 =	vadd.s32 @!p1 v10, v8  }
0x4b: {  	v8 =	vnsel @!p1 vm1, $0x0, v8  }
0x4c: {  	(xrf1) =	vsort.ascd.msk.u32 @!p1 $0xffff, v9, v8;
	_ =	sdelay $0xa  }
.Ltmp6:
0x4d: {  	(pc) =	sbr.rel @p0 .LBB2_7-.Ltmp6, $3  }
0x4e: {  	_ =	sdelay $0x1  }
0x4f: {  	_, v8, _ =	vpop @!p1 (xrf1)  }
0x50: {  	v9 =	vshra.s32 @!p1 v8, $0xA;
	v8 =	vand.u32 @!p1 $0x3FF, v8  }
0x51: {  	s17 =	sadd.s32 $0xF, s16  }
0x52: {  	s19 =	sand.u32 $0xF, s17  }
0x53: {  	s20 =	sshra.s32 s17, $0x1F;
	p0 =	slt.s32 s17, $0x1;
	p2 =	sne.s32 s19, $0x0  }
0x54: {  	s31 =	sshrl.u32 s20, $0x1C;
	p0 =	por !p0, !p2  }
0x55: {  	s19 =	simm.s32 $0x1;
	s17 =	sadd.s32 s31, s17;
	p0 =	por !p0, !p0  }
0x56: {  	s17 =	sshra.s32 s17, $0x4;
	s19 =	simm.s32 @!p0 $0x0  }
0x57: {  	s17 =	ssub.s32 s17, s19  }
0x58: {  	p0 =	slt.s32 s17, $0x1  }
.Ltmp7:
0x59: {  	_ = 	snop;
	(pc) =	sbr.rel @!p0 .LBB2_9-.Ltmp7, $4  }
.Ltmp8:
0x5a: {  	_ = 	snop;
	(pc) =	sbr.rel @p0 .LBB2_14-.Ltmp8, $4  }
0x5b: {  	[tilespmem:s18+$0x680] =	vst @!p1 v9  }
0x5c: {  	[tilespmem:s18+$0xA00] =	vst @!p1 v8;
	s18 =	simm.s32 $0x0  }
0x5d: {  	s21 =	simm.s32 $0x0;
	s20 =	smov.u32 s16;
	s19 =	simm.s32 $0xA00  }
0x5e: {  	_ = 	snop  }
.LBB2_12:
0x5f: {  	[tilespmem:s22+$0x1E70] =	vst.add.f32.msk $0xffff, v8  }
.LBB2_13:
0x60: {  	s21 =	sadd.s32 $0x1, s21  }
0x61: {  	p0 =	sne.s32 s21, s17  }
.Ltmp9:
0x62: {  	_ = 	snop;
	(pc) =	sbr.rel @!p0 .LBB2_14-.Ltmp9, $2  }
0x63: {  	_ =	sdelay $0x2  }
0x64: {  	s20 =	sadd.s32 $0xFFFFFFF0, s20;
	s19 =	sadd.s32 $0x10, s19  }
.LBB2_9:
0x65: {  	s22 =	sshll.u32 s21, $0x4  }
0x66: {  	v8 =	vld [tilespmem:s22+$0x680];
	_ =	sdelay $0x4  }
0x67: {  	v9 =	vshll.u32 v8, $0x1  }
0x68: {  	v8 =	vand.u32 $0x7, v8;
	v9 =	vand.u32 $0xFFFFFFF0, v9  }
0x69: {  	v8 =	vor.u32 v8, v9  }
0x6a: {  	v9 =	vperm.xlane v8, v5;
	_ =	sdelay $0x1  }
0x6b: {  	v8 =	vperm.xlane v8, v7;
	v9 =	vadd.s32 v6, v9;
	_ =	sdelay $0x1  }
0x6c: {  	v8 =	vadd.s32 v6, v8  }
0x6d: {  	s22 =	ssub.s32 s16, s22  }
0x6e: {  	p0 =	slt.s32 s22, $0x1  }
0x6f: {  	[tilespmem:s10], [sflag:$0x1] =	stream.indirect_vreg.gather [hbm4b:s4+s18], $0x80, v9, vm0, $0xb8;
	[tilespmem:$0x1FD80] =	vst v63  }
.Ltmp10:
0x70: {  	_ = 	snop;
	(pc) =	sbr.rel @p0 .LBB2_13-.Ltmp10, $4  }
0x71: {  	[tilespmem:s11], [sflag:$0x1] =	stream.indirect_vreg.gather [hbm4b:s4+s18], $0x80, v8, vm0, $0xb8;
	[tilespmem:$0x1FD80] =	vst v63  }
0x72: {  	_ =	swait.ge [sflag:s9], $0x1000  }
0x73: {  	[sflag:s9] =	ssyncset.done $0x0  }
0x74: {  	[sflag:s9] =	ssyncadd.s32 $0xFFFFF000  }
0x75: {  	v8 =	vld [tilespmem:s19+$0x0];
	_ =	sdelay $0x4  }
0x76: {  	(v2sf) =	vpush v8, $0x0;
	_ =	sdelay $0xa  }
0x77: {  	s22 =	sand.u32 $0xFFFFF800, s18;
	s23 =	sand.u32 $0x380, s18  }
0x78: {  	s25 =	sor.u32 s23, s22  }
0x79: {  	v8 =	vld [tilespmem:s25+$0xD80];
	_ =	sdelay $0x1  }
0x7a: {  	s29 =	spop (v2sf)  }
0x7b: {  	s30 =	sshll.u32 s29, $0xA  }
0x7c: {  	s24 =	sshll.u32 s29, $0x9;
	s22 =	sshra.s32 s30, $0x2  }
0x7d: {  	s31 =	sshra.s32 s24, $0x2;
	[tilespmem:s22+$0x1D80] =	vst.add.f32.msk $0xffff, v8  }
0x7e: {  	v9 =	vld [tilespmem:s31+$0x15D80];
	_ =	sdelay $0x4  }
0x7f: {  	v8 =	vmax.f32 v9, v8  }
0x80: {  	[tilespmem:s31+$0x15D80] =	vst v8  }
0x81: {  	v8 =	vld [tilespmem:s25+$0xD90];
	_ =	sdelay $0x4  }
0x82: {  	[tilespmem:s22+$0x1D90] =	vst.add.f32.msk $0xffff, v8  }
0x83: {  	v9 =	vld [tilespmem:s31+$0x15D90];
	_ =	sdelay $0x4  }
0x84: {  	v8 =	vmax.f32 v9, v8  }
0x85: {  	[tilespmem:s31+$0x15D90] =	vst v8  }
0x86: {  	v8 =	vld [tilespmem:s25+$0xDA0];
	_ =	sdelay $0x4  }
0x87: {  	[tilespmem:s22+$0x1DA0] =	vst.add.f32.msk $0xffff, v8  }
0x88: {  	v9 =	vld [tilespmem:s31+$0x15DA0];
	_ =	sdelay $0x4  }
0x89: {  	v8 =	vmax.f32 v9, v8  }
0x8a: {  	[tilespmem:s31+$0x15DA0] =	vst v8  }
0x8b: {  	v8 =	vld [tilespmem:s25+$0xDB0];
	_ =	sdelay $0x4  }
0x8c: {  	[tilespmem:s22+$0x1DB0] =	vst.add.f32.msk $0xffff, v8  }
0x8d: {  	v9 =	vld [tilespmem:s31+$0x15DB0];
	_ =	sdelay $0x4  }
0x8e: {  	v8 =	vmax.f32 v9, v8  }
0x8f: {  	[tilespmem:s31+$0x15DB0] =	vst v8  }
0x90: {  	v8 =	vld [tilespmem:s25+$0xDC0];
	_ =	sdelay $0x4  }
0x91: {  	[tilespmem:s22+$0x1DC0] =	vst.add.f32.msk $0xffff, v8  }
0x92: {  	v9 =	vld [tilespmem:s31+$0x15DC0];
	_ =	sdelay $0x4  }
0x93: {  	v8 =	vmax.f32 v9, v8  }
0x94: {  	[tilespmem:s31+$0x15DC0] =	vst v8  }
0x95: {  	v8 =	vld [tilespmem:s25+$0xDD0];
	_ =	sdelay $0x4  }
0x96: {  	[tilespmem:s22+$0x1DD0] =	vst.add.f32.msk $0xffff, v8  }
0x97: {  	v9 =	vld [tilespmem:s31+$0x15DD0];
	_ =	sdelay $0x4  }
0x98: {  	v8 =	vmax.f32 v9, v8  }
0x99: {  	[tilespmem:s31+$0x15DD0] =	vst v8  }
0x9a: {  	v8 =	vld [tilespmem:s25+$0xDE0];
	_ =	sdelay $0x4  }
0x9b: {  	[tilespmem:s22+$0x1DE0] =	vst.add.f32.msk $0xffff, v8  }
0x9c: {  	v9 =	vld [tilespmem:s31+$0x15DE0];
	_ =	sdelay $0x4  }
0x9d: {  	v8 =	vmax.f32 v9, v8  }
0x9e: {  	[tilespmem:s31+$0x15DE0] =	vst v8  }
0x9f: {  	v8 =	vld [tilespmem:s25+$0xDF0];
	_ =	sdelay $0x4  }
0xa0: {  	[tilespmem:s22+$0x1DF0] =	vst.add.f32.msk $0xffff, v8  }
0xa1: {  	v9 =	vld [tilespmem:s31+$0x15DF0];
	_ =	sdelay $0x4  }
0xa2: {  	v8 =	vmax.f32 v9, v8  }
0xa3: {  	[tilespmem:s31+$0x15DF0] =	vst v8  }
0xa4: {  	v8 =	vld [tilespmem:s25+$0x1180];
	_ =	sdelay $0x4  }
0xa5: {  	[tilespmem:s22+$0x1E00] =	vst.add.f32.msk $0xffff, v8  }
0xa6: {  	v8 =	vld [tilespmem:s25+$0x1190];
	_ =	sdelay $0x4  }
0xa7: {  	[tilespmem:s22+$0x1E10] =	vst.add.f32.msk $0xffff, v8  }
0xa8: {  	v8 =	vld [tilespmem:s25+$0x11A0];
	_ =	sdelay $0x4  }
0xa9: {  	[tilespmem:s22+$0x1E20] =	vst.add.f32.msk $0xffff, v8  }
0xaa: {  	v8 =	vld [tilespmem:s25+$0x11B0];
	_ =	sdelay $0x4  }
0xab: {  	[tilespmem:s22+$0x1E30] =	vst.add.f32.msk $0xffff, v8  }
0xac: {  	v8 =	vld [tilespmem:s25+$0x11C0];
	_ =	sdelay $0x4  }
0xad: {  	[tilespmem:s22+$0x1E40] =	vst.add.f32.msk $0xffff, v8  }
0xae: {  	v8 =	vld [tilespmem:s25+$0x11D0];
	_ =	sdelay $0x4  }
0xaf: {  	[tilespmem:s22+$0x1E50] =	vst.add.f32.msk $0xffff, v8  }
0xb0: {  	v8 =	vld [tilespmem:s25+$0x11E0]  }
0xb1: {  	p0 =	sgt.s32 s20, $0x1;
	s23 =	smov.u32 s20  }
0xb2: {  	s23 =	simm.s32 @!p0 $0x1  }
0xb3: {  	s23 =	smin.u32 s23, $0x10  }
0xb4: {  	s23 =	sshll.u32 s23, $0x8  }
0xb5: {  	p0 =	sne.s32 s23, $0x100;
	[tilespmem:s22+$0x1E60] =	vst.add.f32.msk $0xffff, v8  }
.Ltmp11:
0xb6: {  	v8 =	vld [tilespmem:s25+$0x11F0];
	(pc) =	sbr.rel @!p0 .LBB2_12-.Ltmp11, $2  }
0xb7: {  	_ =	sdelay $0x2  }
0xb8: {  	s26 =	smov.u32 s19;
	s24 =	simm.s32 $0x100;
	s25 =	simm.s32 $0x80  }
.LBB2_11:
0xb9: {  	s28 =	sand.u32 $0xFFFFF800, s24;
	s29 =	sand.u32 $0x380, s25;
	[tilespmem:s22+$0x1E70] =	vst.add.f32.msk $0xffff, v8;
	s26 =	sadd.s32 $0x1, s26  }
0xba: {  	s24 =	sadd.s32 $0x100, s24;
	v8 =	vld [tilespmem:s26+$0x0];
	s28 =	sor.u32 s29, s28  }
0xbb: {  	p0 =	sne.s32 s23, s24;
	v9 =	vld [tilespmem:s28+$0xD80];
	_ =	sdelay $0x3  }
0xbc: {  	(v2sf) =	vpush v8, $0x0;
	_ =	sdelay $0xe  }
0xbd: {  	s22 =	spop (v2sf)  }
0xbe: {  	s29 =	sshll.u32 s22, $0xA;
	s30 =	sshll.u32 s22, $0x9  }
0xbf: {  	s22 =	sshra.s32 s29, $0x2  }
0xc0: {  	s29 =	sshra.s32 s30, $0x2;
	[tilespmem:s22+$0x1D80] =	vst.add.f32.msk $0xffff, v9  }
0xc1: {  	v8 =	vld [tilespmem:s29+$0x15D80];
	_ =	sdelay $0x4  }
0xc2: {  	v8 =	vmax.f32 v8, v9  }
0xc3: {  	[tilespmem:s29+$0x15D80] =	vst v8  }
0xc4: {  	v8 =	vld [tilespmem:s28+$0xD90];
	_ =	sdelay $0x4  }
0xc5: {  	[tilespmem:s22+$0x1D90] =	vst.add.f32.msk $0xffff, v8  }
0xc6: {  	v9 =	vld [tilespmem:s29+$0x15D90];
	_ =	sdelay $0x4  }
0xc7: {  	v8 =	vmax.f32 v9, v8  }
0xc8: {  	[tilespmem:s29+$0x15D90] =	vst v8  }
0xc9: {  	v8 =	vld [tilespmem:s28+$0xDA0];
	_ =	sdelay $0x4  }
0xca: {  	[tilespmem:s22+$0x1DA0] =	vst.add.f32.msk $0xffff, v8  }
0xcb: {  	v9 =	vld [tilespmem:s29+$0x15DA0];
	_ =	sdelay $0x4  }
0xcc: {  	v8 =	vmax.f32 v9, v8  }
0xcd: {  	[tilespmem:s29+$0x15DA0] =	vst v8  }
0xce: {  	v8 =	vld [tilespmem:s28+$0xDB0];
	_ =	sdelay $0x4  }
0xcf: {  	[tilespmem:s22+$0x1DB0] =	vst.add.f32.msk $0xffff, v8  }
0xd0: {  	v9 =	vld [tilespmem:s29+$0x15DB0];
	_ =	sdelay $0x4  }
0xd1: {  	v8 =	vmax.f32 v9, v8  }
0xd2: {  	[tilespmem:s29+$0x15DB0] =	vst v8  }
0xd3: {  	v8 =	vld [tilespmem:s28+$0xDC0];
	_ =	sdelay $0x4  }
0xd4: {  	[tilespmem:s22+$0x1DC0] =	vst.add.f32.msk $0xffff, v8  }
0xd5: {  	v9 =	vld [tilespmem:s29+$0x15DC0];
	_ =	sdelay $0x4  }
0xd6: {  	v8 =	vmax.f32 v9, v8  }
0xd7: {  	[tilespmem:s29+$0x15DC0] =	vst v8  }
0xd8: {  	v8 =	vld [tilespmem:s28+$0xDD0];
	_ =	sdelay $0x4  }
0xd9: {  	[tilespmem:s22+$0x1DD0] =	vst.add.f32.msk $0xffff, v8  }
0xda: {  	v9 =	vld [tilespmem:s29+$0x15DD0];
	_ =	sdelay $0x4  }
0xdb: {  	v8 =	vmax.f32 v9, v8  }
0xdc: {  	[tilespmem:s29+$0x15DD0] =	vst v8  }
0xdd: {  	v8 =	vld [tilespmem:s28+$0xDE0];
	_ =	sdelay $0x4  }
0xde: {  	[tilespmem:s22+$0x1DE0] =	vst.add.f32.msk $0xffff, v8  }
0xdf: {  	v9 =	vld [tilespmem:s29+$0x15DE0];
	_ =	sdelay $0x4  }
0xe0: {  	v8 =	vmax.f32 v9, v8  }
0xe1: {  	[tilespmem:s29+$0x15DE0] =	vst v8  }
0xe2: {  	v8 =	vld [tilespmem:s28+$0xDF0];
	_ =	sdelay $0x4  }
0xe3: {  	[tilespmem:s22+$0x1DF0] =	vst.add.f32.msk $0xffff, v8  }
0xe4: {  	v9 =	vld [tilespmem:s29+$0x15DF0];
	_ =	sdelay $0x4  }
0xe5: {  	v8 =	vmax.f32 v9, v8  }
0xe6: {  	[tilespmem:s29+$0x15DF0] =	vst v8  }
0xe7: {  	v8 =	vld [tilespmem:s28+$0x1180];
	_ =	sdelay $0x4  }
0xe8: {  	[tilespmem:s22+$0x1E00] =	vst.add.f32.msk $0xffff, v8  }
0xe9: {  	v8 =	vld [tilespmem:s28+$0x1190];
	_ =	sdelay $0x4  }
0xea: {  	[tilespmem:s22+$0x1E10] =	vst.add.f32.msk $0xffff, v8  }
0xeb: {  	v8 =	vld [tilespmem:s28+$0x11A0];
	_ =	sdelay $0x4  }
0xec: {  	[tilespmem:s22+$0x1E20] =	vst.add.f32.msk $0xffff, v8  }
0xed: {  	v8 =	vld [tilespmem:s28+$0x11B0];
	_ =	sdelay $0x4  }
0xee: {  	[tilespmem:s22+$0x1E30] =	vst.add.f32.msk $0xffff, v8  }
0xef: {  	v8 =	vld [tilespmem:s28+$0x11C0];
	_ =	sdelay $0x4  }
0xf0: {  	[tilespmem:s22+$0x1E40] =	vst.add.f32.msk $0xffff, v8  }
0xf1: {  	v8 =	vld [tilespmem:s28+$0x11D0];
	_ =	sdelay $0x4  }
0xf2: {  	[tilespmem:s22+$0x1E50] =	vst.add.f32.msk $0xffff, v8  }
0xf3: {  	v8 =	vld [tilespmem:s28+$0x11E0];
	_ =	sdelay $0x4  }
0xf4: {  	[tilespmem:s22+$0x1E60] =	vst.add.f32.msk $0xffff, v8  }
.Ltmp12:
0xf5: {  	v8 =	vld [tilespmem:s28+$0x11F0];
	(pc) =	sbr.rel @p0 .LBB2_11-.Ltmp12, $2  }
0xf6: {  	_ =	sdelay $0x2  }
0xf7: {  	s25 =	sadd.s32 $0x80, s25  }
.Ltmp13:
0xf8: {  	_ = 	snop;
	(pc) =	sbr.rel .LBB2_12-.Ltmp13, $1  }
0xf9: {  	_ =	sdelay $0x3  }
.LBB2_16:
0xfa: {  	_ =	sfence.sel $0x180000  }
0xfb: {  	[bflag:$0x0] =	sbarrier.arrive $0xFFFF  }
0xfc: {  	p0 =	sne.s32 s0, $0x0;
	_ =	strace $0x9000004A  }
0xfd: {  	s0 =	sadd.s32 @!p0 $0x100000, s1;
	[bflag:$0x2] =	sbarrier.arrive $0xFFFF  }
0xfe: {  	[sflag:s0] =	ssyncadd.tile.s32 @!p0 $0x1;
	_ =	shalt  }
.Lfunc_end2:
_tile_overlayer_lowered:
.L_overlay_start_2:
0xff: {  	(tag) =	ssettag $0x2  }
0x100: {  	s0 =	rddreg [dreg:$0x0];
	s2 =	stileid.u32  }
0x101: {  	s1 =	rddreg [dreg:$0x1];
	p0 =	sne.s32 s2, $0x0  }
0x102: {  	s3 =	rddreg [dreg:$0x2];
	[bflag:$0x3] =	sbarrier.arrive $0xFFFF;
	s2 =	simm.s32 @!p0 $0x1C02  }
0x103: {  	[timem:s3], [sflag:s2] =	dma.local @!p0 [hbm:s0], s1  }
0x104: {  	s0 =	simm.s32 @!p0 $0x2  }
0x105: {  	_ =	swait.ge @!p0 [sflag:s0], s1  }
0x106: {  	s1 =	ssub.s32 @!p0 $0x0, s1;
	[sflag:s0] =	ssyncset.done @!p0 $0x0  }
0x107: {  	[sflag:s0] =	ssyncadd.s32 @!p0 s1  }
0x108: {  	[bflag:$0x3] =	sbarrier.arrive $0xFFFF  }
0x109: {  	_ =	shalt  }

</sc_bundles>
